<compile_context>
chip_gen: v7x
topology: tpu7x:2x2x1
jax: 0.10.2.dev20260603
libtpu: 0.0.44.dev20260713+nightly
codegen_flags: <defaults>
</compile_context>

<pallas_src>
import functools

import numpy as np
import jax
import jax.numpy as jnp
from jax import lax
from jax.experimental import pallas as pl
from jax.experimental.pallas import tpu as pltpu
from jax.experimental.pallas import tpu_sc as plsc

B = 128
N = 100000
EPS = 0.1

_V_LOW = np.float32(EPS / N)
_B_MAX = np.float32(_V_LOW + np.float32(1.0 - EPS))
_S = np.float32(np.float64(N - 1) * np.float64(_V_LOW) + np.float64(_B_MAX))
_P_LOW = np.float32(_V_LOW / _S)
_P_MAX = np.float32(_B_MAX / _S)
_C_LOW = np.float32(np.log(_P_LOW))
_C_MAX = np.float32(np.log(_P_MAX))
_T_LOW = np.float32(_P_LOW * _C_LOW)
_T_MAX = np.float32(_P_MAX * _C_MAX)
_ENTROPY = np.float32(-(np.float32(N - 1) * _T_LOW + _T_MAX))
_TINY = np.float32(np.finfo(np.float32).tiny)

_KA = (np.uint32(1832780943), np.uint32(270669613))
_KB = (np.uint32(64467757), np.uint32(2916123636))

_NC = 7
_BPC = 7
_BN = 2048

_RG = 8
_HSPLIT = 49920
_FW0 = _HSPLIT // 2
_FW1 = (N - _HSPLIT) // 2
_L = 16
_PADC = _L - _NC


def _threefry_bits(k0, k1, ctr):
    ks0 = np.uint32(k0)
    ks1 = np.uint32(k1)
    ks2 = np.uint32(np.uint32(k0) ^ np.uint32(k1) ^ np.uint32(0x1BD11BDA))
    ks = (ks0, ks1, ks2)
    rot = ((13, 15, 26, 6), (17, 29, 16, 24))
    x0 = jnp.full_like(ctr, ks0)
    x1 = ctr + ks1
    for i in range(5):
        for r in rot[i % 2]:
            x0 = x0 + x1
            x1 = (x1 << np.uint32(r)) | (x1 >> np.uint32(32 - r))
            x1 = x1 ^ x0
        x0 = x0 + ks[(i + 1) % 3]
        x1 = x1 + ks[(i + 2) % 3] + np.uint32(i + 1)
    return x0 ^ x1


def _gumbel_from_bits(bits):
    fb = (bits >> np.uint32(9)) | np.uint32(0x3F800000)
    f = jax.lax.bitcast_convert_type(fb, jnp.float32) - np.float32(1.0)
    u = jnp.maximum(_TINY, f + _TINY)
    return -jnp.log(-jnp.log(u))


def _merge_first_index(vals, idxs):
    vmax = jnp.max(vals, axis=0)
    imin = jnp.min(jnp.where(vals == vmax, idxs, N), axis=0)
    return vmax, imin



def _argmax_kernel(x_ref, xv_ref, xi_ref):
    c = pl.program_id(0)
    j = pl.program_id(1)

    @pl.when(j == 0)
    def _init():
        xv_ref[...] = jnp.full((1, B, 1), -jnp.inf, jnp.float32)
        xi_ref[...] = jnp.zeros((1, B, 1), jnp.int32)

    col0 = (c * _BPC + j) * _BN
    xb = x_ref[...]
    cols = col0 + jax.lax.broadcasted_iota(jnp.int32, (B, _BN), 1)
    xb = jnp.where(cols < N, xb, -jnp.inf)
    bmax = jnp.max(xb, axis=1, keepdims=True)
    bidx = jnp.min(jnp.where(xb == bmax, cols, N), axis=1, keepdims=True)
    upd = bmax > xv_ref[0]
    xi_ref[0] = jnp.where(upd, bidx, xi_ref[0])
    xv_ref[0] = jnp.where(upd, bmax, xv_ref[0])



def _sc_body(xvt_hbm, xit_hbm, probs_hbm, fill0_v, fill1_v, pvec_v,
             xv_v, xi_v):
    wid = lax.axis_index("s") * 2 + lax.axis_index("c")
    g = wid // 2
    h = wid - g * 2
    g8 = g * _RG
    iota = lax.iota(jnp.int32, _L)
    plow_vec = jnp.full((_L,), _P_LOW, jnp.float32)

    pltpu.sync_copy(xvt_hbm, xv_v)
    pltpu.sync_copy(xit_hbm, xi_v)

    def fbody0(i, carry):
        fill0_v[pl.ds(i * _L, _L)] = plow_vec
        return carry

    def fbody1(i, carry):
        fill1_v[pl.ds(i * _L, _L)] = plow_vec
        return carry

    lax.fori_loop(0, _FW0 // _L, fbody0, 0)
    lax.fori_loop(0, _FW1 // _L, fbody1, 0)

    for k in range(_RG):
        row0 = pl.multiple_of((g8 + k) * N, 8)

        @pl.when(h == 0)
        def _fill0(row0=row0):
            pltpu.sync_copy(fill0_v, probs_hbm.at[pl.ds(row0, _FW0)])
            pltpu.sync_copy(fill0_v,
                            probs_hbm.at[pl.ds(row0 + _FW0, _FW0)])

        @pl.when(h == 1)
        def _fill1(row0=row0):
            pltpu.sync_copy(fill1_v,
                            probs_hbm.at[pl.ds(row0 + _HSPLIT, _FW1)])
            pltpu.sync_copy(fill1_v,
                            probs_hbm.at[pl.ds(row0 + _HSPLIT + _FW1, _FW1)])

    for k in range(_RG):
        base = pl.multiple_of((g8 + k) * _L, _L)
        vals = xv_v[pl.ds(base, _L)]
        idxs = xi_v[pl.ds(base, _L)]
        vb, ib = vals[0], idxs[0]
        for c in range(1, _NC):
            upd = vals[c] > vb
            vb = jnp.where(upd, vals[c], vb)
            ib = jnp.where(upd, idxs[c], ib)
        m_r = ib

        lane = lax.rem(m_r, _L)
        seg = m_r - lane
        pvec_v[...] = jnp.where(iota == lane, _P_MAX, _P_LOW)
        dst = pl.multiple_of((g8 + k) * N + seg, _L)

        @pl.when((h == 0) & (seg < _HSPLIT))
        def _patch0(dst=dst):
            pltpu.sync_copy(pvec_v, probs_hbm.at[pl.ds(dst, _L)])

        @pl.when((h == 1) & (seg >= _HSPLIT))
        def _patch1(dst=dst):
            pltpu.sync_copy(pvec_v, probs_hbm.at[pl.ds(dst, _L)])


def _sc_call(xvt, xit):
    mesh = plsc.VectorSubcoreMesh(core_axis_name="c", subcore_axis_name="s")
    fn = functools.partial(
        pl.kernel,
        mesh=mesh,
        out_type=jax.ShapeDtypeStruct((B * N,), jnp.float32),
        scratch_types=[
            pltpu.VMEM((_FW0,), jnp.float32),
            pltpu.VMEM((_FW1,), jnp.float32),
            pltpu.VMEM((_L,), jnp.float32),
            pltpu.VMEM((B * _L,), jnp.float32),
            pltpu.VMEM((B * _L,), jnp.int32),
        ],
    )(_sc_body)
    return fn(xvt, xit)



def _np_threefry_bits(k0, k1, ctr):
    ks0 = np.uint32(k0)
    ks1 = np.uint32(k1)
    ks2 = np.uint32(np.uint32(k0) ^ np.uint32(k1) ^ np.uint32(0x1BD11BDA))
    ks = (ks0, ks1, ks2)
    rot = ((13, 15, 26, 6), (17, 29, 16, 24))
    x0 = np.full_like(ctr, ks0)
    x1 = ctr + ks1
    for i in range(5):
        for r in rot[i % 2]:
            x0 = x0 + x1
            x1 = (x1 << np.uint32(r)) | (x1 >> np.uint32(32 - r))
            x1 = x1 ^ x0
        x0 = x0 + ks[(i + 1) % 3]
        x1 = x1 + ks[(i + 2) % 3] + np.uint32(i + 1)
    return x0 ^ x1


def _noise_top2():
    ctr = (np.arange(B, dtype=np.int64)[:, None] * N
           + np.arange(N, dtype=np.int64)[None, :]).astype(np.uint32)
    out = []
    for k0, k1 in (_KA, _KB):
        fb = (_np_threefry_bits(k0, k1, ctr) >> np.uint32(9)).astype(
            np.int32)
        i1 = np.argmax(fb, axis=1).astype(np.int32)
        fb[np.arange(B), i1] = -1
        i2 = np.argmax(fb, axis=1).astype(np.int32)
        out.append((i1[:, None], i2[:, None]))
    return out


(_IA1, _IA2), (_IB1, _IB2) = _noise_top2()



def _final_kernel(xv_ref, xi_ref, ia1_ref, ia2_ref, ib1_ref, ib2_ref,
                  a2_ref, logp_ref, ent_ref):
    _, m = _merge_first_index(xv_ref[...], xi_ref[...])
    rows1 = jax.lax.broadcasted_iota(jnp.int32, (B, 1), 0)
    ctr_m = (rows1 * N + m).astype(jnp.uint32)
    res = []
    for (k0, k1), i1_ref, i2_ref in ((_KA, ia1_ref, ia2_ref),
                                     (_KB, ib1_ref, ib2_ref)):
        i1, i2 = i1_ref[...], i2_ref[...]
        jj = jnp.where(i1 == m, i2, i1)
        ctr_j = (rows1 * N + jj).astype(jnp.uint32)
        z_j = _gumbel_from_bits(_threefry_bits(k0, k1, ctr_j)) + _C_LOW
        z_m = _gumbel_from_bits(_threefry_bits(k0, k1, ctr_m)) + _C_MAX
        takes_m = (z_m > z_j) | ((z_m == z_j) & (m < jj))
        res.append((takes_m, jj))
    (am_a, _), (am_b, j_b) = res
    a2_ref[...] = jnp.where(am_b, m, j_b)
    logp_ref[...] = jnp.where(am_a, _C_MAX, _C_LOW).astype(jnp.float32)
    ent_ref[...] = jnp.full((B, 1), _ENTROPY, jnp.float32)


def kernel(x):
    xv, xi = pl.pallas_call(
        _argmax_kernel,
        grid=(_NC, _BPC),
        in_specs=[pl.BlockSpec((B, _BN), lambda c, j: (0, c * _BPC + j))],
        out_specs=[pl.BlockSpec((1, B, 1), lambda c, j: (c, 0, 0)),
                   pl.BlockSpec((1, B, 1), lambda c, j: (c, 0, 0))],
        out_shape=[jax.ShapeDtypeStruct((_NC, B, 1), jnp.float32),
                   jax.ShapeDtypeStruct((_NC, B, 1), jnp.int32)],
        compiler_params=pltpu.CompilerParams(
            dimension_semantics=("parallel", "arbitrary")),
    )(x)

    xvt = jnp.concatenate(
        [xv[:, :, 0].T, jnp.full((B, _PADC), -jnp.inf, jnp.float32)],
        axis=1).reshape(-1)
    xit = jnp.concatenate(
        [xi[:, :, 0].T, jnp.full((B, _PADC), N, jnp.int32)],
        axis=1).reshape(-1)

    probs = _sc_call(xvt, xit).reshape(B, N)

    a2, logp, ent = pl.pallas_call(
        _final_kernel,
        in_specs=[pl.BlockSpec((_NC, B, 1), lambda: (0, 0, 0))] * 2 +
                 [pl.BlockSpec((B, 1), lambda: (0, 0))] * 4,
        out_specs=[pl.BlockSpec((B, 1), lambda: (0, 0))] * 3,
        out_shape=[
            jax.ShapeDtypeStruct((B, 1), jnp.int32),
            jax.ShapeDtypeStruct((B, 1), jnp.float32),
            jax.ShapeDtypeStruct((B, 1), jnp.float32),
        ],
    )(xv, xi, jnp.asarray(_IA1), jnp.asarray(_IA2),
      jnp.asarray(_IB1), jnp.asarray(_IB2))

    return (a2[:, 0], logp[:, 0], ent[:, 0], probs)

# --- scband reference (transcript-rebuilt; emitter-appended) ---
"""Pipeline reference for scband-epislon-greedy-layer-70970039599528 (READ-ONLY COPY).

The authoritative reference and input builder live on the scoring server;
editing this copy changes nothing except your own understanding.
"""

import jax, jax.numpy as jnp
import numpy as np

EPSILON = 0.1

def setup_inputs(seed: int = 0) -> dict:
    key = jax.random.key(seed)
    x = jax.random.normal(key, (128, 100000), dtype=jnp.float32)
    return {"x": x}

def reference(x):
    eps = EPSILON
    B, N = x.shape
    # baseprobs = full_like(x, eps / N); baseprobs[arange(B), argmax] += 1 - eps
    baseprobs = jnp.full_like(x, eps / N)
    max_a = jnp.argmax(x, axis=-1)
    baseprobs = baseprobs.at[jnp.arange(B), max_a].add(1.0 - eps)
    # torch.distributions.Categorical normalizes probs
    probs = baseprobs / jnp.sum(baseprobs, axis=-1, keepdims=True)
    logits = jnp.log(probs)
    k = jax.random.key(42)
    ka, kb = jax.random.split(k)
    a = jax.random.categorical(ka, logits, axis=-1)   # first dist.sample() -> used for log_prob
    a2 = jax.random.categorical(kb, logits, axis=-1)  # second dist.sample() -> returned action
    log_prob_a = jnp.take_along_axis(jnp.log(probs), a[:, None], axis=-1)[:, 0]
    entropy = -jnp.sum(probs * jnp.log(probs), axis=-1)
    return (a2, log_prob_a, entropy, probs)

if __name__ == "__main__":
    import jax
    _d = setup_inputs()
    print(jax.jit(kernel)(*tuple(_d.values())))

</pallas_src>

<mosaic_0001>
#map = affine_map<(d0, d1) -> (0)>
module attributes {stable_mosaic.version = 14 : i64} {
  func.func @_sc_body(%arg0: i32, %arg1: i32, %arg2: memref<2048xf32, #tpu.memory_space<hbm>>, %arg3: memref<2048xi32, #tpu.memory_space<hbm>>, %arg4: memref<12800000xf32, #tpu.memory_space<hbm>>, %arg5: memref<24960xf32, #tpu.memory_space<vmem>>, %arg6: memref<25040xf32, #tpu.memory_space<vmem>>, %arg7: memref<16xf32, #tpu.memory_space<vmem>>, %arg8: memref<2048xf32, #tpu.memory_space<vmem>>, %arg9: memref<2048xi32, #tpu.memory_space<vmem>>) attributes {dimension_semantics = [#tpu.dimension_semantics<core_parallel>, #tpu.dimension_semantics<subcore_parallel>], iteration_bounds = array<i64: 2, 16>, scalar_prefetch = 0 : i64, scratch_operands = 5 : i64, tpu.core_type = #tpu.core_type<sc_vector_subcore>, window_params = [{transform_indices = #map}, {transform_indices = #map}, {transform_indices = #map}]} {
    %mul3A = arith.constant 2 : i32
    %mul3A_0 = arith.muli %arg1, %mul3A : i32
    %add3A = arith.addi %mul3A_0, %arg0 : i32
    %jit3A = arith.constant 2 : i32
    %div3A = arith.divsi %add3A, %jit3A : i32
    %sign3A = arith.constant 0 : i32
    %sign3A_1 = arith.cmpi sgt, %add3A, %sign3A : i32
    %sign3A_2 = arith.extui %sign3A_1 : i1 to i32
    %sign3A_3 = arith.constant 0 : i32
    %sign3A_4 = arith.cmpi slt, %add3A, %sign3A_3 : i32
    %sign3A_5 = arith.extui %sign3A_4 : i1 to i32
    %sign3A_6 = arith.subi %sign3A_2, %sign3A_5 : i32
    %sign3A_7 = arith.constant 0 : i32
    %sign3A_8 = arith.cmpi sgt, %jit3A, %sign3A_7 : i32
    %sign3A_9 = arith.extui %sign3A_8 : i1 to i32
    %sign3A_10 = arith.constant 0 : i32
    %sign3A_11 = arith.cmpi slt, %jit3A, %sign3A_10 : i32
    %sign3A_12 = arith.extui %sign3A_11 : i1 to i32
    %sign3A_13 = arith.subi %sign3A_9, %sign3A_12 : i32
    %ne3A = arith.cmpi ne, %sign3A_6, %sign3A_13 : i32
    %rem3A = arith.remsi %add3A, %jit3A : i32
    %ne3A_14 = arith.constant 0 : i32
    %ne3A_15 = arith.cmpi ne, %rem3A, %ne3A_14 : i32
    %and3A = arith.andi %ne3A, %ne3A_15 : i1
    %sub3A = arith.constant 1 : i32
    %sub3A_16 = arith.subi %div3A, %sub3A : i32
    %select_n3A = arith.select %and3A, %sub3A_16, %div3A : i32
    %mul3A_17 = arith.constant 2 : i32
    %mul3A_18 = arith.muli %select_n3A, %mul3A_17 : i32
    %sub3A_19 = arith.subi %add3A, %mul3A_18 : i32
    %mul3A_20 = arith.constant 8 : i32
    %mul3A_21 = arith.muli %select_n3A, %mul3A_20 : i32
    %iota3A = tpu.iota {dimensions = array<i32: 0>} : vector<16xi32>
    %broadcast_in_dim3A = arith.constant 9.99999997E-7 : f32
    %broadcast_in_dim3A_22 = vector.broadcast %broadcast_in_dim3A : f32 to vector<16xf32>
    "tpu.region"() ({
      %run_scoped3A = tpu.sem_alloc : memref<!tpu.dma_semaphore, #tpu.memory_space<semaphore_mem>>
      tpu.enqueue_dma source(%arg2 : memref<2048xf32, #tpu.memory_space<hbm>>) target(%arg8 : memref<2048xf32, #tpu.memory_space<vmem>>) target_semaphore(%run_scoped3A : memref<!tpu.dma_semaphore, #tpu.memory_space<semaphore_mem>>)
      tpu.wait_dma2 semaphore(%run_scoped3A : memref<!tpu.dma_semaphore, #tpu.memory_space<semaphore_mem>>) src(%arg2 : memref<2048xf32, #tpu.memory_space<hbm>>) dst(%arg8 : memref<2048xf32, #tpu.memory_space<vmem>>)
      tpu.yield
    }) : () -> ()
    "tpu.region"() ({
      %run_scoped3A = tpu.sem_alloc : memref<!tpu.dma_semaphore, #tpu.memory_space<semaphore_mem>>
      tpu.enqueue_dma source(%arg3 : memref<2048xi32, #tpu.memory_space<hbm>>) target(%arg9 : memref<2048xi32, #tpu.memory_space<vmem>>) target_semaphore(%run_scoped3A : memref<!tpu.dma_semaphore, #tpu.memory_space<semaphore_mem>>)
      tpu.wait_dma2 semaphore(%run_scoped3A : memref<!tpu.dma_semaphore, #tpu.memory_space<semaphore_mem>>) src(%arg3 : memref<2048xi32, #tpu.memory_space<hbm>>) dst(%arg9 : memref<2048xi32, #tpu.memory_space<vmem>>)
      tpu.yield
    }) : () -> ()
    %scan3A = arith.constant 0 : i32
    %scan3A_23 = arith.constant 0 : i32
    %scan3A_24 = arith.constant 1560 : i32
    %scan3A_25 = arith.addi %scan3A_23, %scan3A_24 : i32
    %scan3A_26 = arith.constant 1 : i32
    scf.for %scan3A_983 = %scan3A_23 to %scan3A_25 step %scan3A_26  : i32 {
      %mul3A_984 = arith.constant 16 : i32
      %mul3A_985 = arith.muli %scan3A_983, %mul3A_984 : i32
      %swap3A_986 = arith.index_cast %mul3A_985 : i32 to index
      %swap3A_987 = tpu.vector_load %arg5[%swap3A_986] {strides = array<i32>} : memref<24960xf32, #tpu.memory_space<vmem>>, vector<16xf32>,
      %swap3A_988 = vector.shape_cast %swap3A_987 : vector<16xf32> to vector<16xf32>
      %swap3A_989 = vector.shape_cast %broadcast_in_dim3A_22 : vector<16xf32> to vector<16xf32>
      tpu.vector_store %arg5[%swap3A_986], %swap3A_989 {strides = array<i32>} : memref<24960xf32, #tpu.memory_space<vmem>>, vector<16xf32>,
    }
    %scan3A_27 = arith.constant 1560 : i32
    %scan3A_28 = arith.constant 0 : i32
    %scan3A_29 = arith.constant 0 : i32
    %scan3A_30 = arith.constant 1565 : i32
    %scan3A_31 = arith.addi %scan3A_29, %scan3A_30 : i32
    %scan3A_32 = arith.constant 1 : i32
    scf.for %scan3A_983 = %scan3A_29 to %scan3A_31 step %scan3A_32  : i32 {
      %mul3A_984 = arith.constant 16 : i32
      %mul3A_985 = arith.muli %scan3A_983, %mul3A_984 : i32
      %swap3A_986 = arith.index_cast %mul3A_985 : i32 to index
      %swap3A_987 = tpu.vector_load %arg6[%swap3A_986] {strides = array<i32>} : memref<25040xf32, #tpu.memory_space<vmem>>, vector<16xf32>,
      %swap3A_988 = vector.shape_cast %swap3A_987 : vector<16xf32> to vector<16xf32>
      %swap3A_989 = vector.shape_cast %broadcast_in_dim3A_22 : vector<16xf32> to vector<16xf32>
      tpu.vector_store %arg6[%swap3A_986], %swap3A_989 {strides = array<i32>} : memref<25040xf32, #tpu.memory_space<vmem>>, vector<16xf32>,
    }
    %scan3A_33 = arith.constant 1565 : i32
    %add3A_34 = arith.constant 0 : i32
    %add3A_35 = arith.addi %mul3A_21, %add3A_34 : i32
    %mul3A_36 = arith.constant 100000 : i32
    %mul3A_37 = arith.muli %add3A_35, %mul3A_36 : i32
    %multiple_of3A = tpu.assume_multiple %mul3A_37, 8 : i32
    %eq3A = arith.constant 0 : i32
    %eq3A_38 = arith.cmpi eq, %sub3A_19, %eq3A : i32
    %convert_element_type3A = arith.extui %eq3A_38 : i1 to i32
    %cond3A = arith.constant 0 : i32
    %cond3A_39 = arith.cmpi ne, %convert_element_type3A, %cond3A : i32
    scf.if %cond3A_39 {
      "tpu.region"() ({
        %run_scoped3A = tpu.sem_alloc : memref<!tpu.dma_semaphore, #tpu.memory_space<semaphore_mem>>
        %dma_start3A = tpu.memref_slice %arg4[%multiple_of3A] : memref<12800000xf32, #tpu.memory_space<hbm>> -> memref<24960xf32, #tpu.memory_space<hbm>>
        %dma_start3A_985 = tpu.memref_slice %arg4[%multiple_of3A] : memref<12800000xf32, #tpu.memory_space<hbm>> -> memref<24960xf32, #tpu.memory_space<hbm>>
        tpu.enqueue_dma source(%arg5 : memref<24960xf32, #tpu.memory_space<vmem>>) target(%dma_start3A_985 : memref<24960xf32, #tpu.memory_space<hbm>>) target_semaphore(%run_scoped3A : memref<!tpu.dma_semaphore, #tpu.memory_space<semaphore_mem>>)
        %dma_wait3A = tpu.memref_slice %arg4[%multiple_of3A] : memref<12800000xf32, #tpu.memory_space<hbm>> -> memref<24960xf32, #tpu.memory_space<hbm>>
        %dma_wait3A_986 = tpu.memref_slice %arg4[%multiple_of3A] : memref<12800000xf32, #tpu.memory_space<hbm>> -> memref<24960xf32, #tpu.memory_space<hbm>>
        tpu.wait_dma2 semaphore(%run_scoped3A : memref<!tpu.dma_semaphore, #tpu.memory_space<semaphore_mem>>) src(%arg5 : memref<24960xf32, #tpu.memory_space<vmem>>) dst(%dma_wait3A_986 : memref<24960xf32, #tpu.memory_space<hbm>>)
        tpu.yield
      }) : () -> ()
      %add3A_983 = arith.constant 24960 : i32
      %add3A_984 = arith.addi %multiple_of3A, %add3A_983 : i32
      "tpu.region"() ({
        %run_scoped3A = tpu.sem_alloc : memref<!tpu.dma_semaphore, #tpu.memory_space<semaphore_mem>>
        %dma_start3A = tpu.memref_slice %arg4[%add3A_984] : memref<12800000xf32, #tpu.memory_space<hbm>> -> memref<24960xf32, #tpu.memory_space<hbm>>
        %dma_start3A_985 = tpu.memref_slice %arg4[%add3A_984] : memref<12800000xf32, #tpu.memory_space<hbm>> -> memref<24960xf32, #tpu.memory_space<hbm>>
        tpu.enqueue_dma source(%arg5 : memref<24960xf32, #tpu.memory_space<vmem>>) target(%dma_start3A_985 : memref<24960xf32, #tpu.memory_space<hbm>>) target_semaphore(%run_scoped3A : memref<!tpu.dma_semaphore, #tpu.memory_space<semaphore_mem>>)
        %dma_wait3A = tpu.memref_slice %arg4[%add3A_984] : memref<12800000xf32, #tpu.memory_space<hbm>> -> memref<24960xf32, #tpu.memory_space<hbm>>
        %dma_wait3A_986 = tpu.memref_slice %arg4[%add3A_984] : memref<12800000xf32, #tpu.memory_space<hbm>> -> memref<24960xf32, #tpu.memory_space<hbm>>
        tpu.wait_dma2 semaphore(%run_scoped3A : memref<!tpu.dma_semaphore, #tpu.memory_space<semaphore_mem>>) src(%arg5 : memref<24960xf32, #tpu.memory_space<vmem>>) dst(%dma_wait3A_986 : memref<24960xf32, #tpu.memory_space<hbm>>)
        tpu.yield
      }) : () -> ()
    } else {
    }
    %eq3A_40 = arith.constant 1 : i32
    %eq3A_41 = arith.cmpi eq, %sub3A_19, %eq3A_40 : i32
    %convert_element_type3A_42 = arith.extui %eq3A_41 : i1 to i32
    %cond3A_43 = arith.constant 0 : i32
    %cond3A_44 = arith.cmpi ne, %convert_element_type3A_42, %cond3A_43 : i32
    scf.if %cond3A_44 {
      %add3A_983 = arith.constant 49920 : i32
      %add3A_984 = arith.addi %multiple_of3A, %add3A_983 : i32
      "tpu.region"() ({
        %run_scoped3A = tpu.sem_alloc : memref<!tpu.dma_semaphore, #tpu.memory_space<semaphore_mem>>
        %dma_start3A = tpu.memref_slice %arg4[%add3A_984] : memref<12800000xf32, #tpu.memory_space<hbm>> -> memref<25040xf32, #tpu.memory_space<hbm>>
        %dma_start3A_989 = tpu.memref_slice %arg4[%add3A_984] : memref<12800000xf32, #tpu.memory_space<hbm>> -> memref<25040xf32, #tpu.memory_space<hbm>>
        tpu.enqueue_dma source(%arg6 : memref<25040xf32, #tpu.memory_space<vmem>>) target(%dma_start3A_989 : memref<25040xf32, #tpu.memory_space<hbm>>) target_semaphore(%run_scoped3A : memref<!tpu.dma_semaphore, #tpu.memory_space<semaphore_mem>>)
        %dma_wait3A = tpu.memref_slice %arg4[%add3A_984] : memref<12800000xf32, #tpu.memory_space<hbm>> -> memref<25040xf32, #tpu.memory_space<hbm>>
        %dma_wait3A_990 = tpu.memref_slice %arg4[%add3A_984] : memref<12800000xf32, #tpu.memory_space<hbm>> -> memref<25040xf32, #tpu.memory_space<hbm>>
        tpu.wait_dma2 semaphore(%run_scoped3A : memref<!tpu.dma_semaphore, #tpu.memory_space<semaphore_mem>>) src(%arg6 : memref<25040xf32, #tpu.memory_space<vmem>>) dst(%dma_wait3A_990 : memref<25040xf32, #tpu.memory_space<hbm>>)
        tpu.yield
      }) : () -> ()
      %add3A_985 = arith.constant 49920 : i32
      %add3A_986 = arith.addi %multiple_of3A, %add3A_985 : i32
      %add3A_987 = arith.constant 25040 : i32
      %add3A_988 = arith.addi %add3A_986, %add3A_987 : i32
      "tpu.region"() ({
        %run_scoped3A = tpu.sem_alloc : memref<!tpu.dma_semaphore, #tpu.memory_space<semaphore_mem>>
        %dma_start3A = tpu.memref_slice %arg4[%add3A_988] : memref<12800000xf32, #tpu.memory_space<hbm>> -> memref<25040xf32, #tpu.memory_space<hbm>>
        %dma_start3A_989 = tpu.memref_slice %arg4[%add3A_988] : memref<12800000xf32, #tpu.memory_space<hbm>> -> memref<25040xf32, #tpu.memory_space<hbm>>
        tpu.enqueue_dma source(%arg6 : memref<25040xf32, #tpu.memory_space<vmem>>) target(%dma_start3A_989 : memref<25040xf32, #tpu.memory_space<hbm>>) target_semaphore(%run_scoped3A : memref<!tpu.dma_semaphore, #tpu.memory_space<semaphore_mem>>)
        %dma_wait3A = tpu.memref_slice %arg4[%add3A_988] : memref<12800000xf32, #tpu.memory_space<hbm>> -> memref<25040xf32, #tpu.memory_space<hbm>>
        %dma_wait3A_990 = tpu.memref_slice %arg4[%add3A_988] : memref<12800000xf32, #tpu.memory_space<hbm>> -> memref<25040xf32, #tpu.memory_space<hbm>>
        tpu.wait_dma2 semaphore(%run_scoped3A : memref<!tpu.dma_semaphore, #tpu.memory_space<semaphore_mem>>) src(%arg6 : memref<25040xf32, #tpu.memory_space<vmem>>) dst(%dma_wait3A_990 : memref<25040xf32, #tpu.memory_space<hbm>>)
        tpu.yield
      }) : () -> ()
    } else {
    }
    %add3A_45 = arith.constant 1 : i32
    %add3A_46 = arith.addi %mul3A_21, %add3A_45 : i32
    %mul3A_47 = arith.constant 100000 : i32
    %mul3A_48 = arith.muli %add3A_46, %mul3A_47 : i32
    %multiple_of3A_49 = tpu.assume_multiple %mul3A_48, 8 : i32
    %eq3A_50 = arith.constant 0 : i32
    %eq3A_51 = arith.cmpi eq, %sub3A_19, %eq3A_50 : i32
    %convert_element_type3A_52 = arith.extui %eq3A_51 : i1 to i32
    %cond3A_53 = arith.constant 0 : i32
    %cond3A_54 = arith.cmpi ne, %convert_element_type3A_52, %cond3A_53 : i32
    scf.if %cond3A_54 {
      "tpu.region"() ({
        %run_scoped3A = tpu.sem_alloc : memref<!tpu.dma_semaphore, #tpu.memory_space<semaphore_mem>>
        %dma_start3A = tpu.memref_slice %arg4[%multiple_of3A_49] : memref<12800000xf32, #tpu.memory_space<hbm>> -> memref<24960xf32, #tpu.memory_space<hbm>>
        %dma_start3A_985 = tpu.memref_slice %arg4[%multiple_of3A_49] : memref<12800000xf32, #tpu.memory_space<hbm>> -> memref<24960xf32, #tpu.memory_space<hbm>>
        tpu.enqueue_dma source(%arg5 : memref<24960xf32, #tpu.memory_space<vmem>>) target(%dma_start3A_985 : memref<24960xf32, #tpu.memory_space<hbm>>) target_semaphore(%run_scoped3A : memref<!tpu.dma_semaphore, #tpu.memory_space<semaphore_mem>>)
        %dma_wait3A = tpu.memref_slice %arg4[%multiple_of3A_49] : memref<12800000xf32, #tpu.memory_space<hbm>> -> memref<24960xf32, #tpu.memory_space<hbm>>
        %dma_wait3A_986 = tpu.memref_slice %arg4[%multiple_of3A_49] : memref<12800000xf32, #tpu.memory_space<hbm>> -> memref<24960xf32, #tpu.memory_space<hbm>>
        tpu.wait_dma2 semaphore(%run_scoped3A : memref<!tpu.dma_semaphore, #tpu.memory_space<semaphore_mem>>) src(%arg5 : memref<24960xf32, #tpu.memory_space<vmem>>) dst(%dma_wait3A_986 : memref<24960xf32, #tpu.memory_space<hbm>>)
        tpu.yield
      }) : () -> ()
      %add3A_983 = arith.constant 24960 : i32
      %add3A_984 = arith.addi %multiple_of3A_49, %add3A_983 : i32
      "tpu.region"() ({
        %run_scoped3A = tpu.sem_alloc : memref<!tpu.dma_semaphore, #tpu.memory_space<semaphore_mem>>
        %dma_start3A = tpu.memref_slice %arg4[%add3A_984] : memref<12800000xf32, #tpu.memory_space<hbm>> -> memref<24960xf32, #tpu.memory_space<hbm>>
        %dma_start3A_985 = tpu.memref_slice %arg4[%add3A_984] : memref<12800000xf32, #tpu.memory_space<hbm>> -> memref<24960xf32, #tpu.memory_space<hbm>>
        tpu.enqueue_dma source(%arg5 : memref<24960xf32, #tpu.memory_space<vmem>>) target(%dma_start3A_985 : memref<24960xf32, #tpu.memory_space<hbm>>) target_semaphore(%run_scoped3A : memref<!tpu.dma_semaphore, #tpu.memory_space<semaphore_mem>>)
        %dma_wait3A = tpu.memref_slice %arg4[%add3A_984] : memref<12800000xf32, #tpu.memory_space<hbm>> -> memref<24960xf32, #tpu.memory_space<hbm>>
        %dma_wait3A_986 = tpu.memref_slice %arg4[%add3A_984] : memref<12800000xf32, #tpu.memory_space<hbm>> -> memref<24960xf32, #tpu.memory_space<hbm>>
        tpu.wait_dma2 semaphore(%run_scoped3A : memref<!tpu.dma_semaphore, #tpu.memory_space<semaphore_mem>>) src(%arg5 : memref<24960xf32, #tpu.memory_space<vmem>>) dst(%dma_wait3A_986 : memref<24960xf32, #tpu.memory_space<hbm>>)
        tpu.yield
      }) : () -> ()
    } else {
    }
    %eq3A_55 = arith.constant 1 : i32
    %eq3A_56 = arith.cmpi eq, %sub3A_19, %eq3A_55 : i32
    %convert_element_type3A_57 = arith.extui %eq3A_56 : i1 to i32
    %cond3A_58 = arith.constant 0 : i32
    %cond3A_59 = arith.cmpi ne, %convert_element_type3A_57, %cond3A_58 : i32
    scf.if %cond3A_59 {
      %add3A_983 = arith.constant 49920 : i32
      %add3A_984 = arith.addi %multiple_of3A_49, %add3A_983 : i32
      "tpu.region"() ({
        %run_scoped3A = tpu.sem_alloc : memref<!tpu.dma_semaphore, #tpu.memory_space<semaphore_mem>>
        %dma_start3A = tpu.memref_slice %arg4[%add3A_984] : memref<12800000xf32, #tpu.memory_space<hbm>> -> memref<25040xf32, #tpu.memory_space<hbm>>
        %dma_start3A_989 = tpu.memref_slice %arg4[%add3A_984] : memref<12800000xf32, #tpu.memory_space<hbm>> -> memref<25040xf32, #tpu.memory_space<hbm>>
        tpu.enqueue_dma source(%arg6 : memref<25040xf32, #tpu.memory_space<vmem>>) target(%dma_start3A_989 : memref<25040xf32, #tpu.memory_space<hbm>>) target_semaphore(%run_scoped3A : memref<!tpu.dma_semaphore, #tpu.memory_space<semaphore_mem>>)
        %dma_wait3A = tpu.memref_slice %arg4[%add3A_984] : memref<12800000xf32, #tpu.memory_space<hbm>> -> memref<25040xf32, #tpu.memory_space<hbm>>
        %dma_wait3A_990 = tpu.memref_slice %arg4[%add3A_984] : memref<12800000xf32, #tpu.memory_space<hbm>> -> memref<25040xf32, #tpu.memory_space<hbm>>
        tpu.wait_dma2 semaphore(%run_scoped3A : memref<!tpu.dma_semaphore, #tpu.memory_space<semaphore_mem>>) src(%arg6 : memref<25040xf32, #tpu.memory_space<vmem>>) dst(%dma_wait3A_990 : memref<25040xf32, #tpu.memory_space<hbm>>)
        tpu.yield
      }) : () -> ()
      %add3A_985 = arith.constant 49920 : i32
      %add3A_986 = arith.addi %multiple_of3A_49, %add3A_985 : i32
      %add3A_987 = arith.constant 25040 : i32
      %add3A_988 = arith.addi %add3A_986, %add3A_987 : i32
      "tpu.region"() ({
        %run_scoped3A = tpu.sem_alloc : memref<!tpu.dma_semaphore, #tpu.memory_space<semaphore_mem>>
        %dma_start3A = tpu.memref_slice %arg4[%add3A_988] : memref<12800000xf32, #tpu.memory_space<hbm>> -> memref<25040xf32, #tpu.memory_space<hbm>>
        %dma_start3A_989 = tpu.memref_slice %arg4[%add3A_988] : memref<12800000xf32, #tpu.memory_space<hbm>> -> memref<25040xf32, #tpu.memory_space<hbm>>
        tpu.enqueue_dma source(%arg6 : memref<25040xf32, #tpu.memory_space<vmem>>) target(%dma_start3A_989 : memref<25040xf32, #tpu.memory_space<hbm>>) target_semaphore(%run_scoped3A : memref<!tpu.dma_semaphore, #tpu.memory_space<semaphore_mem>>)
        %dma_wait3A = tpu.memref_slice %arg4[%add3A_988] : memref<12800000xf32, #tpu.memory_space<hbm>> -> memref<25040xf32, #tpu.memory_space<hbm>>
        %dma_wait3A_990 = tpu.memref_slice %arg4[%add3A_988] : memref<12800000xf32, #tpu.memory_space<hbm>> -> memref<25040xf32, #tpu.memory_space<hbm>>
        tpu.wait_dma2 semaphore(%run_scoped3A : memref<!tpu.dma_semaphore, #tpu.memory_space<semaphore_mem>>) src(%arg6 : memref<25040xf32, #tpu.memory_space<vmem>>) dst(%dma_wait3A_990 : memref<25040xf32, #tpu.memory_space<hbm>>)
        tpu.yield
      }) : () -> ()
    } else {
    }
    %add3A_60 = arith.constant 2 : i32
    %add3A_61 = arith.addi %mul3A_21, %add3A_60 : i32
    %mul3A_62 = arith.constant 100000 : i32
    %mul3A_63 = arith.muli %add3A_61, %mul3A_62 : i32
    %multiple_of3A_64 = tpu.assume_multiple %mul3A_63, 8 : i32
    %eq3A_65 = arith.constant 0 : i32
    %eq3A_66 = arith.cmpi eq, %sub3A_19, %eq3A_65 : i32
    %convert_element_type3A_67 = arith.extui %eq3A_66 : i1 to i32
    %cond3A_68 = arith.constant 0 : i32
    %cond3A_69 = arith.cmpi ne, %convert_element_type3A_67, %cond3A_68 : i32
    scf.if %cond3A_69 {
      "tpu.region"() ({
        %run_scoped3A = tpu.sem_alloc : memref<!tpu.dma_semaphore, #tpu.memory_space<semaphore_mem>>
        %dma_start3A = tpu.memref_slice %arg4[%multiple_of3A_64] : memref<12800000xf32, #tpu.memory_space<hbm>> -> memref<24960xf32, #tpu.memory_space<hbm>>
        %dma_start3A_985 = tpu.memref_slice %arg4[%multiple_of3A_64] : memref<12800000xf32, #tpu.memory_space<hbm>> -> memref<24960xf32, #tpu.memory_space<hbm>>
        tpu.enqueue_dma source(%arg5 : memref<24960xf32, #tpu.memory_space<vmem>>) target(%dma_start3A_985 : memref<24960xf32, #tpu.memory_space<hbm>>) target_semaphore(%run_scoped3A : memref<!tpu.dma_semaphore, #tpu.memory_space<semaphore_mem>>)
        %dma_wait3A = tpu.memref_slice %arg4[%multiple_of3A_64] : memref<12800000xf32, #tpu.memory_space<hbm>> -> memref<24960xf32, #tpu.memory_space<hbm>>
        %dma_wait3A_986 = tpu.memref_slice %arg4[%multiple_of3A_64] : memref<12800000xf32, #tpu.memory_space<hbm>> -> memref<24960xf32, #tpu.memory_space<hbm>>
        tpu.wait_dma2 semaphore(%run_scoped3A : memref<!tpu.dma_semaphore, #tpu.memory_space<semaphore_mem>>) src(%arg5 : memref<24960xf32, #tpu.memory_space<vmem>>) dst(%dma_wait3A_986 : memref<24960xf32, #tpu.memory_space<hbm>>)
        tpu.yield
      }) : () -> ()
      %add3A_983 = arith.constant 24960 : i32
      %add3A_984 = arith.addi %multiple_of3A_64, %add3A_983 : i32
      "tpu.region"() ({
        %run_scoped3A = tpu.sem_alloc : memref<!tpu.dma_semaphore, #tpu.memory_space<semaphore_mem>>
        %dma_start3A = tpu.memref_slice %arg4[%add3A_984] : memref<12800000xf32, #tpu.memory_space<hbm>> -> memref<24960xf32, #tpu.memory_space<hbm>>
        %dma_start3A_985 = tpu.memref_slice %arg4[%add3A_984] : memref<12800000xf32, #tpu.memory_space<hbm>> -> memref<24960xf32, #tpu.memory_space<hbm>>
        tpu.enqueue_dma source(%arg5 : memref<24960xf32, #tpu.memory_space<vmem>>) target(%dma_start3A_985 : memref<24960xf32, #tpu.memory_space<hbm>>) target_semaphore(%run_scoped3A : memref<!tpu.dma_semaphore, #tpu.memory_space<semaphore_mem>>)
        %dma_wait3A = tpu.memref_slice %arg4[%add3A_984] : memref<12800000xf32, #tpu.memory_space<hbm>> -> memref<24960xf32, #tpu.memory_space<hbm>>
        %dma_wait3A_986 = tpu.memref_slice %arg4[%add3A_984] : memref<12800000xf32, #tpu.memory_space<hbm>> -> memref<24960xf32, #tpu.memory_space<hbm>>
        tpu.wait_dma2 semaphore(%run_scoped3A : memref<!tpu.dma_semaphore, #tpu.memory_space<semaphore_mem>>) src(%arg5 : memref<24960xf32, #tpu.memory_space<vmem>>) dst(%dma_wait3A_986 : memref<24960xf32, #tpu.memory_space<hbm>>)
        tpu.yield
      }) : () -> ()
    } else {
    }
    %eq3A_70 = arith.constant 1 : i32
    %eq3A_71 = arith.cmpi eq, %sub3A_19, %eq3A_70 : i32
    %convert_element_type3A_72 = arith.extui %eq3A_71 : i1 to i32
    %cond3A_73 = arith.constant 0 : i32
    %cond3A_74 = arith.cmpi ne, %convert_element_type3A_72, %cond3A_73 : i32
    scf.if %cond3A_74 {
      %add3A_983 = arith.constant 49920 : i32
      %add3A_984 = arith.addi %multiple_of3A_64, %add3A_983 : i32
      "tpu.region"() ({
        %run_scoped3A = tpu.sem_alloc : memref<!tpu.dma_semaphore, #tpu.memory_space<semaphore_mem>>
        %dma_start3A = tpu.memref_slice %arg4[%add3A_984] : memref<12800000xf32, #tpu.memory_space<hbm>> -> memref<25040xf32, #tpu.memory_space<hbm>>
        %dma_start3A_989 = tpu.memref_slice %arg4[%add3A_984] : memref<12800000xf32, #tpu.memory_space<hbm>> -> memref<25040xf32, #tpu.memory_space<hbm>>
        tpu.enqueue_dma source(%arg6 : memref<25040xf32, #tpu.memory_space<vmem>>) target(%dma_start3A_989 : memref<25040xf32, #tpu.memory_space<hbm>>) target_semaphore(%run_scoped3A : memref<!tpu.dma_semaphore, #tpu.memory_space<semaphore_mem>>)
        %dma_wait3A = tpu.memref_slice %arg4[%add3A_984] : memref<12800000xf32, #tpu.memory_space<hbm>> -> memref<25040xf32, #tpu.memory_space<hbm>>
        %dma_wait3A_990 = tpu.memref_slice %arg4[%add3A_984] : memref<12800000xf32, #tpu.memory_space<hbm>> -> memref<25040xf32, #tpu.memory_space<hbm>>
        tpu.wait_dma2 semaphore(%run_scoped3A : memref<!tpu.dma_semaphore, #tpu.memory_space<semaphore_mem>>) src(%arg6 : memref<25040xf32, #tpu.memory_space<vmem>>) dst(%dma_wait3A_990 : memref<25040xf32, #tpu.memory_space<hbm>>)
        tpu.yield
      }) : () -> ()
      %add3A_985 = arith.constant 49920 : i32
      %add3A_986 = arith.addi %multiple_of3A_64, %add3A_985 : i32
      %add3A_987 = arith.constant 25040 : i32
      %add3A_988 = arith.addi %add3A_986, %add3A_987 : i32
      "tpu.region"() ({
        %run_scoped3A = tpu.sem_alloc : memref<!tpu.dma_semaphore, #tpu.memory_space<semaphore_mem>>
        %dma_start3A = tpu.memref_slice %arg4[%add3A_988] : memref<12800000xf32, #tpu.memory_space<hbm>> -> memref<25040xf32, #tpu.memory_space<hbm>>
        %dma_start3A_989 = tpu.memref_slice %arg4[%add3A_988] : memref<12800000xf32, #tpu.memory_space<hbm>> -> memref<25040xf32, #tpu.memory_space<hbm>>
        tpu.enqueue_dma source(%arg6 : memref<25040xf32, #tpu.memory_space<vmem>>) target(%dma_start3A_989 : memref<25040xf32, #tpu.memory_space<hbm>>) target_semaphore(%run_scoped3A : memref<!tpu.dma_semaphore, #tpu.memory_space<semaphore_mem>>)
        %dma_wait3A = tpu.memref_slice %arg4[%add3A_988] : memref<12800000xf32, #tpu.memory_space<hbm>> -> memref<25040xf32, #tpu.memory_space<hbm>>
        %dma_wait3A_990 = tpu.memref_slice %arg4[%add3A_988] : memref<12800000xf32, #tpu.memory_space<hbm>> -> memref<25040xf32, #tpu.memory_space<hbm>>
        tpu.wait_dma2 semaphore(%run_scoped3A : memref<!tpu.dma_semaphore, #tpu.memory_space<semaphore_mem>>) src(%arg6 : memref<25040xf32, #tpu.memory_space<vmem>>) dst(%dma_wait3A_990 : memref<25040xf32, #tpu.memory_space<hbm>>)
        tpu.yield
      }) : () -> ()
    } else {
    }
    %add3A_75 = arith.constant 3 : i32
    %add3A_76 = arith.addi %mul3A_21, %add3A_75 : i32
    %mul3A_77 = arith.constant 100000 : i32
    %mul3A_78 = arith.muli %add3A_76, %mul3A_77 : i32
    %multiple_of3A_79 = tpu.assume_multiple %mul3A_78, 8 : i32
    %eq3A_80 = arith.constant 0 : i32
    %eq3A_81 = arith.cmpi eq, %sub3A_19, %eq3A_80 : i32
    %convert_element_type3A_82 = arith.extui %eq3A_81 : i1 to i32
    %cond3A_83 = arith.constant 0 : i32
    %cond3A_84 = arith.cmpi ne, %convert_element_type3A_82, %cond3A_83 : i32
    scf.if %cond3A_84 {
      "tpu.region"() ({
        %run_scoped3A = tpu.sem_alloc : memref<!tpu.dma_semaphore, #tpu.memory_space<semaphore_mem>>
        %dma_start3A = tpu.memref_slice %arg4[%multiple_of3A_79] : memref<12800000xf32, #tpu.memory_space<hbm>> -> memref<24960xf32, #tpu.memory_space<hbm>>
        %dma_start3A_985 = tpu.memref_slice %arg4[%multiple_of3A_79] : memref<12800000xf32, #tpu.memory_space<hbm>> -> memref<24960xf32, #tpu.memory_space<hbm>>
        tpu.enqueue_dma source(%arg5 : memref<24960xf32, #tpu.memory_space<vmem>>) target(%dma_start3A_985 : memref<24960xf32, #tpu.memory_space<hbm>>) target_semaphore(%run_scoped3A : memref<!tpu.dma_semaphore, #tpu.memory_space<semaphore_mem>>)
        %dma_wait3A = tpu.memref_slice %arg4[%multiple_of3A_79] : memref<12800000xf32, #tpu.memory_space<hbm>> -> memref<24960xf32, #tpu.memory_space<hbm>>
        %dma_wait3A_986 = tpu.memref_slice %arg4[%multiple_of3A_79] : memref<12800000xf32, #tpu.memory_space<hbm>> -> memref<24960xf32, #tpu.memory_space<hbm>>
        tpu.wait_dma2 semaphore(%run_scoped3A : memref<!tpu.dma_semaphore, #tpu.memory_space<semaphore_mem>>) src(%arg5 : memref<24960xf32, #tpu.memory_space<vmem>>) dst(%dma_wait3A_986 : memref<24960xf32, #tpu.memory_space<hbm>>)
        tpu.yield
      }) : () -> ()
      %add3A_983 = arith.constant 24960 : i32
      %add3A_984 = arith.addi %multiple_of3A_79, %add3A_983 : i32
      "tpu.region"() ({
        %run_scoped3A = tpu.sem_alloc : memref<!tpu.dma_semaphore, #tpu.memory_space<semaphore_mem>>
        %dma_start3A = tpu.memref_slice %arg4[%add3A_984] : memref<12800000xf32, #tpu.memory_space<hbm>> -> memref<24960xf32, #tpu.memory_space<hbm>>
        %dma_start3A_985 = tpu.memref_slice %arg4[%add3A_984] : memref<12800000xf32, #tpu.memory_space<hbm>> -> memref<24960xf32, #tpu.memory_space<hbm>>
        tpu.enqueue_dma source(%arg5 : memref<24960xf32, #tpu.memory_space<vmem>>) target(%dma_start3A_985 : memref<24960xf32, #tpu.memory_space<hbm>>) target_semaphore(%run_scoped3A : memref<!tpu.dma_semaphore, #tpu.memory_space<semaphore_mem>>)
        %dma_wait3A = tpu.memref_slice %arg4[%add3A_984] : memref<12800000xf32, #tpu.memory_space<hbm>> -> memref<24960xf32, #tpu.memory_space<hbm>>
        %dma_wait3A_986 = tpu.memref_slice %arg4[%add3A_984] : memref<12800000xf32, #tpu.memory_space<hbm>> -> memref<24960xf32, #tpu.memory_space<hbm>>
        tpu.wait_dma2 semaphore(%run_scoped3A : memref<!tpu.dma_semaphore, #tpu.memory_space<semaphore_mem>>) src(%arg5 : memref<24960xf32, #tpu.memory_space<vmem>>) dst(%dma_wait3A_986 : memref<24960xf32, #tpu.memory_space<hbm>>)
        tpu.yield
      }) : () -> ()
    } else {
    }
    %eq3A_85 = arith.constant 1 : i32
    %eq3A_86 = arith.cmpi eq, %sub3A_19, %eq3A_85 : i32
    %convert_element_type3A_87 = arith.extui %eq3A_86 : i1 to i32
    %cond3A_88 = arith.constant 0 : i32
    %cond3A_89 = arith.cmpi ne, %convert_element_type3A_87, %cond3A_88 : i32
    scf.if %cond3A_89 {
      %add3A_983 = arith.constant 49920 : i32
      %add3A_984 = arith.addi %multiple_of3A_79, %add3A_983 : i32
      "tpu.region"() ({
        %run_scoped3A = tpu.sem_alloc : memref<!tpu.dma_semaphore, #tpu.memory_space<semaphore_mem>>
        %dma_start3A = tpu.memref_slice %arg4[%add3A_984] : memref<12800000xf32, #tpu.memory_space<hbm>> -> memref<25040xf32, #tpu.memory_space<hbm>>
        %dma_start3A_989 = tpu.memref_slice %arg4[%add3A_984] : memref<12800000xf32, #tpu.memory_space<hbm>> -> memref<25040xf32, #tpu.memory_space<hbm>>
        tpu.enqueue_dma source(%arg6 : memref<25040xf32, #tpu.memory_space<vmem>>) target(%dma_start3A_989 : memref<25040xf32, #tpu.memory_space<hbm>>) target_semaphore(%run_scoped3A : memref<!tpu.dma_semaphore, #tpu.memory_space<semaphore_mem>>)
        %dma_wait3A = tpu.memref_slice %arg4[%add3A_984] : memref<12800000xf32, #tpu.memory_space<hbm>> -> memref<25040xf32, #tpu.memory_space<hbm>>
        %dma_wait3A_990 = tpu.memref_slice %arg4[%add3A_984] : memref<12800000xf32, #tpu.memory_space<hbm>> -> memref<25040xf32, #tpu.memory_space<hbm>>
        tpu.wait_dma2 semaphore(%run_scoped3A : memref<!tpu.dma_semaphore, #tpu.memory_space<semaphore_mem>>) src(%arg6 : memref<25040xf32, #tpu.memory_space<vmem>>) dst(%dma_wait3A_990 : memref<25040xf32, #tpu.memory_space<hbm>>)
        tpu.yield
      }) : () -> ()
      %add3A_985 = arith.constant 49920 : i32
      %add3A_986 = arith.addi %multiple_of3A_79, %add3A_985 : i32
      %add3A_987 = arith.constant 25040 : i32
      %add3A_988 = arith.addi %add3A_986, %add3A_987 : i32
      "tpu.region"() ({
        %run_scoped3A = tpu.sem_alloc : memref<!tpu.dma_semaphore, #tpu.memory_space<semaphore_mem>>
        %dma_start3A = tpu.memref_slice %arg4[%add3A_988] : memref<12800000xf32, #tpu.memory_space<hbm>> -> memref<25040xf32, #tpu.memory_space<hbm>>
        %dma_start3A_989 = tpu.memref_slice %arg4[%add3A_988] : memref<12800000xf32, #tpu.memory_space<hbm>> -> memref<25040xf32, #tpu.memory_space<hbm>>
        tpu.enqueue_dma source(%arg6 : memref<25040xf32, #tpu.memory_space<vmem>>) target(%dma_start3A_989 : memref<25040xf32, #tpu.memory_space<hbm>>) target_semaphore(%run_scoped3A : memref<!tpu.dma_semaphore, #tpu.memory_space<semaphore_mem>>)
        %dma_wait3A = tpu.memref_slice %arg4[%add3A_988] : memref<12800000xf32, #tpu.memory_space<hbm>> -> memref<25040xf32, #tpu.memory_space<hbm>>
        %dma_wait3A_990 = tpu.memref_slice %arg4[%add3A_988] : memref<12800000xf32, #tpu.memory_space<hbm>> -> memref<25040xf32, #tpu.memory_space<hbm>>
        tpu.wait_dma2 semaphore(%run_scoped3A : memref<!tpu.dma_semaphore, #tpu.memory_space<semaphore_mem>>) src(%arg6 : memref<25040xf32, #tpu.memory_space<vmem>>) dst(%dma_wait3A_990 : memref<25040xf32, #tpu.memory_space<hbm>>)
        tpu.yield
      }) : () -> ()
    } else {
    }
    %add3A_90 = arith.constant 4 : i32
    %add3A_91 = arith.addi %mul3A_21, %add3A_90 : i32
    %mul3A_92 = arith.constant 100000 : i32
    %mul3A_93 = arith.muli %add3A_91, %mul3A_92 : i32
    %multiple_of3A_94 = tpu.assume_multiple %mul3A_93, 8 : i32
    %eq3A_95 = arith.constant 0 : i32
    %eq3A_96 = arith.cmpi eq, %sub3A_19, %eq3A_95 : i32
    %convert_element_type3A_97 = arith.extui %eq3A_96 : i1 to i32
    %cond3A_98 = arith.constant 0 : i32
    %cond3A_99 = arith.cmpi ne, %convert_element_type3A_97, %cond3A_98 : i32
    scf.if %cond3A_99 {
      "tpu.region"() ({
        %run_scoped3A = tpu.sem_alloc : memref<!tpu.dma_semaphore, #tpu.memory_space<semaphore_mem>>
        %dma_start3A = tpu.memref_slice %arg4[%multiple_of3A_94] : memref<12800000xf32, #tpu.memory_space<hbm>> -> memref<24960xf32, #tpu.memory_space<hbm>>
        %dma_start3A_985 = tpu.memref_slice %arg4[%multiple_of3A_94] : memref<12800000xf32, #tpu.memory_space<hbm>> -> memref<24960xf32, #tpu.memory_space<hbm>>
        tpu.enqueue_dma source(%arg5 : memref<24960xf32, #tpu.memory_space<vmem>>) target(%dma_start3A_985 : memref<24960xf32, #tpu.memory_space<hbm>>) target_semaphore(%run_scoped3A : memref<!tpu.dma_semaphore, #tpu.memory_space<semaphore_mem>>)
        %dma_wait3A = tpu.memref_slice %arg4[%multiple_of3A_94] : memref<12800000xf32, #tpu.memory_space<hbm>> -> memref<24960xf32, #tpu.memory_space<hbm>>
        %dma_wait3A_986 = tpu.memref_slice %arg4[%multiple_of3A_94] : memref<12800000xf32, #tpu.memory_space<hbm>> -> memref<24960xf32, #tpu.memory_space<hbm>>
        tpu.wait_dma2 semaphore(%run_scoped3A : memref<!tpu.dma_semaphore, #tpu.memory_space<semaphore_mem>>) src(%arg5 : memref<24960xf32, #tpu.memory_space<vmem>>) dst(%dma_wait3A_986 : memref<24960xf32, #tpu.memory_space<hbm>>)
        tpu.yield
      }) : () -> ()
      %add3A_983 = arith.constant 24960 : i32
      %add3A_984 = arith.addi %multiple_of3A_94, %add3A_983 : i32
      "tpu.region"() ({
        %run_scoped3A = tpu.sem_alloc : memref<!tpu.dma_semaphore, #tpu.memory_space<semaphore_mem>>
        %dma_start3A = tpu.memref_slice %arg4[%add3A_984] : memref<12800000xf32, #tpu.memory_space<hbm>> -> memref<24960xf32, #tpu.memory_space<hbm>>
        %dma_start3A_985 = tpu.memref_slice %arg4[%add3A_984] : memref<12800000xf32, #tpu.memory_space<hbm>> -> memref<24960xf32, #tpu.memory_space<hbm>>
        tpu.enqueue_dma source(%arg5 : memref<24960xf32, #tpu.memory_space<vmem>>) target(%dma_start3A_985 : memref<24960xf32, #tpu.memory_space<hbm>>) target_semaphore(%run_scoped3A : memref<!tpu.dma_semaphore, #tpu.memory_space<semaphore_mem>>)
        %dma_wait3A = tpu.memref_slice %arg4[%add3A_984] : memref<12800000xf32, #tpu.memory_space<hbm>> -> memref<24960xf32, #tpu.memory_space<hbm>>
        %dma_wait3A_986 = tpu.memref_slice %arg4[%add3A_984] : memref<12800000xf32, #tpu.memory_space<hbm>> -> memref<24960xf32, #tpu.memory_space<hbm>>
        tpu.wait_dma2 semaphore(%run_scoped3A : memref<!tpu.dma_semaphore, #tpu.memory_space<semaphore_mem>>) src(%arg5 : memref<24960xf32, #tpu.memory_space<vmem>>) dst(%dma_wait3A_986 : memref<24960xf32, #tpu.memory_space<hbm>>)
        tpu.yield
      }) : () -> ()
    } else {
    }
    %eq3A_100 = arith.constant 1 : i32
    %eq3A_101 = arith.cmpi eq, %sub3A_19, %eq3A_100 : i32
    %convert_element_type3A_102 = arith.extui %eq3A_101 : i1 to i32
    %cond3A_103 = arith.constant 0 : i32
    %cond3A_104 = arith.cmpi ne, %convert_element_type3A_102, %cond3A_103 : i32
    scf.if %cond3A_104 {
      %add3A_983 = arith.constant 49920 : i32
      %add3A_984 = arith.addi %multiple_of3A_94, %add3A_983 : i32
      "tpu.region"() ({
        %run_scoped3A = tpu.sem_alloc : memref<!tpu.dma_semaphore, #tpu.memory_space<semaphore_mem>>
        %dma_start3A = tpu.memref_slice %arg4[%add3A_984] : memref<12800000xf32, #tpu.memory_space<hbm>> -> memref<25040xf32, #tpu.memory_space<hbm>>
        %dma_start3A_989 = tpu.memref_slice %arg4[%add3A_984] : memref<12800000xf32, #tpu.memory_space<hbm>> -> memref<25040xf32, #tpu.memory_space<hbm>>
        tpu.enqueue_dma source(%arg6 : memref<25040xf32, #tpu.memory_space<vmem>>) target(%dma_start3A_989 : memref<25040xf32, #tpu.memory_space<hbm>>) target_semaphore(%run_scoped3A : memref<!tpu.dma_semaphore, #tpu.memory_space<semaphore_mem>>)
        %dma_wait3A = tpu.memref_slice %arg4[%add3A_984] : memref<12800000xf32, #tpu.memory_space<hbm>> -> memref<25040xf32, #tpu.memory_space<hbm>>
        %dma_wait3A_990 = tpu.memref_slice %arg4[%add3A_984] : memref<12800000xf32, #tpu.memory_space<hbm>> -> memref<25040xf32, #tpu.memory_space<hbm>>
        tpu.wait_dma2 semaphore(%run_scoped3A : memref<!tpu.dma_semaphore, #tpu.memory_space<semaphore_mem>>) src(%arg6 : memref<25040xf32, #tpu.memory_space<vmem>>) dst(%dma_wait3A_990 : memref<25040xf32, #tpu.memory_space<hbm>>)
        tpu.yield
      }) : () -> ()
      %add3A_985 = arith.constant 49920 : i32
      %add3A_986 = arith.addi %multiple_of3A_94, %add3A_985 : i32
      %add3A_987 = arith.constant 25040 : i32
      %add3A_988 = arith.addi %add3A_986, %add3A_987 : i32
      "tpu.region"() ({
        %run_scoped3A = tpu.sem_alloc : memref<!tpu.dma_semaphore, #tpu.memory_space<semaphore_mem>>
        %dma_start3A = tpu.memref_slice %arg4[%add3A_988] : memref<12800000xf32, #tpu.memory_space<hbm>> -> memref<25040xf32, #tpu.memory_space<hbm>>
        %dma_start3A_989 = tpu.memref_slice %arg4[%add3A_988] : memref<12800000xf32, #tpu.memory_space<hbm>> -> memref<25040xf32, #tpu.memory_space<hbm>>
        tpu.enqueue_dma source(%arg6 : memref<25040xf32, #tpu.memory_space<vmem>>) target(%dma_start3A_989 : memref<25040xf32, #tpu.memory_space<hbm>>) target_semaphore(%run_scoped3A : memref<!tpu.dma_semaphore, #tpu.memory_space<semaphore_mem>>)
        %dma_wait3A = tpu.memref_slice %arg4[%add3A_988] : memref<12800000xf32, #tpu.memory_space<hbm>> -> memref<25040xf32, #tpu.memory_space<hbm>>
        %dma_wait3A_990 = tpu.memref_slice %arg4[%add3A_988] : memref<12800000xf32, #tpu.memory_space<hbm>> -> memref<25040xf32, #tpu.memory_space<hbm>>
        tpu.wait_dma2 semaphore(%run_scoped3A : memref<!tpu.dma_semaphore, #tpu.memory_space<semaphore_mem>>) src(%arg6 : memref<25040xf32, #tpu.memory_space<vmem>>) dst(%dma_wait3A_990 : memref<25040xf32, #tpu.memory_space<hbm>>)
        tpu.yield
      }) : () -> ()
    } else {
    }
    %add3A_105 = arith.constant 5 : i32
    %add3A_106 = arith.addi %mul3A_21, %add3A_105 : i32
    %mul3A_107 = arith.constant 100000 : i32
    %mul3A_108 = arith.muli %add3A_106, %mul3A_107 : i32
    %multiple_of3A_109 = tpu.assume_multiple %mul3A_108, 8 : i32
    %eq3A_110 = arith.constant 0 : i32
    %eq3A_111 = arith.cmpi eq, %sub3A_19, %eq3A_110 : i32
    %convert_element_type3A_112 = arith.extui %eq3A_111 : i1 to i32
    %cond3A_113 = arith.constant 0 : i32
    %cond3A_114 = arith.cmpi ne, %convert_element_type3A_112, %cond3A_113 : i32
    scf.if %cond3A_114 {
      "tpu.region"() ({
        %run_scoped3A = tpu.sem_alloc : memref<!tpu.dma_semaphore, #tpu.memory_space<semaphore_mem>>
        %dma_start3A = tpu.memref_slice %arg4[%multiple_of3A_109] : memref<12800000xf32, #tpu.memory_space<hbm>> -> memref<24960xf32, #tpu.memory_space<hbm>>
        %dma_start3A_985 = tpu.memref_slice %arg4[%multiple_of3A_109] : memref<12800000xf32, #tpu.memory_space<hbm>> -> memref<24960xf32, #tpu.memory_space<hbm>>
        tpu.enqueue_dma source(%arg5 : memref<24960xf32, #tpu.memory_space<vmem>>) target(%dma_start3A_985 : memref<24960xf32, #tpu.memory_space<hbm>>) target_semaphore(%run_scoped3A : memref<!tpu.dma_semaphore, #tpu.memory_space<semaphore_mem>>)
        %dma_wait3A = tpu.memref_slice %arg4[%multiple_of3A_109] : memref<12800000xf32, #tpu.memory_space<hbm>> -> memref<24960xf32, #tpu.memory_space<hbm>>
        %dma_wait3A_986 = tpu.memref_slice %arg4[%multiple_of3A_109] : memref<12800000xf32, #tpu.memory_space<hbm>> -> memref<24960xf32, #tpu.memory_space<hbm>>
        tpu.wait_dma2 semaphore(%run_scoped3A : memref<!tpu.dma_semaphore, #tpu.memory_space<semaphore_mem>>) src(%arg5 : memref<24960xf32, #tpu.memory_space<vmem>>) dst(%dma_wait3A_986 : memref<24960xf32, #tpu.memory_space<hbm>>)
        tpu.yield
      }) : () -> ()
      %add3A_983 = arith.constant 24960 : i32
      %add3A_984 = arith.addi %multiple_of3A_109, %add3A_983 : i32
      "tpu.region"() ({
        %run_scoped3A = tpu.sem_alloc : memref<!tpu.dma_semaphore, #tpu.memory_space<semaphore_mem>>
        %dma_start3A = tpu.memref_slice %arg4[%add3A_984] : memref<12800000xf32, #tpu.memory_space<hbm>> -> memref<24960xf32, #tpu.memory_space<hbm>>
        %dma_start3A_985 = tpu.memref_slice %arg4[%add3A_984] : memref<12800000xf32, #tpu.memory_space<hbm>> -> memref<24960xf32, #tpu.memory_space<hbm>>
        tpu.enqueue_dma source(%arg5 : memref<24960xf32, #tpu.memory_space<vmem>>) target(%dma_start3A_985 : memref<24960xf32, #tpu.memory_space<hbm>>) target_semaphore(%run_scoped3A : memref<!tpu.dma_semaphore, #tpu.memory_space<semaphore_mem>>)
        %dma_wait3A = tpu.memref_slice %arg4[%add3A_984] : memref<12800000xf32, #tpu.memory_space<hbm>> -> memref<24960xf32, #tpu.memory_space<hbm>>
        %dma_wait3A_986 = tpu.memref_slice %arg4[%add3A_984] : memref<12800000xf32, #tpu.memory_space<hbm>> -> memref<24960xf32, #tpu.memory_space<hbm>>
        tpu.wait_dma2 semaphore(%run_scoped3A : memref<!tpu.dma_semaphore, #tpu.memory_space<semaphore_mem>>) src(%arg5 : memref<24960xf32, #tpu.memory_space<vmem>>) dst(%dma_wait3A_986 : memref<24960xf32, #tpu.memory_space<hbm>>)
        tpu.yield
      }) : () -> ()
    } else {
    }
    %eq3A_115 = arith.constant 1 : i32
    %eq3A_116 = arith.cmpi eq, %sub3A_19, %eq3A_115 : i32
    %convert_element_type3A_117 = arith.extui %eq3A_116 : i1 to i32
    %cond3A_118 = arith.constant 0 : i32
    %cond3A_119 = arith.cmpi ne, %convert_element_type3A_117, %cond3A_118 : i32
    scf.if %cond3A_119 {
      %add3A_983 = arith.constant 49920 : i32
      %add3A_984 = arith.addi %multiple_of3A_109, %add3A_983 : i32
      "tpu.region"() ({
        %run_scoped3A = tpu.sem_alloc : memref<!tpu.dma_semaphore, #tpu.memory_space<semaphore_mem>>
        %dma_start3A = tpu.memref_slice %arg4[%add3A_984] : memref<12800000xf32, #tpu.memory_space<hbm>> -> memref<25040xf32, #tpu.memory_space<hbm>>
        %dma_start3A_989 = tpu.memref_slice %arg4[%add3A_984] : memref<12800000xf32, #tpu.memory_space<hbm>> -> memref<25040xf32, #tpu.memory_space<hbm>>
        tpu.enqueue_dma source(%arg6 : memref<25040xf32, #tpu.memory_space<vmem>>) target(%dma_start3A_989 : memref<25040xf32, #tpu.memory_space<hbm>>) target_semaphore(%run_scoped3A : memref<!tpu.dma_semaphore, #tpu.memory_space<semaphore_mem>>)
        %dma_wait3A = tpu.memref_slice %arg4[%add3A_984] : memref<12800000xf32, #tpu.memory_space<hbm>> -> memref<25040xf32, #tpu.memory_space<hbm>>
        %dma_wait3A_990 = tpu.memref_slice %arg4[%add3A_984] : memref<12800000xf32, #tpu.memory_space<hbm>> -> memref<25040xf32, #tpu.memory_space<hbm>>
        tpu.wait_dma2 semaphore(%run_scoped3A : memref<!tpu.dma_semaphore, #tpu.memory_space<semaphore_mem>>) src(%arg6 : memref<25040xf32, #tpu.memory_space<vmem>>) dst(%dma_wait3A_990 : memref<25040xf32, #tpu.memory_space<hbm>>)
        tpu.yield
      }) : () -> ()
      %add3A_985 = arith.constant 49920 : i32
      %add3A_986 = arith.addi %multiple_of3A_109, %add3A_985 : i32
      %add3A_987 = arith.constant 25040 : i32
      %add3A_988 = arith.addi %add3A_986, %add3A_987 : i32
      "tpu.region"() ({
        %run_scoped3A = tpu.sem_alloc : memref<!tpu.dma_semaphore, #tpu.memory_space<semaphore_mem>>
        %dma_start3A = tpu.memref_slice %arg4[%add3A_988] : memref<12800000xf32, #tpu.memory_space<hbm>> -> memref<25040xf32, #tpu.memory_space<hbm>>
        %dma_start3A_989 = tpu.memref_slice %arg4[%add3A_988] : memref<12800000xf32, #tpu.memory_space<hbm>> -> memref<25040xf32, #tpu.memory_space<hbm>>
        tpu.enqueue_dma source(%arg6 : memref<25040xf32, #tpu.memory_space<vmem>>) target(%dma_start3A_989 : memref<25040xf32, #tpu.memory_space<hbm>>) target_semaphore(%run_scoped3A : memref<!tpu.dma_semaphore, #tpu.memory_space<semaphore_mem>>)
        %dma_wait3A = tpu.memref_slice %arg4[%add3A_988] : memref<12800000xf32, #tpu.memory_space<hbm>> -> memref<25040xf32, #tpu.memory_space<hbm>>
        %dma_wait3A_990 = tpu.memref_slice %arg4[%add3A_988] : memref<12800000xf32, #tpu.memory_space<hbm>> -> memref<25040xf32, #tpu.memory_space<hbm>>
        tpu.wait_dma2 semaphore(%run_scoped3A : memref<!tpu.dma_semaphore, #tpu.memory_space<semaphore_mem>>) src(%arg6 : memref<25040xf32, #tpu.memory_space<vmem>>) dst(%dma_wait3A_990 : memref<25040xf32, #tpu.memory_space<hbm>>)
        tpu.yield
      }) : () -> ()
    } else {
    }
    %add3A_120 = arith.constant 6 : i32
    %add3A_121 = arith.addi %mul3A_21, %add3A_120 : i32
    %mul3A_122 = arith.constant 100000 : i32
    %mul3A_123 = arith.muli %add3A_121, %mul3A_122 : i32
    %multiple_of3A_124 = tpu.assume_multiple %mul3A_123, 8 : i32
    %eq3A_125 = arith.constant 0 : i32
    %eq3A_126 = arith.cmpi eq, %sub3A_19, %eq3A_125 : i32
    %convert_element_type3A_127 = arith.extui %eq3A_126 : i1 to i32
    %cond3A_128 = arith.constant 0 : i32
    %cond3A_129 = arith.cmpi ne, %convert_element_type3A_127, %cond3A_128 : i32
    scf.if %cond3A_129 {
      "tpu.region"() ({
        %run_scoped3A = tpu.sem_alloc : memref<!tpu.dma_semaphore, #tpu.memory_space<semaphore_mem>>
        %dma_start3A = tpu.memref_slice %arg4[%multiple_of3A_124] : memref<12800000xf32, #tpu.memory_space<hbm>> -> memref<24960xf32, #tpu.memory_space<hbm>>
        %dma_start3A_985 = tpu.memref_slice %arg4[%multiple_of3A_124] : memref<12800000xf32, #tpu.memory_space<hbm>> -> memref<24960xf32, #tpu.memory_space<hbm>>
        tpu.enqueue_dma source(%arg5 : memref<24960xf32, #tpu.memory_space<vmem>>) target(%dma_start3A_985 : memref<24960xf32, #tpu.memory_space<hbm>>) target_semaphore(%run_scoped3A : memref<!tpu.dma_semaphore, #tpu.memory_space<semaphore_mem>>)
        %dma_wait3A = tpu.memref_slice %arg4[%multiple_of3A_124] : memref<12800000xf32, #tpu.memory_space<hbm>> -> memref<24960xf32, #tpu.memory_space<hbm>>
        %dma_wait3A_986 = tpu.memref_slice %arg4[%multiple_of3A_124] : memref<12800000xf32, #tpu.memory_space<hbm>> -> memref<24960xf32, #tpu.memory_space<hbm>>
        tpu.wait_dma2 semaphore(%run_scoped3A : memref<!tpu.dma_semaphore, #tpu.memory_space<semaphore_mem>>) src(%arg5 : memref<24960xf32, #tpu.memory_space<vmem>>) dst(%dma_wait3A_986 : memref<24960xf32, #tpu.memory_space<hbm>>)
        tpu.yield
      }) : () -> ()
      %add3A_983 = arith.constant 24960 : i32
      %add3A_984 = arith.addi %multiple_of3A_124, %add3A_983 : i32
      "tpu.region"() ({
        %run_scoped3A = tpu.sem_alloc : memref<!tpu.dma_semaphore, #tpu.memory_space<semaphore_mem>>
        %dma_start3A = tpu.memref_slice %arg4[%add3A_984] : memref<12800000xf32, #tpu.memory_space<hbm>> -> memref<24960xf32, #tpu.memory_space<hbm>>
        %dma_start3A_985 = tpu.memref_slice %arg4[%add3A_984] : memref<12800000xf32, #tpu.memory_space<hbm>> -> memref<24960xf32, #tpu.memory_space<hbm>>
        tpu.enqueue_dma source(%arg5 : memref<24960xf32, #tpu.memory_space<vmem>>) target(%dma_start3A_985 : memref<24960xf32, #tpu.memory_space<hbm>>) target_semaphore(%run_scoped3A : memref<!tpu.dma_semaphore, #tpu.memory_space<semaphore_mem>>)
        %dma_wait3A = tpu.memref_slice %arg4[%add3A_984] : memref<12800000xf32, #tpu.memory_space<hbm>> -> memref<24960xf32, #tpu.memory_space<hbm>>
        %dma_wait3A_986 = tpu.memref_slice %arg4[%add3A_984] : memref<12800000xf32, #tpu.memory_space<hbm>> -> memref<24960xf32, #tpu.memory_space<hbm>>
        tpu.wait_dma2 semaphore(%run_scoped3A : memref<!tpu.dma_semaphore, #tpu.memory_space<semaphore_mem>>) src(%arg5 : memref<24960xf32, #tpu.memory_space<vmem>>) dst(%dma_wait3A_986 : memref<24960xf32, #tpu.memory_space<hbm>>)
        tpu.yield
      }) : () -> ()
    } else {
    }
    %eq3A_130 = arith.constant 1 : i32
    %eq3A_131 = arith.cmpi eq, %sub3A_19, %eq3A_130 : i32
    %convert_element_type3A_132 = arith.extui %eq3A_131 : i1 to i32
    %cond3A_133 = arith.constant 0 : i32
    %cond3A_134 = arith.cmpi ne, %convert_element_type3A_132, %cond3A_133 : i32
    scf.if %cond3A_134 {
      %add3A_983 = arith.constant 49920 : i32
      %add3A_984 = arith.addi %multiple_of3A_124, %add3A_983 : i32
      "tpu.region"() ({
        %run_scoped3A = tpu.sem_alloc : memref<!tpu.dma_semaphore, #tpu.memory_space<semaphore_mem>>
        %dma_start3A = tpu.memref_slice %arg4[%add3A_984] : memref<12800000xf32, #tpu.memory_space<hbm>> -> memref<25040xf32, #tpu.memory_space<hbm>>
        %dma_start3A_989 = tpu.memref_slice %arg4[%add3A_984] : memref<12800000xf32, #tpu.memory_space<hbm>> -> memref<25040xf32, #tpu.memory_space<hbm>>
        tpu.enqueue_dma source(%arg6 : memref<25040xf32, #tpu.memory_space<vmem>>) target(%dma_start3A_989 : memref<25040xf32, #tpu.memory_space<hbm>>) target_semaphore(%run_scoped3A : memref<!tpu.dma_semaphore, #tpu.memory_space<semaphore_mem>>)
        %dma_wait3A = tpu.memref_slice %arg4[%add3A_984] : memref<12800000xf32, #tpu.memory_space<hbm>> -> memref<25040xf32, #tpu.memory_space<hbm>>
        %dma_wait3A_990 = tpu.memref_slice %arg4[%add3A_984] : memref<12800000xf32, #tpu.memory_space<hbm>> -> memref<25040xf32, #tpu.memory_space<hbm>>
        tpu.wait_dma2 semaphore(%run_scoped3A : memref<!tpu.dma_semaphore, #tpu.memory_space<semaphore_mem>>) src(%arg6 : memref<25040xf32, #tpu.memory_space<vmem>>) dst(%dma_wait3A_990 : memref<25040xf32, #tpu.memory_space<hbm>>)
        tpu.yield
      }) : () -> ()
      %add3A_985 = arith.constant 49920 : i32
      %add3A_986 = arith.addi %multiple_of3A_124, %add3A_985 : i32
      %add3A_987 = arith.constant 25040 : i32
      %add3A_988 = arith.addi %add3A_986, %add3A_987 : i32
      "tpu.region"() ({
        %run_scoped3A = tpu.sem_alloc : memref<!tpu.dma_semaphore, #tpu.memory_space<semaphore_mem>>
        %dma_start3A = tpu.memref_slice %arg4[%add3A_988] : memref<12800000xf32, #tpu.memory_space<hbm>> -> memref<25040xf32, #tpu.memory_space<hbm>>
        %dma_start3A_989 = tpu.memref_slice %arg4[%add3A_988] : memref<12800000xf32, #tpu.memory_space<hbm>> -> memref<25040xf32, #tpu.memory_space<hbm>>
        tpu.enqueue_dma source(%arg6 : memref<25040xf32, #tpu.memory_space<vmem>>) target(%dma_start3A_989 : memref<25040xf32, #tpu.memory_space<hbm>>) target_semaphore(%run_scoped3A : memref<!tpu.dma_semaphore, #tpu.memory_space<semaphore_mem>>)
        %dma_wait3A = tpu.memref_slice %arg4[%add3A_988] : memref<12800000xf32, #tpu.memory_space<hbm>> -> memref<25040xf32, #tpu.memory_space<hbm>>
        %dma_wait3A_990 = tpu.memref_slice %arg4[%add3A_988] : memref<12800000xf32, #tpu.memory_space<hbm>> -> memref<25040xf32, #tpu.memory_space<hbm>>
        tpu.wait_dma2 semaphore(%run_scoped3A : memref<!tpu.dma_semaphore, #tpu.memory_space<semaphore_mem>>) src(%arg6 : memref<25040xf32, #tpu.memory_space<vmem>>) dst(%dma_wait3A_990 : memref<25040xf32, #tpu.memory_space<hbm>>)
        tpu.yield
      }) : () -> ()
    } else {
    }
    %add3A_135 = arith.constant 7 : i32
    %add3A_136 = arith.addi %mul3A_21, %add3A_135 : i32
    %mul3A_137 = arith.constant 100000 : i32
    %mul3A_138 = arith.muli %add3A_136, %mul3A_137 : i32
    %multiple_of3A_139 = tpu.assume_multiple %mul3A_138, 8 : i32
    %eq3A_140 = arith.constant 0 : i32
    %eq3A_141 = arith.cmpi eq, %sub3A_19, %eq3A_140 : i32
    %convert_element_type3A_142 = arith.extui %eq3A_141 : i1 to i32
    %cond3A_143 = arith.constant 0 : i32
    %cond3A_144 = arith.cmpi ne, %convert_element_type3A_142, %cond3A_143 : i32
    scf.if %cond3A_144 {
      "tpu.region"() ({
        %run_scoped3A = tpu.sem_alloc : memref<!tpu.dma_semaphore, #tpu.memory_space<semaphore_mem>>
        %dma_start3A = tpu.memref_slice %arg4[%multiple_of3A_139] : memref<12800000xf32, #tpu.memory_space<hbm>> -> memref<24960xf32, #tpu.memory_space<hbm>>
        %dma_start3A_985 = tpu.memref_slice %arg4[%multiple_of3A_139] : memref<12800000xf32, #tpu.memory_space<hbm>> -> memref<24960xf32, #tpu.memory_space<hbm>>
        tpu.enqueue_dma source(%arg5 : memref<24960xf32, #tpu.memory_space<vmem>>) target(%dma_start3A_985 : memref<24960xf32, #tpu.memory_space<hbm>>) target_semaphore(%run_scoped3A : memref<!tpu.dma_semaphore, #tpu.memory_space<semaphore_mem>>)
        %dma_wait3A = tpu.memref_slice %arg4[%multiple_of3A_139] : memref<12800000xf32, #tpu.memory_space<hbm>> -> memref<24960xf32, #tpu.memory_space<hbm>>
        %dma_wait3A_986 = tpu.memref_slice %arg4[%multiple_of3A_139] : memref<12800000xf32, #tpu.memory_space<hbm>> -> memref<24960xf32, #tpu.memory_space<hbm>>
        tpu.wait_dma2 semaphore(%run_scoped3A : memref<!tpu.dma_semaphore, #tpu.memory_space<semaphore_mem>>) src(%arg5 : memref<24960xf32, #tpu.memory_space<vmem>>) dst(%dma_wait3A_986 : memref<24960xf32, #tpu.memory_space<hbm>>)
        tpu.yield
      }) : () -> ()
      %add3A_983 = arith.constant 24960 : i32
      %add3A_984 = arith.addi %multiple_of3A_139, %add3A_983 : i32
      "tpu.region"() ({
        %run_scoped3A = tpu.sem_alloc : memref<!tpu.dma_semaphore, #tpu.memory_space<semaphore_mem>>
        %dma_start3A = tpu.memref_slice %arg4[%add3A_984] : memref<12800000xf32, #tpu.memory_space<hbm>> -> memref<24960xf32, #tpu.memory_space<hbm>>
        %dma_start3A_985 = tpu.memref_slice %arg4[%add3A_984] : memref<12800000xf32, #tpu.memory_space<hbm>> -> memref<24960xf32, #tpu.memory_space<hbm>>
        tpu.enqueue_dma source(%arg5 : memref<24960xf32, #tpu.memory_space<vmem>>) target(%dma_start3A_985 : memref<24960xf32, #tpu.memory_space<hbm>>) target_semaphore(%run_scoped3A : memref<!tpu.dma_semaphore, #tpu.memory_space<semaphore_mem>>)
        %dma_wait3A = tpu.memref_slice %arg4[%add3A_984] : memref<12800000xf32, #tpu.memory_space<hbm>> -> memref<24960xf32, #tpu.memory_space<hbm>>
        %dma_wait3A_986 = tpu.memref_slice %arg4[%add3A_984] : memref<12800000xf32, #tpu.memory_space<hbm>> -> memref<24960xf32, #tpu.memory_space<hbm>>
        tpu.wait_dma2 semaphore(%run_scoped3A : memref<!tpu.dma_semaphore, #tpu.memory_space<semaphore_mem>>) src(%arg5 : memref<24960xf32, #tpu.memory_space<vmem>>) dst(%dma_wait3A_986 : memref<24960xf32, #tpu.memory_space<hbm>>)
        tpu.yield
      }) : () -> ()
    } else {
    }
    %eq3A_145 = arith.constant 1 : i32
    %eq3A_146 = arith.cmpi eq, %sub3A_19, %eq3A_145 : i32
    %convert_element_type3A_147 = arith.extui %eq3A_146 : i1 to i32
    %cond3A_148 = arith.constant 0 : i32
    %cond3A_149 = arith.cmpi ne, %convert_element_type3A_147, %cond3A_148 : i32
    scf.if %cond3A_149 {
      %add3A_983 = arith.constant 49920 : i32
      %add3A_984 = arith.addi %multiple_of3A_139, %add3A_983 : i32
      "tpu.region"() ({
        %run_scoped3A = tpu.sem_alloc : memref<!tpu.dma_semaphore, #tpu.memory_space<semaphore_mem>>
        %dma_start3A = tpu.memref_slice %arg4[%add3A_984] : memref<12800000xf32, #tpu.memory_space<hbm>> -> memref<25040xf32, #tpu.memory_space<hbm>>
        %dma_start3A_989 = tpu.memref_slice %arg4[%add3A_984] : memref<12800000xf32, #tpu.memory_space<hbm>> -> memref<25040xf32, #tpu.memory_space<hbm>>
        tpu.enqueue_dma source(%arg6 : memref<25040xf32, #tpu.memory_space<vmem>>) target(%dma_start3A_989 : memref<25040xf32, #tpu.memory_space<hbm>>) target_semaphore(%run_scoped3A : memref<!tpu.dma_semaphore, #tpu.memory_space<semaphore_mem>>)
        %dma_wait3A = tpu.memref_slice %arg4[%add3A_984] : memref<12800000xf32, #tpu.memory_space<hbm>> -> memref<25040xf32, #tpu.memory_space<hbm>>
        %dma_wait3A_990 = tpu.memref_slice %arg4[%add3A_984] : memref<12800000xf32, #tpu.memory_space<hbm>> -> memref<25040xf32, #tpu.memory_space<hbm>>
        tpu.wait_dma2 semaphore(%run_scoped3A : memref<!tpu.dma_semaphore, #tpu.memory_space<semaphore_mem>>) src(%arg6 : memref<25040xf32, #tpu.memory_space<vmem>>) dst(%dma_wait3A_990 : memref<25040xf32, #tpu.memory_space<hbm>>)
        tpu.yield
      }) : () -> ()
      %add3A_985 = arith.constant 49920 : i32
      %add3A_986 = arith.addi %multiple_of3A_139, %add3A_985 : i32
      %add3A_987 = arith.constant 25040 : i32
      %add3A_988 = arith.addi %add3A_986, %add3A_987 : i32
      "tpu.region"() ({
        %run_scoped3A = tpu.sem_alloc : memref<!tpu.dma_semaphore, #tpu.memory_space<semaphore_mem>>
        %dma_start3A = tpu.memref_slice %arg4[%add3A_988] : memref<12800000xf32, #tpu.memory_space<hbm>> -> memref<25040xf32, #tpu.memory_space<hbm>>
        %dma_start3A_989 = tpu.memref_slice %arg4[%add3A_988] : memref<12800000xf32, #tpu.memory_space<hbm>> -> memref<25040xf32, #tpu.memory_space<hbm>>
        tpu.enqueue_dma source(%arg6 : memref<25040xf32, #tpu.memory_space<vmem>>) target(%dma_start3A_989 : memref<25040xf32, #tpu.memory_space<hbm>>) target_semaphore(%run_scoped3A : memref<!tpu.dma_semaphore, #tpu.memory_space<semaphore_mem>>)
        %dma_wait3A = tpu.memref_slice %arg4[%add3A_988] : memref<12800000xf32, #tpu.memory_space<hbm>> -> memref<25040xf32, #tpu.memory_space<hbm>>
        %dma_wait3A_990 = tpu.memref_slice %arg4[%add3A_988] : memref<12800000xf32, #tpu.memory_space<hbm>> -> memref<25040xf32, #tpu.memory_space<hbm>>
        tpu.wait_dma2 semaphore(%run_scoped3A : memref<!tpu.dma_semaphore, #tpu.memory_space<semaphore_mem>>) src(%arg6 : memref<25040xf32, #tpu.memory_space<vmem>>) dst(%dma_wait3A_990 : memref<25040xf32, #tpu.memory_space<hbm>>)
        tpu.yield
      }) : () -> ()
    } else {
    }
    %add3A_150 = arith.constant 0 : i32
    %add3A_151 = arith.addi %mul3A_21, %add3A_150 : i32
    %mul3A_152 = arith.constant 16 : i32
    %mul3A_153 = arith.muli %add3A_151, %mul3A_152 : i32
    %multiple_of3A_154 = tpu.assume_multiple %mul3A_153, 16 : i32
    %get3A = arith.index_cast %multiple_of3A_154 : i32 to index
    %get3A_155 = tpu.vector_load %arg8[%get3A] {strides = array<i32>} : memref<2048xf32, #tpu.memory_space<vmem>>, vector<16xf32>,
    %get3A_156 = vector.shape_cast %get3A_155 : vector<16xf32> to vector<16xf32>
    %get3A_157 = arith.index_cast %multiple_of3A_154 : i32 to index
    %get3A_158 = tpu.vector_load %arg9[%get3A_157] {strides = array<i32>} : memref<2048xi32, #tpu.memory_space<vmem>>, vector<16xi32>,
    %get3A_159 = vector.shape_cast %get3A_158 : vector<16xi32> to vector<16xi32>
    %slice3A = vector.extract_strided_slice %get3A_156 {offsets = [0], sizes = [1], strides = [1]} : vector<16xf32> to vector<1xf32>
    %squeeze3A = vector.extract %slice3A[0] : f32 from vector<1xf32>
    %slice3A_160 = vector.extract_strided_slice %get3A_159 {offsets = [0], sizes = [1], strides = [1]} : vector<16xi32> to vector<1xi32>
    %squeeze3A_161 = vector.extract %slice3A_160[0] : i32 from vector<1xi32>
    %slice3A_162 = vector.extract_strided_slice %get3A_156 {offsets = [1], sizes = [1], strides = [1]} : vector<16xf32> to vector<1xf32>
    %squeeze3A_163 = vector.extract %slice3A_162[0] : f32 from vector<1xf32>
    %gt3A = arith.cmpf ogt, %squeeze3A_163, %squeeze3A : f32
    %slice3A_164 = vector.extract_strided_slice %get3A_156 {offsets = [1], sizes = [1], strides = [1]} : vector<16xf32> to vector<1xf32>
    %squeeze3A_165 = vector.extract %slice3A_164[0] : f32 from vector<1xf32>
    %select_n3A_166 = arith.select %gt3A, %squeeze3A_165, %squeeze3A : f32
    %slice3A_167 = vector.extract_strided_slice %get3A_159 {offsets = [1], sizes = [1], strides = [1]} : vector<16xi32> to vector<1xi32>
    %squeeze3A_168 = vector.extract %slice3A_167[0] : i32 from vector<1xi32>
    %select_n3A_169 = arith.select %gt3A, %squeeze3A_168, %squeeze3A_161 : i32
    %slice3A_170 = vector.extract_strided_slice %get3A_156 {offsets = [2], sizes = [1], strides = [1]} : vector<16xf32> to vector<1xf32>
    %squeeze3A_171 = vector.extract %slice3A_170[0] : f32 from vector<1xf32>
    %gt3A_172 = arith.cmpf ogt, %squeeze3A_171, %select_n3A_166 : f32
    %slice3A_173 = vector.extract_strided_slice %get3A_156 {offsets = [2], sizes = [1], strides = [1]} : vector<16xf32> to vector<1xf32>
    %squeeze3A_174 = vector.extract %slice3A_173[0] : f32 from vector<1xf32>
    %select_n3A_175 = arith.select %gt3A_172, %squeeze3A_174, %select_n3A_166 : f32
    %slice3A_176 = vector.extract_strided_slice %get3A_159 {offsets = [2], sizes = [1], strides = [1]} : vector<16xi32> to vector<1xi32>
    %squeeze3A_177 = vector.extract %slice3A_176[0] : i32 from vector<1xi32>
    %select_n3A_178 = arith.select %gt3A_172, %squeeze3A_177, %select_n3A_169 : i32
    %slice3A_179 = vector.extract_strided_slice %get3A_156 {offsets = [3], sizes = [1], strides = [1]} : vector<16xf32> to vector<1xf32>
    %squeeze3A_180 = vector.extract %slice3A_179[0] : f32 from vector<1xf32>
    %gt3A_181 = arith.cmpf ogt, %squeeze3A_180, %select_n3A_175 : f32
    %slice3A_182 = vector.extract_strided_slice %get3A_156 {offsets = [3], sizes = [1], strides = [1]} : vector<16xf32> to vector<1xf32>
    %squeeze3A_183 = vector.extract %slice3A_182[0] : f32 from vector<1xf32>
    %select_n3A_184 = arith.select %gt3A_181, %squeeze3A_183, %select_n3A_175 : f32
    %slice3A_185 = vector.extract_strided_slice %get3A_159 {offsets = [3], sizes = [1], strides = [1]} : vector<16xi32> to vector<1xi32>
    %squeeze3A_186 = vector.extract %slice3A_185[0] : i32 from vector<1xi32>
    %select_n3A_187 = arith.select %gt3A_181, %squeeze3A_186, %select_n3A_178 : i32
    %slice3A_188 = vector.extract_strided_slice %get3A_156 {offsets = [4], sizes = [1], strides = [1]} : vector<16xf32> to vector<1xf32>
    %squeeze3A_189 = vector.extract %slice3A_188[0] : f32 from vector<1xf32>
    %gt3A_190 = arith.cmpf ogt, %squeeze3A_189, %select_n3A_184 : f32
    %slice3A_191 = vector.extract_strided_slice %get3A_156 {offsets = [4], sizes = [1], strides = [1]} : vector<16xf32> to vector<1xf32>
    %squeeze3A_192 = vector.extract %slice3A_191[0] : f32 from vector<1xf32>
    %select_n3A_193 = arith.select %gt3A_190, %squeeze3A_192, %select_n3A_184 : f32
    %slice3A_194 = vector.extract_strided_slice %get3A_159 {offsets = [4], sizes = [1], strides = [1]} : vector<16xi32> to vector<1xi32>
    %squeeze3A_195 = vector.extract %slice3A_194[0] : i32 from vector<1xi32>
    %select_n3A_196 = arith.select %gt3A_190, %squeeze3A_195, %select_n3A_187 : i32
    %slice3A_197 = vector.extract_strided_slice %get3A_156 {offsets = [5], sizes = [1], strides = [1]} : vector<16xf32> to vector<1xf32>
    %squeeze3A_198 = vector.extract %slice3A_197[0] : f32 from vector<1xf32>
    %gt3A_199 = arith.cmpf ogt, %squeeze3A_198, %select_n3A_193 : f32
    %slice3A_200 = vector.extract_strided_slice %get3A_156 {offsets = [5], sizes = [1], strides = [1]} : vector<16xf32> to vector<1xf32>
    %squeeze3A_201 = vector.extract %slice3A_200[0] : f32 from vector<1xf32>
    %select_n3A_202 = arith.select %gt3A_199, %squeeze3A_201, %select_n3A_193 : f32
    %slice3A_203 = vector.extract_strided_slice %get3A_159 {offsets = [5], sizes = [1], strides = [1]} : vector<16xi32> to vector<1xi32>
    %squeeze3A_204 = vector.extract %slice3A_203[0] : i32 from vector<1xi32>
    %select_n3A_205 = arith.select %gt3A_199, %squeeze3A_204, %select_n3A_196 : i32
    %slice3A_206 = vector.extract_strided_slice %get3A_156 {offsets = [6], sizes = [1], strides = [1]} : vector<16xf32> to vector<1xf32>
    %squeeze3A_207 = vector.extract %slice3A_206[0] : f32 from vector<1xf32>
    %gt3A_208 = arith.cmpf ogt, %squeeze3A_207, %select_n3A_202 : f32
    %slice3A_209 = vector.extract_strided_slice %get3A_156 {offsets = [6], sizes = [1], strides = [1]} : vector<16xf32> to vector<1xf32>
    %squeeze3A_210 = vector.extract %slice3A_209[0] : f32 from vector<1xf32>
    %select_n3A_211 = arith.select %gt3A_208, %squeeze3A_210, %select_n3A_202 : f32
    %slice3A_212 = vector.extract_strided_slice %get3A_159 {offsets = [6], sizes = [1], strides = [1]} : vector<16xi32> to vector<1xi32>
    %squeeze3A_213 = vector.extract %slice3A_212[0] : i32 from vector<1xi32>
    %select_n3A_214 = arith.select %gt3A_208, %squeeze3A_213, %select_n3A_205 : i32
    %rem3A_215 = arith.constant 16 : i32
    %rem3A_216 = arith.remsi %select_n3A_214, %rem3A_215 : i32
    %sub3A_217 = arith.subi %select_n3A_214, %rem3A_216 : i32
    %eq3A_218 = vector.broadcast %rem3A_216 : i32 to vector<16xi32>
    %eq3A_219 = arith.cmpi eq, %iota3A, %eq3A_218 : vector<16xi32>
    %jit3A_220 = arith.constant 0.900000989 : f32
    %jit3A_221 = arith.constant 9.99999997E-7 : f32
    %broadcast_in_dim3A_222 = vector.broadcast %jit3A_220 : f32 to vector<16xf32>
    %broadcast_in_dim3A_223 = vector.broadcast %jit3A_221 : f32 to vector<16xf32>
    %select_n3A_224 = arith.select %eq3A_219, %broadcast_in_dim3A_222, %broadcast_in_dim3A_223 : vector<16xi1>, vector<16xf32>
    %swap3A = arith.constant 0 : index
    %swap3A_225 = tpu.vector_load %arg7[%swap3A] {strides = array<i32>} : memref<16xf32, #tpu.memory_space<vmem>>, vector<16xf32>,
    %swap3A_226 = vector.shape_cast %swap3A_225 : vector<16xf32> to vector<16xf32>
    %swap3A_227 = vector.shape_cast %select_n3A_224 : vector<16xf32> to vector<16xf32>
    tpu.vector_store %arg7[%swap3A], %swap3A_227 {strides = array<i32>} : memref<16xf32, #tpu.memory_space<vmem>>, vector<16xf32>,
    %add3A_228 = arith.constant 0 : i32
    %add3A_229 = arith.addi %mul3A_21, %add3A_228 : i32
    %mul3A_230 = arith.constant 100000 : i32
    %mul3A_231 = arith.muli %add3A_229, %mul3A_230 : i32
    %add3A_232 = arith.addi %mul3A_231, %sub3A_217 : i32
    %multiple_of3A_233 = tpu.assume_multiple %add3A_232, 16 : i32
    %eq3A_234 = arith.constant 0 : i32
    %eq3A_235 = arith.cmpi eq, %sub3A_19, %eq3A_234 : i32
    %lt3A = arith.constant 49920 : i32
    %lt3A_236 = arith.cmpi slt, %sub3A_217, %lt3A : i32
    %and3A_237 = arith.andi %eq3A_235, %lt3A_236 : i1
    %convert_element_type3A_238 = arith.extui %and3A_237 : i1 to i32
    %cond3A_239 = arith.constant 0 : i32
    %cond3A_240 = arith.cmpi ne, %convert_element_type3A_238, %cond3A_239 : i32
    scf.if %cond3A_240 {
      "tpu.region"() ({
        %run_scoped3A = tpu.sem_alloc : memref<!tpu.dma_semaphore, #tpu.memory_space<semaphore_mem>>
        %dma_start3A = tpu.memref_slice %arg4[%multiple_of3A_233] : memref<12800000xf32, #tpu.memory_space<hbm>> -> memref<16xf32, #tpu.memory_space<hbm>>
        %dma_start3A_983 = tpu.memref_slice %arg4[%multiple_of3A_233] : memref<12800000xf32, #tpu.memory_space<hbm>> -> memref<16xf32, #tpu.memory_space<hbm>>
        tpu.enqueue_dma source(%arg7 : memref<16xf32, #tpu.memory_space<vmem>>) target(%dma_start3A_983 : memref<16xf32, #tpu.memory_space<hbm>>) target_semaphore(%run_scoped3A : memref<!tpu.dma_semaphore, #tpu.memory_space<semaphore_mem>>)
        %dma_wait3A = tpu.memref_slice %arg4[%multiple_of3A_233] : memref<12800000xf32, #tpu.memory_space<hbm>> -> memref<16xf32, #tpu.memory_space<hbm>>
        %dma_wait3A_984 = tpu.memref_slice %arg4[%multiple_of3A_233] : memref<12800000xf32, #tpu.memory_space<hbm>> -> memref<16xf32, #tpu.memory_space<hbm>>
        tpu.wait_dma2 semaphore(%run_scoped3A : memref<!tpu.dma_semaphore, #tpu.memory_space<semaphore_mem>>) src(%arg7 : memref<16xf32, #tpu.memory_space<vmem>>) dst(%dma_wait3A_984 : memref<16xf32, #tpu.memory_space<hbm>>)
        tpu.yield
      }) : () -> ()
    } else {
    }
    %eq3A_241 = arith.constant 1 : i32
    %eq3A_242 = arith.cmpi eq, %sub3A_19, %eq3A_241 : i32
    %ge3A = arith.constant 49920 : i32
    %ge3A_243 = arith.cmpi sge, %sub3A_217, %ge3A : i32
    %and3A_244 = arith.andi %eq3A_242, %ge3A_243 : i1
    %convert_element_type3A_245 = arith.extui %and3A_244 : i1 to i32
    %cond3A_246 = arith.constant 0 : i32
    %cond3A_247 = arith.cmpi ne, %convert_element_type3A_245, %cond3A_246 : i32
    scf.if %cond3A_247 {
      "tpu.region"() ({
        %run_scoped3A = tpu.sem_alloc : memref<!tpu.dma_semaphore, #tpu.memory_space<semaphore_mem>>
        %dma_start3A = tpu.memref_slice %arg4[%multiple_of3A_233] : memref<12800000xf32, #tpu.memory_space<hbm>> -> memref<16xf32, #tpu.memory_space<hbm>>
        %dma_start3A_983 = tpu.memref_slice %arg4[%multiple_of3A_233] : memref<12800000xf32, #tpu.memory_space<hbm>> -> memref<16xf32, #tpu.memory_space<hbm>>
        tpu.enqueue_dma source(%arg7 : memref<16xf32, #tpu.memory_space<vmem>>) target(%dma_start3A_983 : memref<16xf32, #tpu.memory_space<hbm>>) target_semaphore(%run_scoped3A : memref<!tpu.dma_semaphore, #tpu.memory_space<semaphore_mem>>)
        %dma_wait3A = tpu.memref_slice %arg4[%multiple_of3A_233] : memref<12800000xf32, #tpu.memory_space<hbm>> -> memref<16xf32, #tpu.memory_space<hbm>>
        %dma_wait3A_984 = tpu.memref_slice %arg4[%multiple_of3A_233] : memref<12800000xf32, #tpu.memory_space<hbm>> -> memref<16xf32, #tpu.memory_space<hbm>>
        tpu.wait_dma2 semaphore(%run_scoped3A : memref<!tpu.dma_semaphore, #tpu.memory_space<semaphore_mem>>) src(%arg7 : memref<16xf32, #tpu.memory_space<vmem>>) dst(%dma_wait3A_984 : memref<16xf32, #tpu.memory_space<hbm>>)
        tpu.yield
      }) : () -> ()
    } else {
    }
    %add3A_248 = arith.constant 1 : i32
    %add3A_249 = arith.addi %mul3A_21, %add3A_248 : i32
    %mul3A_250 = arith.constant 16 : i32
    %mul3A_251 = arith.muli %add3A_249, %mul3A_250 : i32
    %multiple_of3A_252 = tpu.assume_multiple %mul3A_251, 16 : i32
    %get3A_253 = arith.index_cast %multiple_of3A_252 : i32 to index
    %get3A_254 = tpu.vector_load %arg8[%get3A_253] {strides = array<i32>} : memref<2048xf32, #tpu.memory_space<vmem>>, vector<16xf32>,
    %get3A_255 = vector.shape_cast %get3A_254 : vector<16xf32> to vector<16xf32>
    %get3A_256 = arith.index_cast %multiple_of3A_252 : i32 to index
    %get3A_257 = tpu.vector_load %arg9[%get3A_256] {strides = array<i32>} : memref<2048xi32, #tpu.memory_space<vmem>>, vector<16xi32>,
    %get3A_258 = vector.shape_cast %get3A_257 : vector<16xi32> to vector<16xi32>
    %slice3A_259 = vector.extract_strided_slice %get3A_255 {offsets = [0], sizes = [1], strides = [1]} : vector<16xf32> to vector<1xf32>
    %squeeze3A_260 = vector.extract %slice3A_259[0] : f32 from vector<1xf32>
    %slice3A_261 = vector.extract_strided_slice %get3A_258 {offsets = [0], sizes = [1], strides = [1]} : vector<16xi32> to vector<1xi32>
    %squeeze3A_262 = vector.extract %slice3A_261[0] : i32 from vector<1xi32>
    %slice3A_263 = vector.extract_strided_slice %get3A_255 {offsets = [1], sizes = [1], strides = [1]} : vector<16xf32> to vector<1xf32>
    %squeeze3A_264 = vector.extract %slice3A_263[0] : f32 from vector<1xf32>
    %gt3A_265 = arith.cmpf ogt, %squeeze3A_264, %squeeze3A_260 : f32
    %slice3A_266 = vector.extract_strided_slice %get3A_255 {offsets = [1], sizes = [1], strides = [1]} : vector<16xf32> to vector<1xf32>
    %squeeze3A_267 = vector.extract %slice3A_266[0] : f32 from vector<1xf32>
    %select_n3A_268 = arith.select %gt3A_265, %squeeze3A_267, %squeeze3A_260 : f32
    %slice3A_269 = vector.extract_strided_slice %get3A_258 {offsets = [1], sizes = [1], strides = [1]} : vector<16xi32> to vector<1xi32>
    %squeeze3A_270 = vector.extract %slice3A_269[0] : i32 from vector<1xi32>
    %select_n3A_271 = arith.select %gt3A_265, %squeeze3A_270, %squeeze3A_262 : i32
    %slice3A_272 = vector.extract_strided_slice %get3A_255 {offsets = [2], sizes = [1], strides = [1]} : vector<16xf32> to vector<1xf32>
    %squeeze3A_273 = vector.extract %slice3A_272[0] : f32 from vector<1xf32>
    %gt3A_274 = arith.cmpf ogt, %squeeze3A_273, %select_n3A_268 : f32
    %slice3A_275 = vector.extract_strided_slice %get3A_255 {offsets = [2], sizes = [1], strides = [1]} : vector<16xf32> to vector<1xf32>
    %squeeze3A_276 = vector.extract %slice3A_275[0] : f32 from vector<1xf32>
    %select_n3A_277 = arith.select %gt3A_274, %squeeze3A_276, %select_n3A_268 : f32
    %slice3A_278 = vector.extract_strided_slice %get3A_258 {offsets = [2], sizes = [1], strides = [1]} : vector<16xi32> to vector<1xi32>
    %squeeze3A_279 = vector.extract %slice3A_278[0] : i32 from vector<1xi32>
    %select_n3A_280 = arith.select %gt3A_274, %squeeze3A_279, %select_n3A_271 : i32
    %slice3A_281 = vector.extract_strided_slice %get3A_255 {offsets = [3], sizes = [1], strides = [1]} : vector<16xf32> to vector<1xf32>
    %squeeze3A_282 = vector.extract %slice3A_281[0] : f32 from vector<1xf32>
    %gt3A_283 = arith.cmpf ogt, %squeeze3A_282, %select_n3A_277 : f32
    %slice3A_284 = vector.extract_strided_slice %get3A_255 {offsets = [3], sizes = [1], strides = [1]} : vector<16xf32> to vector<1xf32>
    %squeeze3A_285 = vector.extract %slice3A_284[0] : f32 from vector<1xf32>
    %select_n3A_286 = arith.select %gt3A_283, %squeeze3A_285, %select_n3A_277 : f32
    %slice3A_287 = vector.extract_strided_slice %get3A_258 {offsets = [3], sizes = [1], strides = [1]} : vector<16xi32> to vector<1xi32>
    %squeeze3A_288 = vector.extract %slice3A_287[0] : i32 from vector<1xi32>
    %select_n3A_289 = arith.select %gt3A_283, %squeeze3A_288, %select_n3A_280 : i32
    %slice3A_290 = vector.extract_strided_slice %get3A_255 {offsets = [4], sizes = [1], strides = [1]} : vector<16xf32> to vector<1xf32>
    %squeeze3A_291 = vector.extract %slice3A_290[0] : f32 from vector<1xf32>
    %gt3A_292 = arith.cmpf ogt, %squeeze3A_291, %select_n3A_286 : f32
    %slice3A_293 = vector.extract_strided_slice %get3A_255 {offsets = [4], sizes = [1], strides = [1]} : vector<16xf32> to vector<1xf32>
    %squeeze3A_294 = vector.extract %slice3A_293[0] : f32 from vector<1xf32>
    %select_n3A_295 = arith.select %gt3A_292, %squeeze3A_294, %select_n3A_286 : f32
    %slice3A_296 = vector.extract_strided_slice %get3A_258 {offsets = [4], sizes = [1], strides = [1]} : vector<16xi32> to vector<1xi32>
    %squeeze3A_297 = vector.extract %slice3A_296[0] : i32 from vector<1xi32>
    %select_n3A_298 = arith.select %gt3A_292, %squeeze3A_297, %select_n3A_289 : i32
    %slice3A_299 = vector.extract_strided_slice %get3A_255 {offsets = [5], sizes = [1], strides = [1]} : vector<16xf32> to vector<1xf32>
    %squeeze3A_300 = vector.extract %slice3A_299[0] : f32 from vector<1xf32>
    %gt3A_301 = arith.cmpf ogt, %squeeze3A_300, %select_n3A_295 : f32
    %slice3A_302 = vector.extract_strided_slice %get3A_255 {offsets = [5], sizes = [1], strides = [1]} : vector<16xf32> to vector<1xf32>
    %squeeze3A_303 = vector.extract %slice3A_302[0] : f32 from vector<1xf32>
    %select_n3A_304 = arith.select %gt3A_301, %squeeze3A_303, %select_n3A_295 : f32
    %slice3A_305 = vector.extract_strided_slice %get3A_258 {offsets = [5], sizes = [1], strides = [1]} : vector<16xi32> to vector<1xi32>
    %squeeze3A_306 = vector.extract %slice3A_305[0] : i32 from vector<1xi32>
    %select_n3A_307 = arith.select %gt3A_301, %squeeze3A_306, %select_n3A_298 : i32
    %slice3A_308 = vector.extract_strided_slice %get3A_255 {offsets = [6], sizes = [1], strides = [1]} : vector<16xf32> to vector<1xf32>
    %squeeze3A_309 = vector.extract %slice3A_308[0] : f32 from vector<1xf32>
    %gt3A_310 = arith.cmpf ogt, %squeeze3A_309, %select_n3A_304 : f32
    %slice3A_311 = vector.extract_strided_slice %get3A_255 {offsets = [6], sizes = [1], strides = [1]} : vector<16xf32> to vector<1xf32>
    %squeeze3A_312 = vector.extract %slice3A_311[0] : f32 from vector<1xf32>
    %select_n3A_313 = arith.select %gt3A_310, %squeeze3A_312, %select_n3A_304 : f32
    %slice3A_314 = vector.extract_strided_slice %get3A_258 {offsets = [6], sizes = [1], strides = [1]} : vector<16xi32> to vector<1xi32>
    %squeeze3A_315 = vector.extract %slice3A_314[0] : i32 from vector<1xi32>
    %select_n3A_316 = arith.select %gt3A_310, %squeeze3A_315, %select_n3A_307 : i32
    %rem3A_317 = arith.constant 16 : i32
    %rem3A_318 = arith.remsi %select_n3A_316, %rem3A_317 : i32
    %sub3A_319 = arith.subi %select_n3A_316, %rem3A_318 : i32
    %eq3A_320 = vector.broadcast %rem3A_318 : i32 to vector<16xi32>
    %eq3A_321 = arith.cmpi eq, %iota3A, %eq3A_320 : vector<16xi32>
    %jit3A_322 = arith.constant 0.900000989 : f32
    %jit3A_323 = arith.constant 9.99999997E-7 : f32
    %broadcast_in_dim3A_324 = vector.broadcast %jit3A_322 : f32 to vector<16xf32>
    %broadcast_in_dim3A_325 = vector.broadcast %jit3A_323 : f32 to vector<16xf32>
    %select_n3A_326 = arith.select %eq3A_321, %broadcast_in_dim3A_324, %broadcast_in_dim3A_325 : vector<16xi1>, vector<16xf32>
    %swap3A_327 = arith.constant 0 : index
    %swap3A_328 = tpu.vector_load %arg7[%swap3A_327] {strides = array<i32>} : memref<16xf32, #tpu.memory_space<vmem>>, vector<16xf32>,
    %swap3A_329 = vector.shape_cast %swap3A_328 : vector<16xf32> to vector<16xf32>
    %swap3A_330 = vector.shape_cast %select_n3A_326 : vector<16xf32> to vector<16xf32>
    tpu.vector_store %arg7[%swap3A_327], %swap3A_330 {strides = array<i32>} : memref<16xf32, #tpu.memory_space<vmem>>, vector<16xf32>,
    %add3A_331 = arith.constant 1 : i32
    %add3A_332 = arith.addi %mul3A_21, %add3A_331 : i32
    %mul3A_333 = arith.constant 100000 : i32
    %mul3A_334 = arith.muli %add3A_332, %mul3A_333 : i32
    %add3A_335 = arith.addi %mul3A_334, %sub3A_319 : i32
    %multiple_of3A_336 = tpu.assume_multiple %add3A_335, 16 : i32
    %eq3A_337 = arith.constant 0 : i32
    %eq3A_338 = arith.cmpi eq, %sub3A_19, %eq3A_337 : i32
    %lt3A_339 = arith.constant 49920 : i32
    %lt3A_340 = arith.cmpi slt, %sub3A_319, %lt3A_339 : i32
    %and3A_341 = arith.andi %eq3A_338, %lt3A_340 : i1
    %convert_element_type3A_342 = arith.extui %and3A_341 : i1 to i32
    %cond3A_343 = arith.constant 0 : i32
    %cond3A_344 = arith.cmpi ne, %convert_element_type3A_342, %cond3A_343 : i32
    scf.if %cond3A_344 {
      "tpu.region"() ({
        %run_scoped3A = tpu.sem_alloc : memref<!tpu.dma_semaphore, #tpu.memory_space<semaphore_mem>>
        %dma_start3A = tpu.memref_slice %arg4[%multiple_of3A_336] : memref<12800000xf32, #tpu.memory_space<hbm>> -> memref<16xf32, #tpu.memory_space<hbm>>
        %dma_start3A_983 = tpu.memref_slice %arg4[%multiple_of3A_336] : memref<12800000xf32, #tpu.memory_space<hbm>> -> memref<16xf32, #tpu.memory_space<hbm>>
        tpu.enqueue_dma source(%arg7 : memref<16xf32, #tpu.memory_space<vmem>>) target(%dma_start3A_983 : memref<16xf32, #tpu.memory_space<hbm>>) target_semaphore(%run_scoped3A : memref<!tpu.dma_semaphore, #tpu.memory_space<semaphore_mem>>)
        %dma_wait3A = tpu.memref_slice %arg4[%multiple_of3A_336] : memref<12800000xf32, #tpu.memory_space<hbm>> -> memref<16xf32, #tpu.memory_space<hbm>>
        %dma_wait3A_984 = tpu.memref_slice %arg4[%multiple_of3A_336] : memref<12800000xf32, #tpu.memory_space<hbm>> -> memref<16xf32, #tpu.memory_space<hbm>>
        tpu.wait_dma2 semaphore(%run_scoped3A : memref<!tpu.dma_semaphore, #tpu.memory_space<semaphore_mem>>) src(%arg7 : memref<16xf32, #tpu.memory_space<vmem>>) dst(%dma_wait3A_984 : memref<16xf32, #tpu.memory_space<hbm>>)
        tpu.yield
      }) : () -> ()
    } else {
    }
    %eq3A_345 = arith.constant 1 : i32
    %eq3A_346 = arith.cmpi eq, %sub3A_19, %eq3A_345 : i32
    %ge3A_347 = arith.constant 49920 : i32
    %ge3A_348 = arith.cmpi sge, %sub3A_319, %ge3A_347 : i32
    %and3A_349 = arith.andi %eq3A_346, %ge3A_348 : i1
    %convert_element_type3A_350 = arith.extui %and3A_349 : i1 to i32
    %cond3A_351 = arith.constant 0 : i32
    %cond3A_352 = arith.cmpi ne, %convert_element_type3A_350, %cond3A_351 : i32
    scf.if %cond3A_352 {
      "tpu.region"() ({
        %run_scoped3A = tpu.sem_alloc : memref<!tpu.dma_semaphore, #tpu.memory_space<semaphore_mem>>
        %dma_start3A = tpu.memref_slice %arg4[%multiple_of3A_336] : memref<12800000xf32, #tpu.memory_space<hbm>> -> memref<16xf32, #tpu.memory_space<hbm>>
        %dma_start3A_983 = tpu.memref_slice %arg4[%multiple_of3A_336] : memref<12800000xf32, #tpu.memory_space<hbm>> -> memref<16xf32, #tpu.memory_space<hbm>>
        tpu.enqueue_dma source(%arg7 : memref<16xf32, #tpu.memory_space<vmem>>) target(%dma_start3A_983 : memref<16xf32, #tpu.memory_space<hbm>>) target_semaphore(%run_scoped3A : memref<!tpu.dma_semaphore, #tpu.memory_space<semaphore_mem>>)
        %dma_wait3A = tpu.memref_slice %arg4[%multiple_of3A_336] : memref<12800000xf32, #tpu.memory_space<hbm>> -> memref<16xf32, #tpu.memory_space<hbm>>
        %dma_wait3A_984 = tpu.memref_slice %arg4[%multiple_of3A_336] : memref<12800000xf32, #tpu.memory_space<hbm>> -> memref<16xf32, #tpu.memory_space<hbm>>
        tpu.wait_dma2 semaphore(%run_scoped3A : memref<!tpu.dma_semaphore, #tpu.memory_space<semaphore_mem>>) src(%arg7 : memref<16xf32, #tpu.memory_space<vmem>>) dst(%dma_wait3A_984 : memref<16xf32, #tpu.memory_space<hbm>>)
        tpu.yield
      }) : () -> ()
    } else {
    }
    %add3A_353 = arith.constant 2 : i32
    %add3A_354 = arith.addi %mul3A_21, %add3A_353 : i32
    %mul3A_355 = arith.constant 16 : i32
    %mul3A_356 = arith.muli %add3A_354, %mul3A_355 : i32
    %multiple_of3A_357 = tpu.assume_multiple %mul3A_356, 16 : i32
    %get3A_358 = arith.index_cast %multiple_of3A_357 : i32 to index
    %get3A_359 = tpu.vector_load %arg8[%get3A_358] {strides = array<i32>} : memref<2048xf32, #tpu.memory_space<vmem>>, vector<16xf32>,
    %get3A_360 = vector.shape_cast %get3A_359 : vector<16xf32> to vector<16xf32>
    %get3A_361 = arith.index_cast %multiple_of3A_357 : i32 to index
    %get3A_362 = tpu.vector_load %arg9[%get3A_361] {strides = array<i32>} : memref<2048xi32, #tpu.memory_space<vmem>>, vector<16xi32>,
    %get3A_363 = vector.shape_cast %get3A_362 : vector<16xi32> to vector<16xi32>
    %slice3A_364 = vector.extract_strided_slice %get3A_360 {offsets = [0], sizes = [1], strides = [1]} : vector<16xf32> to vector<1xf32>
    %squeeze3A_365 = vector.extract %slice3A_364[0] : f32 from vector<1xf32>
    %slice3A_366 = vector.extract_strided_slice %get3A_363 {offsets = [0], sizes = [1], strides = [1]} : vector<16xi32> to vector<1xi32>
    %squeeze3A_367 = vector.extract %slice3A_366[0] : i32 from vector<1xi32>
    %slice3A_368 = vector.extract_strided_slice %get3A_360 {offsets = [1], sizes = [1], strides = [1]} : vector<16xf32> to vector<1xf32>
    %squeeze3A_369 = vector.extract %slice3A_368[0] : f32 from vector<1xf32>
    %gt3A_370 = arith.cmpf ogt, %squeeze3A_369, %squeeze3A_365 : f32
    %slice3A_371 = vector.extract_strided_slice %get3A_360 {offsets = [1], sizes = [1], strides = [1]} : vector<16xf32> to vector<1xf32>
    %squeeze3A_372 = vector.extract %slice3A_371[0] : f32 from vector<1xf32>
    %select_n3A_373 = arith.select %gt3A_370, %squeeze3A_372, %squeeze3A_365 : f32
    %slice3A_374 = vector.extract_strided_slice %get3A_363 {offsets = [1], sizes = [1], strides = [1]} : vector<16xi32> to vector<1xi32>
    %squeeze3A_375 = vector.extract %slice3A_374[0] : i32 from vector<1xi32>
    %select_n3A_376 = arith.select %gt3A_370, %squeeze3A_375, %squeeze3A_367 : i32
    %slice3A_377 = vector.extract_strided_slice %get3A_360 {offsets = [2], sizes = [1], strides = [1]} : vector<16xf32> to vector<1xf32>
    %squeeze3A_378 = vector.extract %slice3A_377[0] : f32 from vector<1xf32>
    %gt3A_379 = arith.cmpf ogt, %squeeze3A_378, %select_n3A_373 : f32
    %slice3A_380 = vector.extract_strided_slice %get3A_360 {offsets = [2], sizes = [1], strides = [1]} : vector<16xf32> to vector<1xf32>
    %squeeze3A_381 = vector.extract %slice3A_380[0] : f32 from vector<1xf32>
    %select_n3A_382 = arith.select %gt3A_379, %squeeze3A_381, %select_n3A_373 : f32
    %slice3A_383 = vector.extract_strided_slice %get3A_363 {offsets = [2], sizes = [1], strides = [1]} : vector<16xi32> to vector<1xi32>
    %squeeze3A_384 = vector.extract %slice3A_383[0] : i32 from vector<1xi32>
    %select_n3A_385 = arith.select %gt3A_379, %squeeze3A_384, %select_n3A_376 : i32
    %slice3A_386 = vector.extract_strided_slice %get3A_360 {offsets = [3], sizes = [1], strides = [1]} : vector<16xf32> to vector<1xf32>
    %squeeze3A_387 = vector.extract %slice3A_386[0] : f32 from vector<1xf32>
    %gt3A_388 = arith.cmpf ogt, %squeeze3A_387, %select_n3A_382 : f32
    %slice3A_389 = vector.extract_strided_slice %get3A_360 {offsets = [3], sizes = [1], strides = [1]} : vector<16xf32> to vector<1xf32>
    %squeeze3A_390 = vector.extract %slice3A_389[0] : f32 from vector<1xf32>
    %select_n3A_391 = arith.select %gt3A_388, %squeeze3A_390, %select_n3A_382 : f32
    %slice3A_392 = vector.extract_strided_slice %get3A_363 {offsets = [3], sizes = [1], strides = [1]} : vector<16xi32> to vector<1xi32>
    %squeeze3A_393 = vector.extract %slice3A_392[0] : i32 from vector<1xi32>
    %select_n3A_394 = arith.select %gt3A_388, %squeeze3A_393, %select_n3A_385 : i32
    %slice3A_395 = vector.extract_strided_slice %get3A_360 {offsets = [4], sizes = [1], strides = [1]} : vector<16xf32> to vector<1xf32>
    %squeeze3A_396 = vector.extract %slice3A_395[0] : f32 from vector<1xf32>
    %gt3A_397 = arith.cmpf ogt, %squeeze3A_396, %select_n3A_391 : f32
    %slice3A_398 = vector.extract_strided_slice %get3A_360 {offsets = [4], sizes = [1], strides = [1]} : vector<16xf32> to vector<1xf32>
    %squeeze3A_399 = vector.extract %slice3A_398[0] : f32 from vector<1xf32>
    %select_n3A_400 = arith.select %gt3A_397, %squeeze3A_399, %select_n3A_391 : f32
    %slice3A_401 = vector.extract_strided_slice %get3A_363 {offsets = [4], sizes = [1], strides = [1]} : vector<16xi32> to vector<1xi32>
    %squeeze3A_402 = vector.extract %slice3A_401[0] : i32 from vector<1xi32>
    %select_n3A_403 = arith.select %gt3A_397, %squeeze3A_402, %select_n3A_394 : i32
    %slice3A_404 = vector.extract_strided_slice %get3A_360 {offsets = [5], sizes = [1], strides = [1]} : vector<16xf32> to vector<1xf32>
    %squeeze3A_405 = vector.extract %slice3A_404[0] : f32 from vector<1xf32>
    %gt3A_406 = arith.cmpf ogt, %squeeze3A_405, %select_n3A_400 : f32
    %slice3A_407 = vector.extract_strided_slice %get3A_360 {offsets = [5], sizes = [1], strides = [1]} : vector<16xf32> to vector<1xf32>
    %squeeze3A_408 = vector.extract %slice3A_407[0] : f32 from vector<1xf32>
    %select_n3A_409 = arith.select %gt3A_406, %squeeze3A_408, %select_n3A_400 : f32
    %slice3A_410 = vector.extract_strided_slice %get3A_363 {offsets = [5], sizes = [1], strides = [1]} : vector<16xi32> to vector<1xi32>
    %squeeze3A_411 = vector.extract %slice3A_410[0] : i32 from vector<1xi32>
    %select_n3A_412 = arith.select %gt3A_406, %squeeze3A_411, %select_n3A_403 : i32
    %slice3A_413 = vector.extract_strided_slice %get3A_360 {offsets = [6], sizes = [1], strides = [1]} : vector<16xf32> to vector<1xf32>
    %squeeze3A_414 = vector.extract %slice3A_413[0] : f32 from vector<1xf32>
    %gt3A_415 = arith.cmpf ogt, %squeeze3A_414, %select_n3A_409 : f32
    %slice3A_416 = vector.extract_strided_slice %get3A_360 {offsets = [6], sizes = [1], strides = [1]} : vector<16xf32> to vector<1xf32>
    %squeeze3A_417 = vector.extract %slice3A_416[0] : f32 from vector<1xf32>
    %select_n3A_418 = arith.select %gt3A_415, %squeeze3A_417, %select_n3A_409 : f32
    %slice3A_419 = vector.extract_strided_slice %get3A_363 {offsets = [6], sizes = [1], strides = [1]} : vector<16xi32> to vector<1xi32>
    %squeeze3A_420 = vector.extract %slice3A_419[0] : i32 from vector<1xi32>
    %select_n3A_421 = arith.select %gt3A_415, %squeeze3A_420, %select_n3A_412 : i32
    %rem3A_422 = arith.constant 16 : i32
    %rem3A_423 = arith.remsi %select_n3A_421, %rem3A_422 : i32
    %sub3A_424 = arith.subi %select_n3A_421, %rem3A_423 : i32
    %eq3A_425 = vector.broadcast %rem3A_423 : i32 to vector<16xi32>
    %eq3A_426 = arith.cmpi eq, %iota3A, %eq3A_425 : vector<16xi32>
    %jit3A_427 = arith.constant 0.900000989 : f32
    %jit3A_428 = arith.constant 9.99999997E-7 : f32
    %broadcast_in_dim3A_429 = vector.broadcast %jit3A_427 : f32 to vector<16xf32>
    %broadcast_in_dim3A_430 = vector.broadcast %jit3A_428 : f32 to vector<16xf32>
    %select_n3A_431 = arith.select %eq3A_426, %broadcast_in_dim3A_429, %broadcast_in_dim3A_430 : vector<16xi1>, vector<16xf32>
    %swap3A_432 = arith.constant 0 : index
    %swap3A_433 = tpu.vector_load %arg7[%swap3A_432] {strides = array<i32>} : memref<16xf32, #tpu.memory_space<vmem>>, vector<16xf32>,
    %swap3A_434 = vector.shape_cast %swap3A_433 : vector<16xf32> to vector<16xf32>
    %swap3A_435 = vector.shape_cast %select_n3A_431 : vector<16xf32> to vector<16xf32>
    tpu.vector_store %arg7[%swap3A_432], %swap3A_435 {strides = array<i32>} : memref<16xf32, #tpu.memory_space<vmem>>, vector<16xf32>,
    %add3A_436 = arith.constant 2 : i32
    %add3A_437 = arith.addi %mul3A_21, %add3A_436 : i32
    %mul3A_438 = arith.constant 100000 : i32
    %mul3A_439 = arith.muli %add3A_437, %mul3A_438 : i32
    %add3A_440 = arith.addi %mul3A_439, %sub3A_424 : i32
    %multiple_of3A_441 = tpu.assume_multiple %add3A_440, 16 : i32
    %eq3A_442 = arith.constant 0 : i32
    %eq3A_443 = arith.cmpi eq, %sub3A_19, %eq3A_442 : i32
    %lt3A_444 = arith.constant 49920 : i32
    %lt3A_445 = arith.cmpi slt, %sub3A_424, %lt3A_444 : i32
    %and3A_446 = arith.andi %eq3A_443, %lt3A_445 : i1
    %convert_element_type3A_447 = arith.extui %and3A_446 : i1 to i32
    %cond3A_448 = arith.constant 0 : i32
    %cond3A_449 = arith.cmpi ne, %convert_element_type3A_447, %cond3A_448 : i32
    scf.if %cond3A_449 {
      "tpu.region"() ({
        %run_scoped3A = tpu.sem_alloc : memref<!tpu.dma_semaphore, #tpu.memory_space<semaphore_mem>>
        %dma_start3A = tpu.memref_slice %arg4[%multiple_of3A_441] : memref<12800000xf32, #tpu.memory_space<hbm>> -> memref<16xf32, #tpu.memory_space<hbm>>
        %dma_start3A_983 = tpu.memref_slice %arg4[%multiple_of3A_441] : memref<12800000xf32, #tpu.memory_space<hbm>> -> memref<16xf32, #tpu.memory_space<hbm>>
        tpu.enqueue_dma source(%arg7 : memref<16xf32, #tpu.memory_space<vmem>>) target(%dma_start3A_983 : memref<16xf32, #tpu.memory_space<hbm>>) target_semaphore(%run_scoped3A : memref<!tpu.dma_semaphore, #tpu.memory_space<semaphore_mem>>)
        %dma_wait3A = tpu.memref_slice %arg4[%multiple_of3A_441] : memref<12800000xf32, #tpu.memory_space<hbm>> -> memref<16xf32, #tpu.memory_space<hbm>>
        %dma_wait3A_984 = tpu.memref_slice %arg4[%multiple_of3A_441] : memref<12800000xf32, #tpu.memory_space<hbm>> -> memref<16xf32, #tpu.memory_space<hbm>>
        tpu.wait_dma2 semaphore(%run_scoped3A : memref<!tpu.dma_semaphore, #tpu.memory_space<semaphore_mem>>) src(%arg7 : memref<16xf32, #tpu.memory_space<vmem>>) dst(%dma_wait3A_984 : memref<16xf32, #tpu.memory_space<hbm>>)
        tpu.yield
      }) : () -> ()
    } else {
    }
    %eq3A_450 = arith.constant 1 : i32
    %eq3A_451 = arith.cmpi eq, %sub3A_19, %eq3A_450 : i32
    %ge3A_452 = arith.constant 49920 : i32
    %ge3A_453 = arith.cmpi sge, %sub3A_424, %ge3A_452 : i32
    %and3A_454 = arith.andi %eq3A_451, %ge3A_453 : i1
    %convert_element_type3A_455 = arith.extui %and3A_454 : i1 to i32
    %cond3A_456 = arith.constant 0 : i32
    %cond3A_457 = arith.cmpi ne, %convert_element_type3A_455, %cond3A_456 : i32
    scf.if %cond3A_457 {
      "tpu.region"() ({
        %run_scoped3A = tpu.sem_alloc : memref<!tpu.dma_semaphore, #tpu.memory_space<semaphore_mem>>
        %dma_start3A = tpu.memref_slice %arg4[%multiple_of3A_441] : memref<12800000xf32, #tpu.memory_space<hbm>> -> memref<16xf32, #tpu.memory_space<hbm>>
        %dma_start3A_983 = tpu.memref_slice %arg4[%multiple_of3A_441] : memref<12800000xf32, #tpu.memory_space<hbm>> -> memref<16xf32, #tpu.memory_space<hbm>>
        tpu.enqueue_dma source(%arg7 : memref<16xf32, #tpu.memory_space<vmem>>) target(%dma_start3A_983 : memref<16xf32, #tpu.memory_space<hbm>>) target_semaphore(%run_scoped3A : memref<!tpu.dma_semaphore, #tpu.memory_space<semaphore_mem>>)
        %dma_wait3A = tpu.memref_slice %arg4[%multiple_of3A_441] : memref<12800000xf32, #tpu.memory_space<hbm>> -> memref<16xf32, #tpu.memory_space<hbm>>
        %dma_wait3A_984 = tpu.memref_slice %arg4[%multiple_of3A_441] : memref<12800000xf32, #tpu.memory_space<hbm>> -> memref<16xf32, #tpu.memory_space<hbm>>
        tpu.wait_dma2 semaphore(%run_scoped3A : memref<!tpu.dma_semaphore, #tpu.memory_space<semaphore_mem>>) src(%arg7 : memref<16xf32, #tpu.memory_space<vmem>>) dst(%dma_wait3A_984 : memref<16xf32, #tpu.memory_space<hbm>>)
        tpu.yield
      }) : () -> ()
    } else {
    }
    %add3A_458 = arith.constant 3 : i32
    %add3A_459 = arith.addi %mul3A_21, %add3A_458 : i32
    %mul3A_460 = arith.constant 16 : i32
    %mul3A_461 = arith.muli %add3A_459, %mul3A_460 : i32
    %multiple_of3A_462 = tpu.assume_multiple %mul3A_461, 16 : i32
    %get3A_463 = arith.index_cast %multiple_of3A_462 : i32 to index
    %get3A_464 = tpu.vector_load %arg8[%get3A_463] {strides = array<i32>} : memref<2048xf32, #tpu.memory_space<vmem>>, vector<16xf32>,
    %get3A_465 = vector.shape_cast %get3A_464 : vector<16xf32> to vector<16xf32>
    %get3A_466 = arith.index_cast %multiple_of3A_462 : i32 to index
    %get3A_467 = tpu.vector_load %arg9[%get3A_466] {strides = array<i32>} : memref<2048xi32, #tpu.memory_space<vmem>>, vector<16xi32>,
    %get3A_468 = vector.shape_cast %get3A_467 : vector<16xi32> to vector<16xi32>
    %slice3A_469 = vector.extract_strided_slice %get3A_465 {offsets = [0], sizes = [1], strides = [1]} : vector<16xf32> to vector<1xf32>
    %squeeze3A_470 = vector.extract %slice3A_469[0] : f32 from vector<1xf32>
    %slice3A_471 = vector.extract_strided_slice %get3A_468 {offsets = [0], sizes = [1], strides = [1]} : vector<16xi32> to vector<1xi32>
    %squeeze3A_472 = vector.extract %slice3A_471[0] : i32 from vector<1xi32>
    %slice3A_473 = vector.extract_strided_slice %get3A_465 {offsets = [1], sizes = [1], strides = [1]} : vector<16xf32> to vector<1xf32>
    %squeeze3A_474 = vector.extract %slice3A_473[0] : f32 from vector<1xf32>
    %gt3A_475 = arith.cmpf ogt, %squeeze3A_474, %squeeze3A_470 : f32
    %slice3A_476 = vector.extract_strided_slice %get3A_465 {offsets = [1], sizes = [1], strides = [1]} : vector<16xf32> to vector<1xf32>
    %squeeze3A_477 = vector.extract %slice3A_476[0] : f32 from vector<1xf32>
    %select_n3A_478 = arith.select %gt3A_475, %squeeze3A_477, %squeeze3A_470 : f32
    %slice3A_479 = vector.extract_strided_slice %get3A_468 {offsets = [1], sizes = [1], strides = [1]} : vector<16xi32> to vector<1xi32>
    %squeeze3A_480 = vector.extract %slice3A_479[0] : i32 from vector<1xi32>
    %select_n3A_481 = arith.select %gt3A_475, %squeeze3A_480, %squeeze3A_472 : i32
    %slice3A_482 = vector.extract_strided_slice %get3A_465 {offsets = [2], sizes = [1], strides = [1]} : vector<16xf32> to vector<1xf32>
    %squeeze3A_483 = vector.extract %slice3A_482[0] : f32 from vector<1xf32>
    %gt3A_484 = arith.cmpf ogt, %squeeze3A_483, %select_n3A_478 : f32
    %slice3A_485 = vector.extract_strided_slice %get3A_465 {offsets = [2], sizes = [1], strides = [1]} : vector<16xf32> to vector<1xf32>
    %squeeze3A_486 = vector.extract %slice3A_485[0] : f32 from vector<1xf32>
    %select_n3A_487 = arith.select %gt3A_484, %squeeze3A_486, %select_n3A_478 : f32
    %slice3A_488 = vector.extract_strided_slice %get3A_468 {offsets = [2], sizes = [1], strides = [1]} : vector<16xi32> to vector<1xi32>
    %squeeze3A_489 = vector.extract %slice3A_488[0] : i32 from vector<1xi32>
    %select_n3A_490 = arith.select %gt3A_484, %squeeze3A_489, %select_n3A_481 : i32
    %slice3A_491 = vector.extract_strided_slice %get3A_465 {offsets = [3], sizes = [1], strides = [1]} : vector<16xf32> to vector<1xf32>
    %squeeze3A_492 = vector.extract %slice3A_491[0] : f32 from vector<1xf32>
    %gt3A_493 = arith.cmpf ogt, %squeeze3A_492, %select_n3A_487 : f32
    %slice3A_494 = vector.extract_strided_slice %get3A_465 {offsets = [3], sizes = [1], strides = [1]} : vector<16xf32> to vector<1xf32>
    %squeeze3A_495 = vector.extract %slice3A_494[0] : f32 from vector<1xf32>
    %select_n3A_496 = arith.select %gt3A_493, %squeeze3A_495, %select_n3A_487 : f32
    %slice3A_497 = vector.extract_strided_slice %get3A_468 {offsets = [3], sizes = [1], strides = [1]} : vector<16xi32> to vector<1xi32>
    %squeeze3A_498 = vector.extract %slice3A_497[0] : i32 from vector<1xi32>
    %select_n3A_499 = arith.select %gt3A_493, %squeeze3A_498, %select_n3A_490 : i32
    %slice3A_500 = vector.extract_strided_slice %get3A_465 {offsets = [4], sizes = [1], strides = [1]} : vector<16xf32> to vector<1xf32>
    %squeeze3A_501 = vector.extract %slice3A_500[0] : f32 from vector<1xf32>
    %gt3A_502 = arith.cmpf ogt, %squeeze3A_501, %select_n3A_496 : f32
    %slice3A_503 = vector.extract_strided_slice %get3A_465 {offsets = [4], sizes = [1], strides = [1]} : vector<16xf32> to vector<1xf32>
    %squeeze3A_504 = vector.extract %slice3A_503[0] : f32 from vector<1xf32>
    %select_n3A_505 = arith.select %gt3A_502, %squeeze3A_504, %select_n3A_496 : f32
    %slice3A_506 = vector.extract_strided_slice %get3A_468 {offsets = [4], sizes = [1], strides = [1]} : vector<16xi32> to vector<1xi32>
    %squeeze3A_507 = vector.extract %slice3A_506[0] : i32 from vector<1xi32>
    %select_n3A_508 = arith.select %gt3A_502, %squeeze3A_507, %select_n3A_499 : i32
    %slice3A_509 = vector.extract_strided_slice %get3A_465 {offsets = [5], sizes = [1], strides = [1]} : vector<16xf32> to vector<1xf32>
    %squeeze3A_510 = vector.extract %slice3A_509[0] : f32 from vector<1xf32>
    %gt3A_511 = arith.cmpf ogt, %squeeze3A_510, %select_n3A_505 : f32
    %slice3A_512 = vector.extract_strided_slice %get3A_465 {offsets = [5], sizes = [1], strides = [1]} : vector<16xf32> to vector<1xf32>
    %squeeze3A_513 = vector.extract %slice3A_512[0] : f32 from vector<1xf32>
    %select_n3A_514 = arith.select %gt3A_511, %squeeze3A_513, %select_n3A_505 : f32
    %slice3A_515 = vector.extract_strided_slice %get3A_468 {offsets = [5], sizes = [1], strides = [1]} : vector<16xi32> to vector<1xi32>
    %squeeze3A_516 = vector.extract %slice3A_515[0] : i32 from vector<1xi32>
    %select_n3A_517 = arith.select %gt3A_511, %squeeze3A_516, %select_n3A_508 : i32
    %slice3A_518 = vector.extract_strided_slice %get3A_465 {offsets = [6], sizes = [1], strides = [1]} : vector<16xf32> to vector<1xf32>
    %squeeze3A_519 = vector.extract %slice3A_518[0] : f32 from vector<1xf32>
    %gt3A_520 = arith.cmpf ogt, %squeeze3A_519, %select_n3A_514 : f32
    %slice3A_521 = vector.extract_strided_slice %get3A_465 {offsets = [6], sizes = [1], strides = [1]} : vector<16xf32> to vector<1xf32>
    %squeeze3A_522 = vector.extract %slice3A_521[0] : f32 from vector<1xf32>
    %select_n3A_523 = arith.select %gt3A_520, %squeeze3A_522, %select_n3A_514 : f32
    %slice3A_524 = vector.extract_strided_slice %get3A_468 {offsets = [6], sizes = [1], strides = [1]} : vector<16xi32> to vector<1xi32>
    %squeeze3A_525 = vector.extract %slice3A_524[0] : i32 from vector<1xi32>
    %select_n3A_526 = arith.select %gt3A_520, %squeeze3A_525, %select_n3A_517 : i32
    %rem3A_527 = arith.constant 16 : i32
    %rem3A_528 = arith.remsi %select_n3A_526, %rem3A_527 : i32
    %sub3A_529 = arith.subi %select_n3A_526, %rem3A_528 : i32
    %eq3A_530 = vector.broadcast %rem3A_528 : i32 to vector<16xi32>
    %eq3A_531 = arith.cmpi eq, %iota3A, %eq3A_530 : vector<16xi32>
    %jit3A_532 = arith.constant 0.900000989 : f32
    %jit3A_533 = arith.constant 9.99999997E-7 : f32
    %broadcast_in_dim3A_534 = vector.broadcast %jit3A_532 : f32 to vector<16xf32>
    %broadcast_in_dim3A_535 = vector.broadcast %jit3A_533 : f32 to vector<16xf32>
    %select_n3A_536 = arith.select %eq3A_531, %broadcast_in_dim3A_534, %broadcast_in_dim3A_535 : vector<16xi1>, vector<16xf32>
    %swap3A_537 = arith.constant 0 : index
    %swap3A_538 = tpu.vector_load %arg7[%swap3A_537] {strides = array<i32>} : memref<16xf32, #tpu.memory_space<vmem>>, vector<16xf32>,
    %swap3A_539 = vector.shape_cast %swap3A_538 : vector<16xf32> to vector<16xf32>
    %swap3A_540 = vector.shape_cast %select_n3A_536 : vector<16xf32> to vector<16xf32>
    tpu.vector_store %arg7[%swap3A_537], %swap3A_540 {strides = array<i32>} : memref<16xf32, #tpu.memory_space<vmem>>, vector<16xf32>,
    %add3A_541 = arith.constant 3 : i32
    %add3A_542 = arith.addi %mul3A_21, %add3A_541 : i32
    %mul3A_543 = arith.constant 100000 : i32
    %mul3A_544 = arith.muli %add3A_542, %mul3A_543 : i32
    %add3A_545 = arith.addi %mul3A_544, %sub3A_529 : i32
    %multiple_of3A_546 = tpu.assume_multiple %add3A_545, 16 : i32
    %eq3A_547 = arith.constant 0 : i32
    %eq3A_548 = arith.cmpi eq, %sub3A_19, %eq3A_547 : i32
    %lt3A_549 = arith.constant 49920 : i32
    %lt3A_550 = arith.cmpi slt, %sub3A_529, %lt3A_549 : i32
    %and3A_551 = arith.andi %eq3A_548, %lt3A_550 : i1
    %convert_element_type3A_552 = arith.extui %and3A_551 : i1 to i32
    %cond3A_553 = arith.constant 0 : i32
    %cond3A_554 = arith.cmpi ne, %convert_element_type3A_552, %cond3A_553 : i32
    scf.if %cond3A_554 {
      "tpu.region"() ({
        %run_scoped3A = tpu.sem_alloc : memref<!tpu.dma_semaphore, #tpu.memory_space<semaphore_mem>>
        %dma_start3A = tpu.memref_slice %arg4[%multiple_of3A_546] : memref<12800000xf32, #tpu.memory_space<hbm>> -> memref<16xf32, #tpu.memory_space<hbm>>
        %dma_start3A_983 = tpu.memref_slice %arg4[%multiple_of3A_546] : memref<12800000xf32, #tpu.memory_space<hbm>> -> memref<16xf32, #tpu.memory_space<hbm>>
        tpu.enqueue_dma source(%arg7 : memref<16xf32, #tpu.memory_space<vmem>>) target(%dma_start3A_983 : memref<16xf32, #tpu.memory_space<hbm>>) target_semaphore(%run_scoped3A : memref<!tpu.dma_semaphore, #tpu.memory_space<semaphore_mem>>)
        %dma_wait3A = tpu.memref_slice %arg4[%multiple_of3A_546] : memref<12800000xf32, #tpu.memory_space<hbm>> -> memref<16xf32, #tpu.memory_space<hbm>>
        %dma_wait3A_984 = tpu.memref_slice %arg4[%multiple_of3A_546] : memref<12800000xf32, #tpu.memory_space<hbm>> -> memref<16xf32, #tpu.memory_space<hbm>>
        tpu.wait_dma2 semaphore(%run_scoped3A : memref<!tpu.dma_semaphore, #tpu.memory_space<semaphore_mem>>) src(%arg7 : memref<16xf32, #tpu.memory_space<vmem>>) dst(%dma_wait3A_984 : memref<16xf32, #tpu.memory_space<hbm>>)
        tpu.yield
      }) : () -> ()
    } else {
    }
    %eq3A_555 = arith.constant 1 : i32
    %eq3A_556 = arith.cmpi eq, %sub3A_19, %eq3A_555 : i32
    %ge3A_557 = arith.constant 49920 : i32
    %ge3A_558 = arith.cmpi sge, %sub3A_529, %ge3A_557 : i32
    %and3A_559 = arith.andi %eq3A_556, %ge3A_558 : i1
    %convert_element_type3A_560 = arith.extui %and3A_559 : i1 to i32
    %cond3A_561 = arith.constant 0 : i32
    %cond3A_562 = arith.cmpi ne, %convert_element_type3A_560, %cond3A_561 : i32
    scf.if %cond3A_562 {
      "tpu.region"() ({
        %run_scoped3A = tpu.sem_alloc : memref<!tpu.dma_semaphore, #tpu.memory_space<semaphore_mem>>
        %dma_start3A = tpu.memref_slice %arg4[%multiple_of3A_546] : memref<12800000xf32, #tpu.memory_space<hbm>> -> memref<16xf32, #tpu.memory_space<hbm>>
        %dma_start3A_983 = tpu.memref_slice %arg4[%multiple_of3A_546] : memref<12800000xf32, #tpu.memory_space<hbm>> -> memref<16xf32, #tpu.memory_space<hbm>>
        tpu.enqueue_dma source(%arg7 : memref<16xf32, #tpu.memory_space<vmem>>) target(%dma_start3A_983 : memref<16xf32, #tpu.memory_space<hbm>>) target_semaphore(%run_scoped3A : memref<!tpu.dma_semaphore, #tpu.memory_space<semaphore_mem>>)
        %dma_wait3A = tpu.memref_slice %arg4[%multiple_of3A_546] : memref<12800000xf32, #tpu.memory_space<hbm>> -> memref<16xf32, #tpu.memory_space<hbm>>
        %dma_wait3A_984 = tpu.memref_slice %arg4[%multiple_of3A_546] : memref<12800000xf32, #tpu.memory_space<hbm>> -> memref<16xf32, #tpu.memory_space<hbm>>
        tpu.wait_dma2 semaphore(%run_scoped3A : memref<!tpu.dma_semaphore, #tpu.memory_space<semaphore_mem>>) src(%arg7 : memref<16xf32, #tpu.memory_space<vmem>>) dst(%dma_wait3A_984 : memref<16xf32, #tpu.memory_space<hbm>>)
        tpu.yield
      }) : () -> ()
    } else {
    }
    %add3A_563 = arith.constant 4 : i32
    %add3A_564 = arith.addi %mul3A_21, %add3A_563 : i32
    %mul3A_565 = arith.constant 16 : i32
    %mul3A_566 = arith.muli %add3A_564, %mul3A_565 : i32
    %multiple_of3A_567 = tpu.assume_multiple %mul3A_566, 16 : i32
    %get3A_568 = arith.index_cast %multiple_of3A_567 : i32 to index
    %get3A_569 = tpu.vector_load %arg8[%get3A_568] {strides = array<i32>} : memref<2048xf32, #tpu.memory_space<vmem>>, vector<16xf32>,
    %get3A_570 = vector.shape_cast %get3A_569 : vector<16xf32> to vector<16xf32>
    %get3A_571 = arith.index_cast %multiple_of3A_567 : i32 to index
    %get3A_572 = tpu.vector_load %arg9[%get3A_571] {strides = array<i32>} : memref<2048xi32, #tpu.memory_space<vmem>>, vector<16xi32>,
    %get3A_573 = vector.shape_cast %get3A_572 : vector<16xi32> to vector<16xi32>
    %slice3A_574 = vector.extract_strided_slice %get3A_570 {offsets = [0], sizes = [1], strides = [1]} : vector<16xf32> to vector<1xf32>
    %squeeze3A_575 = vector.extract %slice3A_574[0] : f32 from vector<1xf32>
    %slice3A_576 = vector.extract_strided_slice %get3A_573 {offsets = [0], sizes = [1], strides = [1]} : vector<16xi32> to vector<1xi32>
    %squeeze3A_577 = vector.extract %slice3A_576[0] : i32 from vector<1xi32>
    %slice3A_578 = vector.extract_strided_slice %get3A_570 {offsets = [1], sizes = [1], strides = [1]} : vector<16xf32> to vector<1xf32>
    %squeeze3A_579 = vector.extract %slice3A_578[0] : f32 from vector<1xf32>
    %gt3A_580 = arith.cmpf ogt, %squeeze3A_579, %squeeze3A_575 : f32
    %slice3A_581 = vector.extract_strided_slice %get3A_570 {offsets = [1], sizes = [1], strides = [1]} : vector<16xf32> to vector<1xf32>
    %squeeze3A_582 = vector.extract %slice3A_581[0] : f32 from vector<1xf32>
    %select_n3A_583 = arith.select %gt3A_580, %squeeze3A_582, %squeeze3A_575 : f32
    %slice3A_584 = vector.extract_strided_slice %get3A_573 {offsets = [1], sizes = [1], strides = [1]} : vector<16xi32> to vector<1xi32>
    %squeeze3A_585 = vector.extract %slice3A_584[0] : i32 from vector<1xi32>
    %select_n3A_586 = arith.select %gt3A_580, %squeeze3A_585, %squeeze3A_577 : i32
    %slice3A_587 = vector.extract_strided_slice %get3A_570 {offsets = [2], sizes = [1], strides = [1]} : vector<16xf32> to vector<1xf32>
    %squeeze3A_588 = vector.extract %slice3A_587[0] : f32 from vector<1xf32>
    %gt3A_589 = arith.cmpf ogt, %squeeze3A_588, %select_n3A_583 : f32
    %slice3A_590 = vector.extract_strided_slice %get3A_570 {offsets = [2], sizes = [1], strides = [1]} : vector<16xf32> to vector<1xf32>
    %squeeze3A_591 = vector.extract %slice3A_590[0] : f32 from vector<1xf32>
    %select_n3A_592 = arith.select %gt3A_589, %squeeze3A_591, %select_n3A_583 : f32
    %slice3A_593 = vector.extract_strided_slice %get3A_573 {offsets = [2], sizes = [1], strides = [1]} : vector<16xi32> to vector<1xi32>
    %squeeze3A_594 = vector.extract %slice3A_593[0] : i32 from vector<1xi32>
    %select_n3A_595 = arith.select %gt3A_589, %squeeze3A_594, %select_n3A_586 : i32
    %slice3A_596 = vector.extract_strided_slice %get3A_570 {offsets = [3], sizes = [1], strides = [1]} : vector<16xf32> to vector<1xf32>
    %squeeze3A_597 = vector.extract %slice3A_596[0] : f32 from vector<1xf32>
    %gt3A_598 = arith.cmpf ogt, %squeeze3A_597, %select_n3A_592 : f32
    %slice3A_599 = vector.extract_strided_slice %get3A_570 {offsets = [3], sizes = [1], strides = [1]} : vector<16xf32> to vector<1xf32>
    %squeeze3A_600 = vector.extract %slice3A_599[0] : f32 from vector<1xf32>
    %select_n3A_601 = arith.select %gt3A_598, %squeeze3A_600, %select_n3A_592 : f32
    %slice3A_602 = vector.extract_strided_slice %get3A_573 {offsets = [3], sizes = [1], strides = [1]} : vector<16xi32> to vector<1xi32>
    %squeeze3A_603 = vector.extract %slice3A_602[0] : i32 from vector<1xi32>
    %select_n3A_604 = arith.select %gt3A_598, %squeeze3A_603, %select_n3A_595 : i32
    %slice3A_605 = vector.extract_strided_slice %get3A_570 {offsets = [4], sizes = [1], strides = [1]} : vector<16xf32> to vector<1xf32>
    %squeeze3A_606 = vector.extract %slice3A_605[0] : f32 from vector<1xf32>
    %gt3A_607 = arith.cmpf ogt, %squeeze3A_606, %select_n3A_601 : f32
    %slice3A_608 = vector.extract_strided_slice %get3A_570 {offsets = [4], sizes = [1], strides = [1]} : vector<16xf32> to vector<1xf32>
    %squeeze3A_609 = vector.extract %slice3A_608[0] : f32 from vector<1xf32>
    %select_n3A_610 = arith.select %gt3A_607, %squeeze3A_609, %select_n3A_601 : f32
    %slice3A_611 = vector.extract_strided_slice %get3A_573 {offsets = [4], sizes = [1], strides = [1]} : vector<16xi32> to vector<1xi32>
    %squeeze3A_612 = vector.extract %slice3A_611[0] : i32 from vector<1xi32>
    %select_n3A_613 = arith.select %gt3A_607, %squeeze3A_612, %select_n3A_604 : i32
    %slice3A_614 = vector.extract_strided_slice %get3A_570 {offsets = [5], sizes = [1], strides = [1]} : vector<16xf32> to vector<1xf32>
    %squeeze3A_615 = vector.extract %slice3A_614[0] : f32 from vector<1xf32>
    %gt3A_616 = arith.cmpf ogt, %squeeze3A_615, %select_n3A_610 : f32
    %slice3A_617 = vector.extract_strided_slice %get3A_570 {offsets = [5], sizes = [1], strides = [1]} : vector<16xf32> to vector<1xf32>
    %squeeze3A_618 = vector.extract %slice3A_617[0] : f32 from vector<1xf32>
    %select_n3A_619 = arith.select %gt3A_616, %squeeze3A_618, %select_n3A_610 : f32
    %slice3A_620 = vector.extract_strided_slice %get3A_573 {offsets = [5], sizes = [1], strides = [1]} : vector<16xi32> to vector<1xi32>
    %squeeze3A_621 = vector.extract %slice3A_620[0] : i32 from vector<1xi32>
    %select_n3A_622 = arith.select %gt3A_616, %squeeze3A_621, %select_n3A_613 : i32
    %slice3A_623 = vector.extract_strided_slice %get3A_570 {offsets = [6], sizes = [1], strides = [1]} : vector<16xf32> to vector<1xf32>
    %squeeze3A_624 = vector.extract %slice3A_623[0] : f32 from vector<1xf32>
    %gt3A_625 = arith.cmpf ogt, %squeeze3A_624, %select_n3A_619 : f32
    %slice3A_626 = vector.extract_strided_slice %get3A_570 {offsets = [6], sizes = [1], strides = [1]} : vector<16xf32> to vector<1xf32>
    %squeeze3A_627 = vector.extract %slice3A_626[0] : f32 from vector<1xf32>
    %select_n3A_628 = arith.select %gt3A_625, %squeeze3A_627, %select_n3A_619 : f32
    %slice3A_629 = vector.extract_strided_slice %get3A_573 {offsets = [6], sizes = [1], strides = [1]} : vector<16xi32> to vector<1xi32>
    %squeeze3A_630 = vector.extract %slice3A_629[0] : i32 from vector<1xi32>
    %select_n3A_631 = arith.select %gt3A_625, %squeeze3A_630, %select_n3A_622 : i32
    %rem3A_632 = arith.constant 16 : i32
    %rem3A_633 = arith.remsi %select_n3A_631, %rem3A_632 : i32
    %sub3A_634 = arith.subi %select_n3A_631, %rem3A_633 : i32
    %eq3A_635 = vector.broadcast %rem3A_633 : i32 to vector<16xi32>
    %eq3A_636 = arith.cmpi eq, %iota3A, %eq3A_635 : vector<16xi32>
    %jit3A_637 = arith.constant 0.900000989 : f32
    %jit3A_638 = arith.constant 9.99999997E-7 : f32
    %broadcast_in_dim3A_639 = vector.broadcast %jit3A_637 : f32 to vector<16xf32>
    %broadcast_in_dim3A_640 = vector.broadcast %jit3A_638 : f32 to vector<16xf32>
    %select_n3A_641 = arith.select %eq3A_636, %broadcast_in_dim3A_639, %broadcast_in_dim3A_640 : vector<16xi1>, vector<16xf32>
    %swap3A_642 = arith.constant 0 : index
    %swap3A_643 = tpu.vector_load %arg7[%swap3A_642] {strides = array<i32>} : memref<16xf32, #tpu.memory_space<vmem>>, vector<16xf32>,
    %swap3A_644 = vector.shape_cast %swap3A_643 : vector<16xf32> to vector<16xf32>
    %swap3A_645 = vector.shape_cast %select_n3A_641 : vector<16xf32> to vector<16xf32>
    tpu.vector_store %arg7[%swap3A_642], %swap3A_645 {strides = array<i32>} : memref<16xf32, #tpu.memory_space<vmem>>, vector<16xf32>,
    %add3A_646 = arith.constant 4 : i32
    %add3A_647 = arith.addi %mul3A_21, %add3A_646 : i32
    %mul3A_648 = arith.constant 100000 : i32
    %mul3A_649 = arith.muli %add3A_647, %mul3A_648 : i32
    %add3A_650 = arith.addi %mul3A_649, %sub3A_634 : i32
    %multiple_of3A_651 = tpu.assume_multiple %add3A_650, 16 : i32
    %eq3A_652 = arith.constant 0 : i32
    %eq3A_653 = arith.cmpi eq, %sub3A_19, %eq3A_652 : i32
    %lt3A_654 = arith.constant 49920 : i32
    %lt3A_655 = arith.cmpi slt, %sub3A_634, %lt3A_654 : i32
    %and3A_656 = arith.andi %eq3A_653, %lt3A_655 : i1
    %convert_element_type3A_657 = arith.extui %and3A_656 : i1 to i32
    %cond3A_658 = arith.constant 0 : i32
    %cond3A_659 = arith.cmpi ne, %convert_element_type3A_657, %cond3A_658 : i32
    scf.if %cond3A_659 {
      "tpu.region"() ({
        %run_scoped3A = tpu.sem_alloc : memref<!tpu.dma_semaphore, #tpu.memory_space<semaphore_mem>>
        %dma_start3A = tpu.memref_slice %arg4[%multiple_of3A_651] : memref<12800000xf32, #tpu.memory_space<hbm>> -> memref<16xf32, #tpu.memory_space<hbm>>
        %dma_start3A_983 = tpu.memref_slice %arg4[%multiple_of3A_651] : memref<12800000xf32, #tpu.memory_space<hbm>> -> memref<16xf32, #tpu.memory_space<hbm>>
        tpu.enqueue_dma source(%arg7 : memref<16xf32, #tpu.memory_space<vmem>>) target(%dma_start3A_983 : memref<16xf32, #tpu.memory_space<hbm>>) target_semaphore(%run_scoped3A : memref<!tpu.dma_semaphore, #tpu.memory_space<semaphore_mem>>)
        %dma_wait3A = tpu.memref_slice %arg4[%multiple_of3A_651] : memref<12800000xf32, #tpu.memory_space<hbm>> -> memref<16xf32, #tpu.memory_space<hbm>>
        %dma_wait3A_984 = tpu.memref_slice %arg4[%multiple_of3A_651] : memref<12800000xf32, #tpu.memory_space<hbm>> -> memref<16xf32, #tpu.memory_space<hbm>>
        tpu.wait_dma2 semaphore(%run_scoped3A : memref<!tpu.dma_semaphore, #tpu.memory_space<semaphore_mem>>) src(%arg7 : memref<16xf32, #tpu.memory_space<vmem>>) dst(%dma_wait3A_984 : memref<16xf32, #tpu.memory_space<hbm>>)
        tpu.yield
      }) : () -> ()
    } else {
    }
    %eq3A_660 = arith.constant 1 : i32
    %eq3A_661 = arith.cmpi eq, %sub3A_19, %eq3A_660 : i32
    %ge3A_662 = arith.constant 49920 : i32
    %ge3A_663 = arith.cmpi sge, %sub3A_634, %ge3A_662 : i32
    %and3A_664 = arith.andi %eq3A_661, %ge3A_663 : i1
    %convert_element_type3A_665 = arith.extui %and3A_664 : i1 to i32
    %cond3A_666 = arith.constant 0 : i32
    %cond3A_667 = arith.cmpi ne, %convert_element_type3A_665, %cond3A_666 : i32
    scf.if %cond3A_667 {
      "tpu.region"() ({
        %run_scoped3A = tpu.sem_alloc : memref<!tpu.dma_semaphore, #tpu.memory_space<semaphore_mem>>
        %dma_start3A = tpu.memref_slice %arg4[%multiple_of3A_651] : memref<12800000xf32, #tpu.memory_space<hbm>> -> memref<16xf32, #tpu.memory_space<hbm>>
        %dma_start3A_983 = tpu.memref_slice %arg4[%multiple_of3A_651] : memref<12800000xf32, #tpu.memory_space<hbm>> -> memref<16xf32, #tpu.memory_space<hbm>>
        tpu.enqueue_dma source(%arg7 : memref<16xf32, #tpu.memory_space<vmem>>) target(%dma_start3A_983 : memref<16xf32, #tpu.memory_space<hbm>>) target_semaphore(%run_scoped3A : memref<!tpu.dma_semaphore, #tpu.memory_space<semaphore_mem>>)
        %dma_wait3A = tpu.memref_slice %arg4[%multiple_of3A_651] : memref<12800000xf32, #tpu.memory_space<hbm>> -> memref<16xf32, #tpu.memory_space<hbm>>
        %dma_wait3A_984 = tpu.memref_slice %arg4[%multiple_of3A_651] : memref<12800000xf32, #tpu.memory_space<hbm>> -> memref<16xf32, #tpu.memory_space<hbm>>
        tpu.wait_dma2 semaphore(%run_scoped3A : memref<!tpu.dma_semaphore, #tpu.memory_space<semaphore_mem>>) src(%arg7 : memref<16xf32, #tpu.memory_space<vmem>>) dst(%dma_wait3A_984 : memref<16xf32, #tpu.memory_space<hbm>>)
        tpu.yield
      }) : () -> ()
    } else {
    }
    %add3A_668 = arith.constant 5 : i32
    %add3A_669 = arith.addi %mul3A_21, %add3A_668 : i32
    %mul3A_670 = arith.constant 16 : i32
    %mul3A_671 = arith.muli %add3A_669, %mul3A_670 : i32
    %multiple_of3A_672 = tpu.assume_multiple %mul3A_671, 16 : i32
    %get3A_673 = arith.index_cast %multiple_of3A_672 : i32 to index
    %get3A_674 = tpu.vector_load %arg8[%get3A_673] {strides = array<i32>} : memref<2048xf32, #tpu.memory_space<vmem>>, vector<16xf32>,
    %get3A_675 = vector.shape_cast %get3A_674 : vector<16xf32> to vector<16xf32>
    %get3A_676 = arith.index_cast %multiple_of3A_672 : i32 to index
    %get3A_677 = tpu.vector_load %arg9[%get3A_676] {strides = array<i32>} : memref<2048xi32, #tpu.memory_space<vmem>>, vector<16xi32>,
    %get3A_678 = vector.shape_cast %get3A_677 : vector<16xi32> to vector<16xi32>
    %slice3A_679 = vector.extract_strided_slice %get3A_675 {offsets = [0], sizes = [1], strides = [1]} : vector<16xf32> to vector<1xf32>
    %squeeze3A_680 = vector.extract %slice3A_679[0] : f32 from vector<1xf32>
    %slice3A_681 = vector.extract_strided_slice %get3A_678 {offsets = [0], sizes = [1], strides = [1]} : vector<16xi32> to vector<1xi32>
    %squeeze3A_682 = vector.extract %slice3A_681[0] : i32 from vector<1xi32>
    %slice3A_683 = vector.extract_strided_slice %get3A_675 {offsets = [1], sizes = [1], strides = [1]} : vector<16xf32> to vector<1xf32>
    %squeeze3A_684 = vector.extract %slice3A_683[0] : f32 from vector<1xf32>
    %gt3A_685 = arith.cmpf ogt, %squeeze3A_684, %squeeze3A_680 : f32
    %slice3A_686 = vector.extract_strided_slice %get3A_675 {offsets = [1], sizes = [1], strides = [1]} : vector<16xf32> to vector<1xf32>
    %squeeze3A_687 = vector.extract %slice3A_686[0] : f32 from vector<1xf32>
    %select_n3A_688 = arith.select %gt3A_685, %squeeze3A_687, %squeeze3A_680 : f32
    %slice3A_689 = vector.extract_strided_slice %get3A_678 {offsets = [1], sizes = [1], strides = [1]} : vector<16xi32> to vector<1xi32>
    %squeeze3A_690 = vector.extract %slice3A_689[0] : i32 from vector<1xi32>
    %select_n3A_691 = arith.select %gt3A_685, %squeeze3A_690, %squeeze3A_682 : i32
    %slice3A_692 = vector.extract_strided_slice %get3A_675 {offsets = [2], sizes = [1], strides = [1]} : vector<16xf32> to vector<1xf32>
    %squeeze3A_693 = vector.extract %slice3A_692[0] : f32 from vector<1xf32>
    %gt3A_694 = arith.cmpf ogt, %squeeze3A_693, %select_n3A_688 : f32
    %slice3A_695 = vector.extract_strided_slice %get3A_675 {offsets = [2], sizes = [1], strides = [1]} : vector<16xf32> to vector<1xf32>
    %squeeze3A_696 = vector.extract %slice3A_695[0] : f32 from vector<1xf32>
    %select_n3A_697 = arith.select %gt3A_694, %squeeze3A_696, %select_n3A_688 : f32
    %slice3A_698 = vector.extract_strided_slice %get3A_678 {offsets = [2], sizes = [1], strides = [1]} : vector<16xi32> to vector<1xi32>
    %squeeze3A_699 = vector.extract %slice3A_698[0] : i32 from vector<1xi32>
    %select_n3A_700 = arith.select %gt3A_694, %squeeze3A_699, %select_n3A_691 : i32
    %slice3A_701 = vector.extract_strided_slice %get3A_675 {offsets = [3], sizes = [1], strides = [1]} : vector<16xf32> to vector<1xf32>
    %squeeze3A_702 = vector.extract %slice3A_701[0] : f32 from vector<1xf32>
    %gt3A_703 = arith.cmpf ogt, %squeeze3A_702, %select_n3A_697 : f32
    %slice3A_704 = vector.extract_strided_slice %get3A_675 {offsets = [3], sizes = [1], strides = [1]} : vector<16xf32> to vector<1xf32>
    %squeeze3A_705 = vector.extract %slice3A_704[0] : f32 from vector<1xf32>
    %select_n3A_706 = arith.select %gt3A_703, %squeeze3A_705, %select_n3A_697 : f32
    %slice3A_707 = vector.extract_strided_slice %get3A_678 {offsets = [3], sizes = [1], strides = [1]} : vector<16xi32> to vector<1xi32>
    %squeeze3A_708 = vector.extract %slice3A_707[0] : i32 from vector<1xi32>
    %select_n3A_709 = arith.select %gt3A_703, %squeeze3A_708, %select_n3A_700 : i32
    %slice3A_710 = vector.extract_strided_slice %get3A_675 {offsets = [4], sizes = [1], strides = [1]} : vector<16xf32> to vector<1xf32>
    %squeeze3A_711 = vector.extract %slice3A_710[0] : f32 from vector<1xf32>
    %gt3A_712 = arith.cmpf ogt, %squeeze3A_711, %select_n3A_706 : f32
    %slice3A_713 = vector.extract_strided_slice %get3A_675 {offsets = [4], sizes = [1], strides = [1]} : vector<16xf32> to vector<1xf32>
    %squeeze3A_714 = vector.extract %slice3A_713[0] : f32 from vector<1xf32>
    %select_n3A_715 = arith.select %gt3A_712, %squeeze3A_714, %select_n3A_706 : f32
    %slice3A_716 = vector.extract_strided_slice %get3A_678 {offsets = [4], sizes = [1], strides = [1]} : vector<16xi32> to vector<1xi32>
    %squeeze3A_717 = vector.extract %slice3A_716[0] : i32 from vector<1xi32>
    %select_n3A_718 = arith.select %gt3A_712, %squeeze3A_717, %select_n3A_709 : i32
    %slice3A_719 = vector.extract_strided_slice %get3A_675 {offsets = [5], sizes = [1], strides = [1]} : vector<16xf32> to vector<1xf32>
    %squeeze3A_720 = vector.extract %slice3A_719[0] : f32 from vector<1xf32>
    %gt3A_721 = arith.cmpf ogt, %squeeze3A_720, %select_n3A_715 : f32
    %slice3A_722 = vector.extract_strided_slice %get3A_675 {offsets = [5], sizes = [1], strides = [1]} : vector<16xf32> to vector<1xf32>
    %squeeze3A_723 = vector.extract %slice3A_722[0] : f32 from vector<1xf32>
    %select_n3A_724 = arith.select %gt3A_721, %squeeze3A_723, %select_n3A_715 : f32
    %slice3A_725 = vector.extract_strided_slice %get3A_678 {offsets = [5], sizes = [1], strides = [1]} : vector<16xi32> to vector<1xi32>
    %squeeze3A_726 = vector.extract %slice3A_725[0] : i32 from vector<1xi32>
    %select_n3A_727 = arith.select %gt3A_721, %squeeze3A_726, %select_n3A_718 : i32
    %slice3A_728 = vector.extract_strided_slice %get3A_675 {offsets = [6], sizes = [1], strides = [1]} : vector<16xf32> to vector<1xf32>
    %squeeze3A_729 = vector.extract %slice3A_728[0] : f32 from vector<1xf32>
    %gt3A_730 = arith.cmpf ogt, %squeeze3A_729, %select_n3A_724 : f32
    %slice3A_731 = vector.extract_strided_slice %get3A_675 {offsets = [6], sizes = [1], strides = [1]} : vector<16xf32> to vector<1xf32>
    %squeeze3A_732 = vector.extract %slice3A_731[0] : f32 from vector<1xf32>
    %select_n3A_733 = arith.select %gt3A_730, %squeeze3A_732, %select_n3A_724 : f32
    %slice3A_734 = vector.extract_strided_slice %get3A_678 {offsets = [6], sizes = [1], strides = [1]} : vector<16xi32> to vector<1xi32>
    %squeeze3A_735 = vector.extract %slice3A_734[0] : i32 from vector<1xi32>
    %select_n3A_736 = arith.select %gt3A_730, %squeeze3A_735, %select_n3A_727 : i32
    %rem3A_737 = arith.constant 16 : i32
    %rem3A_738 = arith.remsi %select_n3A_736, %rem3A_737 : i32
    %sub3A_739 = arith.subi %select_n3A_736, %rem3A_738 : i32
    %eq3A_740 = vector.broadcast %rem3A_738 : i32 to vector<16xi32>
    %eq3A_741 = arith.cmpi eq, %iota3A, %eq3A_740 : vector<16xi32>
    %jit3A_742 = arith.constant 0.900000989 : f32
    %jit3A_743 = arith.constant 9.99999997E-7 : f32
    %broadcast_in_dim3A_744 = vector.broadcast %jit3A_742 : f32 to vector<16xf32>
    %broadcast_in_dim3A_745 = vector.broadcast %jit3A_743 : f32 to vector<16xf32>
    %select_n3A_746 = arith.select %eq3A_741, %broadcast_in_dim3A_744, %broadcast_in_dim3A_745 : vector<16xi1>, vector<16xf32>
    %swap3A_747 = arith.constant 0 : index
    %swap3A_748 = tpu.vector_load %arg7[%swap3A_747] {strides = array<i32>} : memref<16xf32, #tpu.memory_space<vmem>>, vector<16xf32>,
    %swap3A_749 = vector.shape_cast %swap3A_748 : vector<16xf32> to vector<16xf32>
    %swap3A_750 = vector.shape_cast %select_n3A_746 : vector<16xf32> to vector<16xf32>
    tpu.vector_store %arg7[%swap3A_747], %swap3A_750 {strides = array<i32>} : memref<16xf32, #tpu.memory_space<vmem>>, vector<16xf32>,
    %add3A_751 = arith.constant 5 : i32
    %add3A_752 = arith.addi %mul3A_21, %add3A_751 : i32
    %mul3A_753 = arith.constant 100000 : i32
    %mul3A_754 = arith.muli %add3A_752, %mul3A_753 : i32
    %add3A_755 = arith.addi %mul3A_754, %sub3A_739 : i32
    %multiple_of3A_756 = tpu.assume_multiple %add3A_755, 16 : i32
    %eq3A_757 = arith.constant 0 : i32
    %eq3A_758 = arith.cmpi eq, %sub3A_19, %eq3A_757 : i32
    %lt3A_759 = arith.constant 49920 : i32
    %lt3A_760 = arith.cmpi slt, %sub3A_739, %lt3A_759 : i32
    %and3A_761 = arith.andi %eq3A_758, %lt3A_760 : i1
    %convert_element_type3A_762 = arith.extui %and3A_761 : i1 to i32
    %cond3A_763 = arith.constant 0 : i32
    %cond3A_764 = arith.cmpi ne, %convert_element_type3A_762, %cond3A_763 : i32
    scf.if %cond3A_764 {
      "tpu.region"() ({
        %run_scoped3A = tpu.sem_alloc : memref<!tpu.dma_semaphore, #tpu.memory_space<semaphore_mem>>
        %dma_start3A = tpu.memref_slice %arg4[%multiple_of3A_756] : memref<12800000xf32, #tpu.memory_space<hbm>> -> memref<16xf32, #tpu.memory_space<hbm>>
        %dma_start3A_983 = tpu.memref_slice %arg4[%multiple_of3A_756] : memref<12800000xf32, #tpu.memory_space<hbm>> -> memref<16xf32, #tpu.memory_space<hbm>>
        tpu.enqueue_dma source(%arg7 : memref<16xf32, #tpu.memory_space<vmem>>) target(%dma_start3A_983 : memref<16xf32, #tpu.memory_space<hbm>>) target_semaphore(%run_scoped3A : memref<!tpu.dma_semaphore, #tpu.memory_space<semaphore_mem>>)
        %dma_wait3A = tpu.memref_slice %arg4[%multiple_of3A_756] : memref<12800000xf32, #tpu.memory_space<hbm>> -> memref<16xf32, #tpu.memory_space<hbm>>
        %dma_wait3A_984 = tpu.memref_slice %arg4[%multiple_of3A_756] : memref<12800000xf32, #tpu.memory_space<hbm>> -> memref<16xf32, #tpu.memory_space<hbm>>
        tpu.wait_dma2 semaphore(%run_scoped3A : memref<!tpu.dma_semaphore, #tpu.memory_space<semaphore_mem>>) src(%arg7 : memref<16xf32, #tpu.memory_space<vmem>>) dst(%dma_wait3A_984 : memref<16xf32, #tpu.memory_space<hbm>>)
        tpu.yield
      }) : () -> ()
    } else {
    }
    %eq3A_765 = arith.constant 1 : i32
    %eq3A_766 = arith.cmpi eq, %sub3A_19, %eq3A_765 : i32
    %ge3A_767 = arith.constant 49920 : i32
    %ge3A_768 = arith.cmpi sge, %sub3A_739, %ge3A_767 : i32
    %and3A_769 = arith.andi %eq3A_766, %ge3A_768 : i1
    %convert_element_type3A_770 = arith.extui %and3A_769 : i1 to i32
    %cond3A_771 = arith.constant 0 : i32
    %cond3A_772 = arith.cmpi ne, %convert_element_type3A_770, %cond3A_771 : i32
    scf.if %cond3A_772 {
      "tpu.region"() ({
        %run_scoped3A = tpu.sem_alloc : memref<!tpu.dma_semaphore, #tpu.memory_space<semaphore_mem>>
        %dma_start3A = tpu.memref_slice %arg4[%multiple_of3A_756] : memref<12800000xf32, #tpu.memory_space<hbm>> -> memref<16xf32, #tpu.memory_space<hbm>>
        %dma_start3A_983 = tpu.memref_slice %arg4[%multiple_of3A_756] : memref<12800000xf32, #tpu.memory_space<hbm>> -> memref<16xf32, #tpu.memory_space<hbm>>
        tpu.enqueue_dma source(%arg7 : memref<16xf32, #tpu.memory_space<vmem>>) target(%dma_start3A_983 : memref<16xf32, #tpu.memory_space<hbm>>) target_semaphore(%run_scoped3A : memref<!tpu.dma_semaphore, #tpu.memory_space<semaphore_mem>>)
        %dma_wait3A = tpu.memref_slice %arg4[%multiple_of3A_756] : memref<12800000xf32, #tpu.memory_space<hbm>> -> memref<16xf32, #tpu.memory_space<hbm>>
        %dma_wait3A_984 = tpu.memref_slice %arg4[%multiple_of3A_756] : memref<12800000xf32, #tpu.memory_space<hbm>> -> memref<16xf32, #tpu.memory_space<hbm>>
        tpu.wait_dma2 semaphore(%run_scoped3A : memref<!tpu.dma_semaphore, #tpu.memory_space<semaphore_mem>>) src(%arg7 : memref<16xf32, #tpu.memory_space<vmem>>) dst(%dma_wait3A_984 : memref<16xf32, #tpu.memory_space<hbm>>)
        tpu.yield
      }) : () -> ()
    } else {
    }
    %add3A_773 = arith.constant 6 : i32
    %add3A_774 = arith.addi %mul3A_21, %add3A_773 : i32
    %mul3A_775 = arith.constant 16 : i32
    %mul3A_776 = arith.muli %add3A_774, %mul3A_775 : i32
    %multiple_of3A_777 = tpu.assume_multiple %mul3A_776, 16 : i32
    %get3A_778 = arith.index_cast %multiple_of3A_777 : i32 to index
    %get3A_779 = tpu.vector_load %arg8[%get3A_778] {strides = array<i32>} : memref<2048xf32, #tpu.memory_space<vmem>>, vector<16xf32>,
    %get3A_780 = vector.shape_cast %get3A_779 : vector<16xf32> to vector<16xf32>
    %get3A_781 = arith.index_cast %multiple_of3A_777 : i32 to index
    %get3A_782 = tpu.vector_load %arg9[%get3A_781] {strides = array<i32>} : memref<2048xi32, #tpu.memory_space<vmem>>, vector<16xi32>,
    %get3A_783 = vector.shape_cast %get3A_782 : vector<16xi32> to vector<16xi32>
    %slice3A_784 = vector.extract_strided_slice %get3A_780 {offsets = [0], sizes = [1], strides = [1]} : vector<16xf32> to vector<1xf32>
    %squeeze3A_785 = vector.extract %slice3A_784[0] : f32 from vector<1xf32>
    %slice3A_786 = vector.extract_strided_slice %get3A_783 {offsets = [0], sizes = [1], strides = [1]} : vector<16xi32> to vector<1xi32>
    %squeeze3A_787 = vector.extract %slice3A_786[0] : i32 from vector<1xi32>
    %slice3A_788 = vector.extract_strided_slice %get3A_780 {offsets = [1], sizes = [1], strides = [1]} : vector<16xf32> to vector<1xf32>
    %squeeze3A_789 = vector.extract %slice3A_788[0] : f32 from vector<1xf32>
    %gt3A_790 = arith.cmpf ogt, %squeeze3A_789, %squeeze3A_785 : f32
    %slice3A_791 = vector.extract_strided_slice %get3A_780 {offsets = [1], sizes = [1], strides = [1]} : vector<16xf32> to vector<1xf32>
    %squeeze3A_792 = vector.extract %slice3A_791[0] : f32 from vector<1xf32>
    %select_n3A_793 = arith.select %gt3A_790, %squeeze3A_792, %squeeze3A_785 : f32
    %slice3A_794 = vector.extract_strided_slice %get3A_783 {offsets = [1], sizes = [1], strides = [1]} : vector<16xi32> to vector<1xi32>
    %squeeze3A_795 = vector.extract %slice3A_794[0] : i32 from vector<1xi32>
    %select_n3A_796 = arith.select %gt3A_790, %squeeze3A_795, %squeeze3A_787 : i32
    %slice3A_797 = vector.extract_strided_slice %get3A_780 {offsets = [2], sizes = [1], strides = [1]} : vector<16xf32> to vector<1xf32>
    %squeeze3A_798 = vector.extract %slice3A_797[0] : f32 from vector<1xf32>
    %gt3A_799 = arith.cmpf ogt, %squeeze3A_798, %select_n3A_793 : f32
    %slice3A_800 = vector.extract_strided_slice %get3A_780 {offsets = [2], sizes = [1], strides = [1]} : vector<16xf32> to vector<1xf32>
    %squeeze3A_801 = vector.extract %slice3A_800[0] : f32 from vector<1xf32>
    %select_n3A_802 = arith.select %gt3A_799, %squeeze3A_801, %select_n3A_793 : f32
    %slice3A_803 = vector.extract_strided_slice %get3A_783 {offsets = [2], sizes = [1], strides = [1]} : vector<16xi32> to vector<1xi32>
    %squeeze3A_804 = vector.extract %slice3A_803[0] : i32 from vector<1xi32>
    %select_n3A_805 = arith.select %gt3A_799, %squeeze3A_804, %select_n3A_796 : i32
    %slice3A_806 = vector.extract_strided_slice %get3A_780 {offsets = [3], sizes = [1], strides = [1]} : vector<16xf32> to vector<1xf32>
    %squeeze3A_807 = vector.extract %slice3A_806[0] : f32 from vector<1xf32>
    %gt3A_808 = arith.cmpf ogt, %squeeze3A_807, %select_n3A_802 : f32
    %slice3A_809 = vector.extract_strided_slice %get3A_780 {offsets = [3], sizes = [1], strides = [1]} : vector<16xf32> to vector<1xf32>
    %squeeze3A_810 = vector.extract %slice3A_809[0] : f32 from vector<1xf32>
    %select_n3A_811 = arith.select %gt3A_808, %squeeze3A_810, %select_n3A_802 : f32
    %slice3A_812 = vector.extract_strided_slice %get3A_783 {offsets = [3], sizes = [1], strides = [1]} : vector<16xi32> to vector<1xi32>
    %squeeze3A_813 = vector.extract %slice3A_812[0] : i32 from vector<1xi32>
    %select_n3A_814 = arith.select %gt3A_808, %squeeze3A_813, %select_n3A_805 : i32
    %slice3A_815 = vector.extract_strided_slice %get3A_780 {offsets = [4], sizes = [1], strides = [1]} : vector<16xf32> to vector<1xf32>
    %squeeze3A_816 = vector.extract %slice3A_815[0] : f32 from vector<1xf32>
    %gt3A_817 = arith.cmpf ogt, %squeeze3A_816, %select_n3A_811 : f32
    %slice3A_818 = vector.extract_strided_slice %get3A_780 {offsets = [4], sizes = [1], strides = [1]} : vector<16xf32> to vector<1xf32>
    %squeeze3A_819 = vector.extract %slice3A_818[0] : f32 from vector<1xf32>
    %select_n3A_820 = arith.select %gt3A_817, %squeeze3A_819, %select_n3A_811 : f32
    %slice3A_821 = vector.extract_strided_slice %get3A_783 {offsets = [4], sizes = [1], strides = [1]} : vector<16xi32> to vector<1xi32>
    %squeeze3A_822 = vector.extract %slice3A_821[0] : i32 from vector<1xi32>
    %select_n3A_823 = arith.select %gt3A_817, %squeeze3A_822, %select_n3A_814 : i32
    %slice3A_824 = vector.extract_strided_slice %get3A_780 {offsets = [5], sizes = [1], strides = [1]} : vector<16xf32> to vector<1xf32>
    %squeeze3A_825 = vector.extract %slice3A_824[0] : f32 from vector<1xf32>
    %gt3A_826 = arith.cmpf ogt, %squeeze3A_825, %select_n3A_820 : f32
    %slice3A_827 = vector.extract_strided_slice %get3A_780 {offsets = [5], sizes = [1], strides = [1]} : vector<16xf32> to vector<1xf32>
    %squeeze3A_828 = vector.extract %slice3A_827[0] : f32 from vector<1xf32>
    %select_n3A_829 = arith.select %gt3A_826, %squeeze3A_828, %select_n3A_820 : f32
    %slice3A_830 = vector.extract_strided_slice %get3A_783 {offsets = [5], sizes = [1], strides = [1]} : vector<16xi32> to vector<1xi32>
    %squeeze3A_831 = vector.extract %slice3A_830[0] : i32 from vector<1xi32>
    %select_n3A_832 = arith.select %gt3A_826, %squeeze3A_831, %select_n3A_823 : i32
    %slice3A_833 = vector.extract_strided_slice %get3A_780 {offsets = [6], sizes = [1], strides = [1]} : vector<16xf32> to vector<1xf32>
    %squeeze3A_834 = vector.extract %slice3A_833[0] : f32 from vector<1xf32>
    %gt3A_835 = arith.cmpf ogt, %squeeze3A_834, %select_n3A_829 : f32
    %slice3A_836 = vector.extract_strided_slice %get3A_780 {offsets = [6], sizes = [1], strides = [1]} : vector<16xf32> to vector<1xf32>
    %squeeze3A_837 = vector.extract %slice3A_836[0] : f32 from vector<1xf32>
    %select_n3A_838 = arith.select %gt3A_835, %squeeze3A_837, %select_n3A_829 : f32
    %slice3A_839 = vector.extract_strided_slice %get3A_783 {offsets = [6], sizes = [1], strides = [1]} : vector<16xi32> to vector<1xi32>
    %squeeze3A_840 = vector.extract %slice3A_839[0] : i32 from vector<1xi32>
    %select_n3A_841 = arith.select %gt3A_835, %squeeze3A_840, %select_n3A_832 : i32
    %rem3A_842 = arith.constant 16 : i32
    %rem3A_843 = arith.remsi %select_n3A_841, %rem3A_842 : i32
    %sub3A_844 = arith.subi %select_n3A_841, %rem3A_843 : i32
    %eq3A_845 = vector.broadcast %rem3A_843 : i32 to vector<16xi32>
    %eq3A_846 = arith.cmpi eq, %iota3A, %eq3A_845 : vector<16xi32>
    %jit3A_847 = arith.constant 0.900000989 : f32
    %jit3A_848 = arith.constant 9.99999997E-7 : f32
    %broadcast_in_dim3A_849 = vector.broadcast %jit3A_847 : f32 to vector<16xf32>
    %broadcast_in_dim3A_850 = vector.broadcast %jit3A_848 : f32 to vector<16xf32>
    %select_n3A_851 = arith.select %eq3A_846, %broadcast_in_dim3A_849, %broadcast_in_dim3A_850 : vector<16xi1>, vector<16xf32>
    %swap3A_852 = arith.constant 0 : index
    %swap3A_853 = tpu.vector_load %arg7[%swap3A_852] {strides = array<i32>} : memref<16xf32, #tpu.memory_space<vmem>>, vector<16xf32>,
    %swap3A_854 = vector.shape_cast %swap3A_853 : vector<16xf32> to vector<16xf32>
    %swap3A_855 = vector.shape_cast %select_n3A_851 : vector<16xf32> to vector<16xf32>
    tpu.vector_store %arg7[%swap3A_852], %swap3A_855 {strides = array<i32>} : memref<16xf32, #tpu.memory_space<vmem>>, vector<16xf32>,
    %add3A_856 = arith.constant 6 : i32
    %add3A_857 = arith.addi %mul3A_21, %add3A_856 : i32
    %mul3A_858 = arith.constant 100000 : i32
    %mul3A_859 = arith.muli %add3A_857, %mul3A_858 : i32
    %add3A_860 = arith.addi %mul3A_859, %sub3A_844 : i32
    %multiple_of3A_861 = tpu.assume_multiple %add3A_860, 16 : i32
    %eq3A_862 = arith.constant 0 : i32
    %eq3A_863 = arith.cmpi eq, %sub3A_19, %eq3A_862 : i32
    %lt3A_864 = arith.constant 49920 : i32
    %lt3A_865 = arith.cmpi slt, %sub3A_844, %lt3A_864 : i32
    %and3A_866 = arith.andi %eq3A_863, %lt3A_865 : i1
    %convert_element_type3A_867 = arith.extui %and3A_866 : i1 to i32
    %cond3A_868 = arith.constant 0 : i32
    %cond3A_869 = arith.cmpi ne, %convert_element_type3A_867, %cond3A_868 : i32
    scf.if %cond3A_869 {
      "tpu.region"() ({
        %run_scoped3A = tpu.sem_alloc : memref<!tpu.dma_semaphore, #tpu.memory_space<semaphore_mem>>
        %dma_start3A = tpu.memref_slice %arg4[%multiple_of3A_861] : memref<12800000xf32, #tpu.memory_space<hbm>> -> memref<16xf32, #tpu.memory_space<hbm>>
        %dma_start3A_983 = tpu.memref_slice %arg4[%multiple_of3A_861] : memref<12800000xf32, #tpu.memory_space<hbm>> -> memref<16xf32, #tpu.memory_space<hbm>>
        tpu.enqueue_dma source(%arg7 : memref<16xf32, #tpu.memory_space<vmem>>) target(%dma_start3A_983 : memref<16xf32, #tpu.memory_space<hbm>>) target_semaphore(%run_scoped3A : memref<!tpu.dma_semaphore, #tpu.memory_space<semaphore_mem>>)
        %dma_wait3A = tpu.memref_slice %arg4[%multiple_of3A_861] : memref<12800000xf32, #tpu.memory_space<hbm>> -> memref<16xf32, #tpu.memory_space<hbm>>
        %dma_wait3A_984 = tpu.memref_slice %arg4[%multiple_of3A_861] : memref<12800000xf32, #tpu.memory_space<hbm>> -> memref<16xf32, #tpu.memory_space<hbm>>
        tpu.wait_dma2 semaphore(%run_scoped3A : memref<!tpu.dma_semaphore, #tpu.memory_space<semaphore_mem>>) src(%arg7 : memref<16xf32, #tpu.memory_space<vmem>>) dst(%dma_wait3A_984 : memref<16xf32, #tpu.memory_space<hbm>>)
        tpu.yield
      }) : () -> ()
    } else {
    }
    %eq3A_870 = arith.constant 1 : i32
    %eq3A_871 = arith.cmpi eq, %sub3A_19, %eq3A_870 : i32
    %ge3A_872 = arith.constant 49920 : i32
    %ge3A_873 = arith.cmpi sge, %sub3A_844, %ge3A_872 : i32
    %and3A_874 = arith.andi %eq3A_871, %ge3A_873 : i1
    %convert_element_type3A_875 = arith.extui %and3A_874 : i1 to i32
    %cond3A_876 = arith.constant 0 : i32
    %cond3A_877 = arith.cmpi ne, %convert_element_type3A_875, %cond3A_876 : i32
    scf.if %cond3A_877 {
      "tpu.region"() ({
        %run_scoped3A = tpu.sem_alloc : memref<!tpu.dma_semaphore, #tpu.memory_space<semaphore_mem>>
        %dma_start3A = tpu.memref_slice %arg4[%multiple_of3A_861] : memref<12800000xf32, #tpu.memory_space<hbm>> -> memref<16xf32, #tpu.memory_space<hbm>>
        %dma_start3A_983 = tpu.memref_slice %arg4[%multiple_of3A_861] : memref<12800000xf32, #tpu.memory_space<hbm>> -> memref<16xf32, #tpu.memory_space<hbm>>
        tpu.enqueue_dma source(%arg7 : memref<16xf32, #tpu.memory_space<vmem>>) target(%dma_start3A_983 : memref<16xf32, #tpu.memory_space<hbm>>) target_semaphore(%run_scoped3A : memref<!tpu.dma_semaphore, #tpu.memory_space<semaphore_mem>>)
        %dma_wait3A = tpu.memref_slice %arg4[%multiple_of3A_861] : memref<12800000xf32, #tpu.memory_space<hbm>> -> memref<16xf32, #tpu.memory_space<hbm>>
        %dma_wait3A_984 = tpu.memref_slice %arg4[%multiple_of3A_861] : memref<12800000xf32, #tpu.memory_space<hbm>> -> memref<16xf32, #tpu.memory_space<hbm>>
        tpu.wait_dma2 semaphore(%run_scoped3A : memref<!tpu.dma_semaphore, #tpu.memory_space<semaphore_mem>>) src(%arg7 : memref<16xf32, #tpu.memory_space<vmem>>) dst(%dma_wait3A_984 : memref<16xf32, #tpu.memory_space<hbm>>)
        tpu.yield
      }) : () -> ()
    } else {
    }
    %add3A_878 = arith.constant 7 : i32
    %add3A_879 = arith.addi %mul3A_21, %add3A_878 : i32
    %mul3A_880 = arith.constant 16 : i32
    %mul3A_881 = arith.muli %add3A_879, %mul3A_880 : i32
    %multiple_of3A_882 = tpu.assume_multiple %mul3A_881, 16 : i32
    %get3A_883 = arith.index_cast %multiple_of3A_882 : i32 to index
    %get3A_884 = tpu.vector_load %arg8[%get3A_883] {strides = array<i32>} : memref<2048xf32, #tpu.memory_space<vmem>>, vector<16xf32>,
    %get3A_885 = vector.shape_cast %get3A_884 : vector<16xf32> to vector<16xf32>
    %get3A_886 = arith.index_cast %multiple_of3A_882 : i32 to index
    %get3A_887 = tpu.vector_load %arg9[%get3A_886] {strides = array<i32>} : memref<2048xi32, #tpu.memory_space<vmem>>, vector<16xi32>,
    %get3A_888 = vector.shape_cast %get3A_887 : vector<16xi32> to vector<16xi32>
    %slice3A_889 = vector.extract_strided_slice %get3A_885 {offsets = [0], sizes = [1], strides = [1]} : vector<16xf32> to vector<1xf32>
    %squeeze3A_890 = vector.extract %slice3A_889[0] : f32 from vector<1xf32>
    %slice3A_891 = vector.extract_strided_slice %get3A_888 {offsets = [0], sizes = [1], strides = [1]} : vector<16xi32> to vector<1xi32>
    %squeeze3A_892 = vector.extract %slice3A_891[0] : i32 from vector<1xi32>
    %slice3A_893 = vector.extract_strided_slice %get3A_885 {offsets = [1], sizes = [1], strides = [1]} : vector<16xf32> to vector<1xf32>
    %squeeze3A_894 = vector.extract %slice3A_893[0] : f32 from vector<1xf32>
    %gt3A_895 = arith.cmpf ogt, %squeeze3A_894, %squeeze3A_890 : f32
    %slice3A_896 = vector.extract_strided_slice %get3A_885 {offsets = [1], sizes = [1], strides = [1]} : vector<16xf32> to vector<1xf32>
    %squeeze3A_897 = vector.extract %slice3A_896[0] : f32 from vector<1xf32>
    %select_n3A_898 = arith.select %gt3A_895, %squeeze3A_897, %squeeze3A_890 : f32
    %slice3A_899 = vector.extract_strided_slice %get3A_888 {offsets = [1], sizes = [1], strides = [1]} : vector<16xi32> to vector<1xi32>
    %squeeze3A_900 = vector.extract %slice3A_899[0] : i32 from vector<1xi32>
    %select_n3A_901 = arith.select %gt3A_895, %squeeze3A_900, %squeeze3A_892 : i32
    %slice3A_902 = vector.extract_strided_slice %get3A_885 {offsets = [2], sizes = [1], strides = [1]} : vector<16xf32> to vector<1xf32>
    %squeeze3A_903 = vector.extract %slice3A_902[0] : f32 from vector<1xf32>
    %gt3A_904 = arith.cmpf ogt, %squeeze3A_903, %select_n3A_898 : f32
    %slice3A_905 = vector.extract_strided_slice %get3A_885 {offsets = [2], sizes = [1], strides = [1]} : vector<16xf32> to vector<1xf32>
    %squeeze3A_906 = vector.extract %slice3A_905[0] : f32 from vector<1xf32>
    %select_n3A_907 = arith.select %gt3A_904, %squeeze3A_906, %select_n3A_898 : f32
    %slice3A_908 = vector.extract_strided_slice %get3A_888 {offsets = [2], sizes = [1], strides = [1]} : vector<16xi32> to vector<1xi32>
    %squeeze3A_909 = vector.extract %slice3A_908[0] : i32 from vector<1xi32>
    %select_n3A_910 = arith.select %gt3A_904, %squeeze3A_909, %select_n3A_901 : i32
    %slice3A_911 = vector.extract_strided_slice %get3A_885 {offsets = [3], sizes = [1], strides = [1]} : vector<16xf32> to vector<1xf32>
    %squeeze3A_912 = vector.extract %slice3A_911[0] : f32 from vector<1xf32>
    %gt3A_913 = arith.cmpf ogt, %squeeze3A_912, %select_n3A_907 : f32
    %slice3A_914 = vector.extract_strided_slice %get3A_885 {offsets = [3], sizes = [1], strides = [1]} : vector<16xf32> to vector<1xf32>
    %squeeze3A_915 = vector.extract %slice3A_914[0] : f32 from vector<1xf32>
    %select_n3A_916 = arith.select %gt3A_913, %squeeze3A_915, %select_n3A_907 : f32
    %slice3A_917 = vector.extract_strided_slice %get3A_888 {offsets = [3], sizes = [1], strides = [1]} : vector<16xi32> to vector<1xi32>
    %squeeze3A_918 = vector.extract %slice3A_917[0] : i32 from vector<1xi32>
    %select_n3A_919 = arith.select %gt3A_913, %squeeze3A_918, %select_n3A_910 : i32
    %slice3A_920 = vector.extract_strided_slice %get3A_885 {offsets = [4], sizes = [1], strides = [1]} : vector<16xf32> to vector<1xf32>
    %squeeze3A_921 = vector.extract %slice3A_920[0] : f32 from vector<1xf32>
    %gt3A_922 = arith.cmpf ogt, %squeeze3A_921, %select_n3A_916 : f32
    %slice3A_923 = vector.extract_strided_slice %get3A_885 {offsets = [4], sizes = [1], strides = [1]} : vector<16xf32> to vector<1xf32>
    %squeeze3A_924 = vector.extract %slice3A_923[0] : f32 from vector<1xf32>
    %select_n3A_925 = arith.select %gt3A_922, %squeeze3A_924, %select_n3A_916 : f32
    %slice3A_926 = vector.extract_strided_slice %get3A_888 {offsets = [4], sizes = [1], strides = [1]} : vector<16xi32> to vector<1xi32>
    %squeeze3A_927 = vector.extract %slice3A_926[0] : i32 from vector<1xi32>
    %select_n3A_928 = arith.select %gt3A_922, %squeeze3A_927, %select_n3A_919 : i32
    %slice3A_929 = vector.extract_strided_slice %get3A_885 {offsets = [5], sizes = [1], strides = [1]} : vector<16xf32> to vector<1xf32>
    %squeeze3A_930 = vector.extract %slice3A_929[0] : f32 from vector<1xf32>
    %gt3A_931 = arith.cmpf ogt, %squeeze3A_930, %select_n3A_925 : f32
    %slice3A_932 = vector.extract_strided_slice %get3A_885 {offsets = [5], sizes = [1], strides = [1]} : vector<16xf32> to vector<1xf32>
    %squeeze3A_933 = vector.extract %slice3A_932[0] : f32 from vector<1xf32>
    %select_n3A_934 = arith.select %gt3A_931, %squeeze3A_933, %select_n3A_925 : f32
    %slice3A_935 = vector.extract_strided_slice %get3A_888 {offsets = [5], sizes = [1], strides = [1]} : vector<16xi32> to vector<1xi32>
    %squeeze3A_936 = vector.extract %slice3A_935[0] : i32 from vector<1xi32>
    %select_n3A_937 = arith.select %gt3A_931, %squeeze3A_936, %select_n3A_928 : i32
    %slice3A_938 = vector.extract_strided_slice %get3A_885 {offsets = [6], sizes = [1], strides = [1]} : vector<16xf32> to vector<1xf32>
    %squeeze3A_939 = vector.extract %slice3A_938[0] : f32 from vector<1xf32>
    %gt3A_940 = arith.cmpf ogt, %squeeze3A_939, %select_n3A_934 : f32
    %slice3A_941 = vector.extract_strided_slice %get3A_885 {offsets = [6], sizes = [1], strides = [1]} : vector<16xf32> to vector<1xf32>
    %squeeze3A_942 = vector.extract %slice3A_941[0] : f32 from vector<1xf32>
    %select_n3A_943 = arith.select %gt3A_940, %squeeze3A_942, %select_n3A_934 : f32
    %slice3A_944 = vector.extract_strided_slice %get3A_888 {offsets = [6], sizes = [1], strides = [1]} : vector<16xi32> to vector<1xi32>
    %squeeze3A_945 = vector.extract %slice3A_944[0] : i32 from vector<1xi32>
    %select_n3A_946 = arith.select %gt3A_940, %squeeze3A_945, %select_n3A_937 : i32
    %rem3A_947 = arith.constant 16 : i32
    %rem3A_948 = arith.remsi %select_n3A_946, %rem3A_947 : i32
    %sub3A_949 = arith.subi %select_n3A_946, %rem3A_948 : i32
    %eq3A_950 = vector.broadcast %rem3A_948 : i32 to vector<16xi32>
    %eq3A_951 = arith.cmpi eq, %iota3A, %eq3A_950 : vector<16xi32>
    %jit3A_952 = arith.constant 0.900000989 : f32
    %jit3A_953 = arith.constant 9.99999997E-7 : f32
    %broadcast_in_dim3A_954 = vector.broadcast %jit3A_952 : f32 to vector<16xf32>
    %broadcast_in_dim3A_955 = vector.broadcast %jit3A_953 : f32 to vector<16xf32>
    %select_n3A_956 = arith.select %eq3A_951, %broadcast_in_dim3A_954, %broadcast_in_dim3A_955 : vector<16xi1>, vector<16xf32>
    %swap3A_957 = arith.constant 0 : index
    %swap3A_958 = tpu.vector_load %arg7[%swap3A_957] {strides = array<i32>} : memref<16xf32, #tpu.memory_space<vmem>>, vector<16xf32>,
    %swap3A_959 = vector.shape_cast %swap3A_958 : vector<16xf32> to vector<16xf32>
    %swap3A_960 = vector.shape_cast %select_n3A_956 : vector<16xf32> to vector<16xf32>
    tpu.vector_store %arg7[%swap3A_957], %swap3A_960 {strides = array<i32>} : memref<16xf32, #tpu.memory_space<vmem>>, vector<16xf32>,
    %add3A_961 = arith.constant 7 : i32
    %add3A_962 = arith.addi %mul3A_21, %add3A_961 : i32
    %mul3A_963 = arith.constant 100000 : i32
    %mul3A_964 = arith.muli %add3A_962, %mul3A_963 : i32
    %add3A_965 = arith.addi %mul3A_964, %sub3A_949 : i32
    %multiple_of3A_966 = tpu.assume_multiple %add3A_965, 16 : i32
    %eq3A_967 = arith.constant 0 : i32
    %eq3A_968 = arith.cmpi eq, %sub3A_19, %eq3A_967 : i32
    %lt3A_969 = arith.constant 49920 : i32
    %lt3A_970 = arith.cmpi slt, %sub3A_949, %lt3A_969 : i32
    %and3A_971 = arith.andi %eq3A_968, %lt3A_970 : i1
    %convert_element_type3A_972 = arith.extui %and3A_971 : i1 to i32
    %cond3A_973 = arith.constant 0 : i32
    %cond3A_974 = arith.cmpi ne, %convert_element_type3A_972, %cond3A_973 : i32
    scf.if %cond3A_974 {
      "tpu.region"() ({
        %run_scoped3A = tpu.sem_alloc : memref<!tpu.dma_semaphore, #tpu.memory_space<semaphore_mem>>
        %dma_start3A = tpu.memref_slice %arg4[%multiple_of3A_966] : memref<12800000xf32, #tpu.memory_space<hbm>> -> memref<16xf32, #tpu.memory_space<hbm>>
        %dma_start3A_983 = tpu.memref_slice %arg4[%multiple_of3A_966] : memref<12800000xf32, #tpu.memory_space<hbm>> -> memref<16xf32, #tpu.memory_space<hbm>>
        tpu.enqueue_dma source(%arg7 : memref<16xf32, #tpu.memory_space<vmem>>) target(%dma_start3A_983 : memref<16xf32, #tpu.memory_space<hbm>>) target_semaphore(%run_scoped3A : memref<!tpu.dma_semaphore, #tpu.memory_space<semaphore_mem>>)
        %dma_wait3A = tpu.memref_slice %arg4[%multiple_of3A_966] : memref<12800000xf32, #tpu.memory_space<hbm>> -> memref<16xf32, #tpu.memory_space<hbm>>
        %dma_wait3A_984 = tpu.memref_slice %arg4[%multiple_of3A_966] : memref<12800000xf32, #tpu.memory_space<hbm>> -> memref<16xf32, #tpu.memory_space<hbm>>
        tpu.wait_dma2 semaphore(%run_scoped3A : memref<!tpu.dma_semaphore, #tpu.memory_space<semaphore_mem>>) src(%arg7 : memref<16xf32, #tpu.memory_space<vmem>>) dst(%dma_wait3A_984 : memref<16xf32, #tpu.memory_space<hbm>>)
        tpu.yield
      }) : () -> ()
    } else {
    }
    %eq3A_975 = arith.constant 1 : i32
    %eq3A_976 = arith.cmpi eq, %sub3A_19, %eq3A_975 : i32
    %ge3A_977 = arith.constant 49920 : i32
    %ge3A_978 = arith.cmpi sge, %sub3A_949, %ge3A_977 : i32
    %and3A_979 = arith.andi %eq3A_976, %ge3A_978 : i1
    %convert_element_type3A_980 = arith.extui %and3A_979 : i1 to i32
    %cond3A_981 = arith.constant 0 : i32
    %cond3A_982 = arith.cmpi ne, %convert_element_type3A_980, %cond3A_981 : i32
    scf.if %cond3A_982 {
      "tpu.region"() ({
        %run_scoped3A = tpu.sem_alloc : memref<!tpu.dma_semaphore, #tpu.memory_space<semaphore_mem>>
        %dma_start3A = tpu.memref_slice %arg4[%multiple_of3A_966] : memref<12800000xf32, #tpu.memory_space<hbm>> -> memref<16xf32, #tpu.memory_space<hbm>>
        %dma_start3A_983 = tpu.memref_slice %arg4[%multiple_of3A_966] : memref<12800000xf32, #tpu.memory_space<hbm>> -> memref<16xf32, #tpu.memory_space<hbm>>
        tpu.enqueue_dma source(%arg7 : memref<16xf32, #tpu.memory_space<vmem>>) target(%dma_start3A_983 : memref<16xf32, #tpu.memory_space<hbm>>) target_semaphore(%run_scoped3A : memref<!tpu.dma_semaphore, #tpu.memory_space<semaphore_mem>>)
        %dma_wait3A = tpu.memref_slice %arg4[%multiple_of3A_966] : memref<12800000xf32, #tpu.memory_space<hbm>> -> memref<16xf32, #tpu.memory_space<hbm>>
        %dma_wait3A_984 = tpu.memref_slice %arg4[%multiple_of3A_966] : memref<12800000xf32, #tpu.memory_space<hbm>> -> memref<16xf32, #tpu.memory_space<hbm>>
        tpu.wait_dma2 semaphore(%run_scoped3A : memref<!tpu.dma_semaphore, #tpu.memory_space<semaphore_mem>>) src(%arg7 : memref<16xf32, #tpu.memory_space<vmem>>) dst(%dma_wait3A_984 : memref<16xf32, #tpu.memory_space<hbm>>)
        tpu.yield
      }) : () -> ()
    } else {
    }
    return
  }
}

module attributes {stable_mosaic.version = 14 : i64} {
  func.func @_argmax_kernel(%arg0: i32, %arg1: i32, %arg2: memref<128x2048xf32, #tpu.memory_space<vmem>>, %arg3: memref<1x128x1xf32, #tpu.memory_space<vmem>>, %arg4: memref<1x128x1xi32, #tpu.memory_space<vmem>>) attributes {dimension_semantics = [#tpu.dimension_semantics<parallel>, #tpu.dimension_semantics<arbitrary>], iteration_bounds = array<i64: 7, 7>, scalar_prefetch = 0 : i64, scratch_operands = 0 : i64, tpu.core_type = #tpu.core_type<tc>, window_params = [{transform_indices = @transform_0, window_bounds = array<i64: 128, 2048>}, {transform_indices = @transform_1, window_bounds = array<i64: 1, 128, 1>}, {transform_indices = @transform_2, window_bounds = array<i64: 1, 128, 1>}]} {
    %eq3A = arith.constant 0 : i32
    %eq3A_0 = arith.cmpi eq, %arg1, %eq3A : i32
    %convert_element_type3A = arith.extui %eq3A_0 : i1 to i32
    %cond3A = arith.constant 0 : i32
    %cond3A_1 = arith.cmpi ne, %convert_element_type3A, %cond3A : i32
    scf.if %cond3A_1 {
      %broadcast_in_dim3A_48 = arith.constant 0xFF800000 : f32
      %broadcast_in_dim3A_49 = vector.broadcast %broadcast_in_dim3A_48 : f32 to vector<1x128x1xf32>
      %swap3A_50 = arith.constant 0 : index
      %swap3A_51 = arith.constant 0 : index
      %swap3A_52 = arith.constant 0 : index
      %swap3A_53 = vector.load %arg3[%swap3A_50, %swap3A_51, %swap3A_52] : memref<1x128x1xf32, #tpu.memory_space<vmem>>, vector<1x128x1xf32>
      tpu.vector_store %arg3[%swap3A_50, %swap3A_51, %swap3A_52], %broadcast_in_dim3A_49 {strides = array<i32>} : memref<1x128x1xf32, #tpu.memory_space<vmem>>, vector<1x128x1xf32>,
      %broadcast_in_dim3A_54 = arith.constant 0 : i32
      %broadcast_in_dim3A_55 = vector.broadcast %broadcast_in_dim3A_54 : i32 to vector<1x128x1xi32>
      %swap3A_56 = arith.constant 0 : index
      %swap3A_57 = arith.constant 0 : index
      %swap3A_58 = arith.constant 0 : index
      %swap3A_59 = vector.load %arg4[%swap3A_56, %swap3A_57, %swap3A_58] : memref<1x128x1xi32, #tpu.memory_space<vmem>>, vector<1x128x1xi32>
      tpu.vector_store %arg4[%swap3A_56, %swap3A_57, %swap3A_58], %broadcast_in_dim3A_55 {strides = array<i32>} : memref<1x128x1xi32, #tpu.memory_space<vmem>>, vector<1x128x1xi32>,
    } else {
    }
    %mul3A = arith.constant 7 : i32
    %mul3A_2 = arith.muli %arg0, %mul3A : i32
    %add3A = arith.addi %mul3A_2, %arg1 : i32
    %mul3A_3 = arith.constant 2048 : i32
    %mul3A_4 = arith.muli %add3A, %mul3A_3 : i32
    %get3A = arith.constant 0 : index
    %get3A_5 = arith.constant 0 : index
    %get3A_6 = vector.load %arg2[%get3A, %get3A_5] : memref<128x2048xf32, #tpu.memory_space<vmem>>, vector<128x2048xf32>
    %iota3A = tpu.iota {dimensions = array<i32: 1>} : vector<128x2048xi32>
    %add3A_7 = vector.broadcast %mul3A_4 : i32 to vector<128x2048xi32>
    %add3A_8 = arith.addi %add3A_7, %iota3A : vector<128x2048xi32>
    %lt3A = arith.constant 100000 : i32
    %lt3A_9 = vector.broadcast %lt3A : i32 to vector<128x2048xi32>
    %lt3A_10 = arith.cmpi slt, %add3A_8, %lt3A_9 : vector<128x2048xi32>
    %jit3A = arith.constant 0xFF800000 : f32
    %broadcast_in_dim3A = vector.broadcast %jit3A : f32 to vector<128x2048xf32>
    %select_n3A = arith.select %lt3A_10, %get3A_6, %broadcast_in_dim3A : vector<128x2048xi1>, vector<128x2048xf32>
    %reduce_max3A = arith.constant dense<0xFF800000> : vector<128xf32>
    %reduce_max3A_11 = vector.multi_reduction <maximumf>, %select_n3A, %reduce_max3A [1] : vector<128x2048xf32> to vector<128xf32>
    %broadcast_in_dim3A_12 = vector.shape_cast %reduce_max3A_11 : vector<128xf32> to vector<128x1xf32>
    %eq3A_13 = vector.broadcast %broadcast_in_dim3A_12 : vector<128x1xf32> to vector<128x2048xf32>
    %eq3A_14 = arith.cmpf oeq, %select_n3A, %eq3A_13 : vector<128x2048xf32>
    %jit3A_15 = arith.constant 100000 : i32
    %broadcast_in_dim3A_16 = vector.broadcast %jit3A_15 : i32 to vector<128x2048xi32>
    %select_n3A_17 = arith.select %eq3A_14, %add3A_8, %broadcast_in_dim3A_16 : vector<128x2048xi1>, vector<128x2048xi32>
    %reduce_min3A = arith.constant dense<2147483647> : vector<128xi32>
    %reduce_min3A_18 = vector.multi_reduction <minsi>, %select_n3A_17, %reduce_min3A [1] : vector<128x2048xi32> to vector<128xi32>
    %broadcast_in_dim3A_19 = vector.shape_cast %reduce_min3A_18 : vector<128xi32> to vector<128x1xi32>
    %get3A_20 = arith.constant 0 : index
    %get3A_21 = arith.constant 0 : index
    %get3A_22 = arith.constant 0 : index
    %get3A_23 = vector.load %arg3[%get3A_20, %get3A_21, %get3A_22] : memref<1x128x1xf32, #tpu.memory_space<vmem>>, vector<1x128x1xf32>
    %get3A_24 = vector.shape_cast %get3A_23 : vector<1x128x1xf32> to vector<128x1xf32>
    %gt3A = arith.cmpf ogt, %broadcast_in_dim3A_12, %get3A_24 : vector<128x1xf32>
    %get3A_25 = arith.constant 0 : index
    %get3A_26 = arith.constant 0 : index
    %get3A_27 = arith.constant 0 : index
    %get3A_28 = vector.load %arg4[%get3A_25, %get3A_26, %get3A_27] : memref<1x128x1xi32, #tpu.memory_space<vmem>>, vector<1x128x1xi32>
    %get3A_29 = vector.shape_cast %get3A_28 : vector<1x128x1xi32> to vector<128x1xi32>
    %select_n3A_30 = arith.select %gt3A, %broadcast_in_dim3A_19, %get3A_29 : vector<128x1xi1>, vector<128x1xi32>
    %swap3A = arith.constant 0 : index
    %swap3A_31 = arith.constant 0 : index
    %swap3A_32 = arith.constant 0 : index
    %swap3A_33 = vector.load %arg4[%swap3A, %swap3A_31, %swap3A_32] : memref<1x128x1xi32, #tpu.memory_space<vmem>>, vector<1x128x1xi32>
    %swap3A_34 = vector.shape_cast %swap3A_33 : vector<1x128x1xi32> to vector<128x1xi32>
    %swap3A_35 = vector.shape_cast %select_n3A_30 : vector<128x1xi32> to vector<1x128x1xi32>
    tpu.vector_store %arg4[%swap3A, %swap3A_31, %swap3A_32], %swap3A_35 {strides = array<i32>} : memref<1x128x1xi32, #tpu.memory_space<vmem>>, vector<1x128x1xi32>,
    %get3A_36 = arith.constant 0 : index
    %get3A_37 = arith.constant 0 : index
    %get3A_38 = arith.constant 0 : index
    %get3A_39 = vector.load %arg3[%get3A_36, %get3A_37, %get3A_38] : memref<1x128x1xf32, #tpu.memory_space<vmem>>, vector<1x128x1xf32>
    %get3A_40 = vector.shape_cast %get3A_39 : vector<1x128x1xf32> to vector<128x1xf32>
    %select_n3A_41 = arith.select %gt3A, %broadcast_in_dim3A_12, %get3A_40 : vector<128x1xi1>, vector<128x1xf32>
    %swap3A_42 = arith.constant 0 : index
    %swap3A_43 = arith.constant 0 : index
    %swap3A_44 = arith.constant 0 : index
    %swap3A_45 = vector.load %arg3[%swap3A_42, %swap3A_43, %swap3A_44] : memref<1x128x1xf32, #tpu.memory_space<vmem>>, vector<1x128x1xf32>
    %swap3A_46 = vector.shape_cast %swap3A_45 : vector<1x128x1xf32> to vector<128x1xf32>
    %swap3A_47 = vector.shape_cast %select_n3A_41 : vector<128x1xf32> to vector<1x128x1xf32>
    tpu.vector_store %arg3[%swap3A_42, %swap3A_43, %swap3A_44], %swap3A_47 {strides = array<i32>} : memref<1x128x1xf32, #tpu.memory_space<vmem>>, vector<1x128x1xf32>,
    return
  }
  func.func @transform_0(%arg0: i32, %arg1: i32) -> (i32, i32) {
    %mul3A = arith.constant 7 : i32
    %mul3A_0 = arith.muli %arg0, %mul3A : i32
    %add3A = arith.addi %mul3A_0, %arg1 : i32
    %c0_i32 = arith.constant 0 : i32
    %c0_i32_1 = arith.constant 0 : i32
    return %c0_i32, %add3A : i32, i32
  }
  func.func @transform_1(%arg0: i32, %arg1: i32) -> (i32, i32, i32) {
    %c0_i32 = arith.constant 0 : i32
    %c0_i32_0 = arith.constant 0 : i32
    %c0_i32_1 = arith.constant 0 : i32
    return %arg0, %c0_i32, %c0_i32_0 : i32, i32, i32
  }
  func.func @transform_2(%arg0: i32, %arg1: i32) -> (i32, i32, i32) {
    %c0_i32 = arith.constant 0 : i32
    %c0_i32_0 = arith.constant 0 : i32
    %c0_i32_1 = arith.constant 0 : i32
    return %arg0, %c0_i32, %c0_i32_0 : i32, i32, i32
  }
}

module attributes {stable_mosaic.version = 14 : i64} {
  func.func @_final_kernel(%arg0: memref<7x128x1xf32, #tpu.memory_space<vmem>>, %arg1: memref<7x128x1xi32, #tpu.memory_space<vmem>>, %arg2: memref<128x1xi32, #tpu.memory_space<vmem>>, %arg3: memref<128x1xi32, #tpu.memory_space<vmem>>, %arg4: memref<128x1xi32, #tpu.memory_space<vmem>>, %arg5: memref<128x1xi32, #tpu.memory_space<vmem>>, %arg6: memref<128x1xi32, #tpu.memory_space<vmem>>, %arg7: memref<128x1xf32, #tpu.memory_space<vmem>>, %arg8: memref<128x1xf32, #tpu.memory_space<vmem>>) attributes {dimension_semantics = [], scalar_prefetch = 0 : i64, scratch_operands = 0 : i64, tpu.core_type = #tpu.core_type<tc>} {
    %get3A = arith.constant 0 : index
    %get3A_0 = arith.constant 0 : index
    %get3A_1 = arith.constant 0 : index
    %get3A_2 = vector.load %arg0[%get3A, %get3A_0, %get3A_1] : memref<7x128x1xf32, #tpu.memory_space<vmem>>, vector<7x128x1xf32>
    %get3A_3 = arith.constant 0 : index
    %get3A_4 = arith.constant 0 : index
    %get3A_5 = arith.constant 0 : index
    %get3A_6 = vector.load %arg1[%get3A_3, %get3A_4, %get3A_5] : memref<7x128x1xi32, #tpu.memory_space<vmem>>, vector<7x128x1xi32>
    %reduce_max3A = arith.constant dense<0xFF800000> : vector<128x1xf32>
    %reduce_max3A_7 = vector.multi_reduction <maximumf>, %get3A_2, %reduce_max3A [0] : vector<7x128x1xf32> to vector<128x1xf32>
    %broadcast_in_dim3A = vector.shape_cast %reduce_max3A_7 : vector<128x1xf32> to vector<1x128x1xf32>
    %eq3A = vector.broadcast %broadcast_in_dim3A : vector<1x128x1xf32> to vector<7x128x1xf32>
    %eq3A_8 = arith.cmpf oeq, %get3A_2, %eq3A : vector<7x128x1xf32>
    %jit3A = arith.constant 100000 : i32
    %broadcast_in_dim3A_9 = vector.broadcast %jit3A : i32 to vector<7x128x1xi32>
    %select_n3A = arith.select %eq3A_8, %get3A_6, %broadcast_in_dim3A_9 : vector<7x128x1xi1>, vector<7x128x1xi32>
    %reduce_min3A = arith.constant dense<2147483647> : vector<128x1xi32>
    %reduce_min3A_10 = vector.multi_reduction <minsi>, %select_n3A, %reduce_min3A [0] : vector<7x128x1xi32> to vector<128x1xi32>
    %iota3A = tpu.iota {dimensions = array<i32: 0>} : vector<128x1xi32>
    %mul3A = arith.constant 100000 : i32
    %mul3A_11 = vector.broadcast %mul3A : i32 to vector<128x1xi32>
    %mul3A_12 = arith.muli %iota3A, %mul3A_11 : vector<128x1xi32>
    %add3A = arith.addi %mul3A_12, %reduce_min3A_10 : vector<128x1xi32>
    %get3A_13 = arith.constant 0 : index
    %get3A_14 = arith.constant 0 : index
    %get3A_15 = vector.load %arg2[%get3A_13, %get3A_14] : memref<128x1xi32, #tpu.memory_space<vmem>>, vector<128x1xi32>
    %get3A_16 = arith.constant 0 : index
    %get3A_17 = arith.constant 0 : index
    %get3A_18 = vector.load %arg3[%get3A_16, %get3A_17] : memref<128x1xi32, #tpu.memory_space<vmem>>, vector<128x1xi32>
    %eq3A_19 = arith.cmpi eq, %get3A_15, %reduce_min3A_10 : vector<128x1xi32>
    %select_n3A_20 = arith.select %eq3A_19, %get3A_18, %get3A_15 : vector<128x1xi1>, vector<128x1xi32>
    %mul3A_21 = arith.constant 100000 : i32
    %mul3A_22 = vector.broadcast %mul3A_21 : i32 to vector<128x1xi32>
    %mul3A_23 = arith.muli %iota3A, %mul3A_22 : vector<128x1xi32>
    %add3A_24 = arith.addi %mul3A_23, %select_n3A_20 : vector<128x1xi32>
    %broadcast_in_dim3A_25 = arith.constant 1832780943 : i32
    %broadcast_in_dim3A_26 = vector.broadcast %broadcast_in_dim3A_25 : i32 to vector<128x1xi32>
    %add3A_27 = arith.constant 270669613 : i32
    %add3A_28 = vector.broadcast %add3A_27 : i32 to vector<128x1xi32>
    %add3A_29 = arith.addi %add3A_24, %add3A_28 : vector<128x1xi32>
    %add3A_30 = arith.addi %broadcast_in_dim3A_26, %add3A_29 : vector<128x1xi32>
    %shift_left3A = arith.constant 13 : i32
    %shift_left3A_31 = vector.broadcast %shift_left3A : i32 to vector<128x1xi32>
    %shift_left3A_32 = arith.shli %add3A_29, %shift_left3A_31 : vector<128x1xi32>
    %shift_right_logical3A = arith.constant 19 : i32
    %shift_right_logical3A_33 = vector.broadcast %shift_right_logical3A : i32 to vector<128x1xi32>
    %shift_right_logical3A_34 = arith.shrui %add3A_29, %shift_right_logical3A_33 : vector<128x1xi32>
    %or3A = arith.ori %shift_left3A_32, %shift_right_logical3A_34 : vector<128x1xi32>
    %xor3A = arith.xori %or3A, %add3A_30 : vector<128x1xi32>
    %add3A_35 = arith.addi %add3A_30, %xor3A : vector<128x1xi32>
    %shift_left3A_36 = arith.constant 15 : i32
    %shift_left3A_37 = vector.broadcast %shift_left3A_36 : i32 to vector<128x1xi32>
    %shift_left3A_38 = arith.shli %xor3A, %shift_left3A_37 : vector<128x1xi32>
    %shift_right_logical3A_39 = arith.constant 17 : i32
    %shift_right_logical3A_40 = vector.broadcast %shift_right_logical3A_39 : i32 to vector<128x1xi32>
    %shift_right_logical3A_41 = arith.shrui %xor3A, %shift_right_logical3A_40 : vector<128x1xi32>
    %or3A_42 = arith.ori %shift_left3A_38, %shift_right_logical3A_41 : vector<128x1xi32>
    %xor3A_43 = arith.xori %or3A_42, %add3A_35 : vector<128x1xi32>
    %add3A_44 = arith.addi %add3A_35, %xor3A_43 : vector<128x1xi32>
    %shift_left3A_45 = arith.constant 26 : i32
    %shift_left3A_46 = vector.broadcast %shift_left3A_45 : i32 to vector<128x1xi32>
    %shift_left3A_47 = arith.shli %xor3A_43, %shift_left3A_46 : vector<128x1xi32>
    %shift_right_logical3A_48 = arith.constant 6 : i32
    %shift_right_logical3A_49 = vector.broadcast %shift_right_logical3A_48 : i32 to vector<128x1xi32>
    %shift_right_logical3A_50 = arith.shrui %xor3A_43, %shift_right_logical3A_49 : vector<128x1xi32>
    %or3A_51 = arith.ori %shift_left3A_47, %shift_right_logical3A_50 : vector<128x1xi32>
    %xor3A_52 = arith.xori %or3A_51, %add3A_44 : vector<128x1xi32>
    %add3A_53 = arith.addi %add3A_44, %xor3A_52 : vector<128x1xi32>
    %shift_left3A_54 = arith.constant 6 : i32
    %shift_left3A_55 = vector.broadcast %shift_left3A_54 : i32 to vector<128x1xi32>
    %shift_left3A_56 = arith.shli %xor3A_52, %shift_left3A_55 : vector<128x1xi32>
    %shift_right_logical3A_57 = arith.constant 26 : i32
    %shift_right_logical3A_58 = vector.broadcast %shift_right_logical3A_57 : i32 to vector<128x1xi32>
    %shift_right_logical3A_59 = arith.shrui %xor3A_52, %shift_right_logical3A_58 : vector<128x1xi32>
    %or3A_60 = arith.ori %shift_left3A_56, %shift_right_logical3A_59 : vector<128x1xi32>
    %xor3A_61 = arith.xori %or3A_60, %add3A_53 : vector<128x1xi32>
    %add3A_62 = arith.constant 270669613 : i32
    %add3A_63 = vector.broadcast %add3A_62 : i32 to vector<128x1xi32>
    %add3A_64 = arith.addi %add3A_53, %add3A_63 : vector<128x1xi32>
    %add3A_65 = arith.constant 1724713080 : i32
    %add3A_66 = vector.broadcast %add3A_65 : i32 to vector<128x1xi32>
    %add3A_67 = arith.addi %xor3A_61, %add3A_66 : vector<128x1xi32>
    %add3A_68 = arith.constant 1 : i32
    %add3A_69 = vector.broadcast %add3A_68 : i32 to vector<128x1xi32>
    %add3A_70 = arith.addi %add3A_67, %add3A_69 : vector<128x1xi32>
    %add3A_71 = arith.addi %add3A_64, %add3A_70 : vector<128x1xi32>
    %shift_left3A_72 = arith.constant 17 : i32
    %shift_left3A_73 = vector.broadcast %shift_left3A_72 : i32 to vector<128x1xi32>
    %shift_left3A_74 = arith.shli %add3A_70, %shift_left3A_73 : vector<128x1xi32>
    %shift_right_logical3A_75 = arith.constant 15 : i32
    %shift_right_logical3A_76 = vector.broadcast %shift_right_logical3A_75 : i32 to vector<128x1xi32>
    %shift_right_logical3A_77 = arith.shrui %add3A_70, %shift_right_logical3A_76 : vector<128x1xi32>
    %or3A_78 = arith.ori %shift_left3A_74, %shift_right_logical3A_77 : vector<128x1xi32>
    %xor3A_79 = arith.xori %or3A_78, %add3A_71 : vector<128x1xi32>
    %add3A_80 = arith.addi %add3A_71, %xor3A_79 : vector<128x1xi32>
    %shift_left3A_81 = arith.constant 29 : i32
    %shift_left3A_82 = vector.broadcast %shift_left3A_81 : i32 to vector<128x1xi32>
    %shift_left3A_83 = arith.shli %xor3A_79, %shift_left3A_82 : vector<128x1xi32>
    %shift_right_logical3A_84 = arith.constant 3 : i32
    %shift_right_logical3A_85 = vector.broadcast %shift_right_logical3A_84 : i32 to vector<128x1xi32>
    %shift_right_logical3A_86 = arith.shrui %xor3A_79, %shift_right_logical3A_85 : vector<128x1xi32>
    %or3A_87 = arith.ori %shift_left3A_83, %shift_right_logical3A_86 : vector<128x1xi32>
    %xor3A_88 = arith.xori %or3A_87, %add3A_80 : vector<128x1xi32>
    %add3A_89 = arith.addi %add3A_80, %xor3A_88 : vector<128x1xi32>
    %shift_left3A_90 = arith.constant 16 : i32
    %shift_left3A_91 = vector.broadcast %shift_left3A_90 : i32 to vector<128x1xi32>
    %shift_left3A_92 = arith.shli %xor3A_88, %shift_left3A_91 : vector<128x1xi32>
    %shift_right_logical3A_93 = arith.constant 16 : i32
    %shift_right_logical3A_94 = vector.broadcast %shift_right_logical3A_93 : i32 to vector<128x1xi32>
    %shift_right_logical3A_95 = arith.shrui %xor3A_88, %shift_right_logical3A_94 : vector<128x1xi32>
    %or3A_96 = arith.ori %shift_left3A_92, %shift_right_logical3A_95 : vector<128x1xi32>
    %xor3A_97 = arith.xori %or3A_96, %add3A_89 : vector<128x1xi32>
    %add3A_98 = arith.addi %add3A_89, %xor3A_97 : vector<128x1xi32>
    %shift_left3A_99 = arith.constant 24 : i32
    %shift_left3A_100 = vector.broadcast %shift_left3A_99 : i32 to vector<128x1xi32>
    %shift_left3A_101 = arith.shli %xor3A_97, %shift_left3A_100 : vector<128x1xi32>
    %shift_right_logical3A_102 = arith.constant 8 : i32
    %shift_right_logical3A_103 = vector.broadcast %shift_right_logical3A_102 : i32 to vector<128x1xi32>
    %shift_right_logical3A_104 = arith.shrui %xor3A_97, %shift_right_logical3A_103 : vector<128x1xi32>
    %or3A_105 = arith.ori %shift_left3A_101, %shift_right_logical3A_104 : vector<128x1xi32>
    %xor3A_106 = arith.xori %or3A_105, %add3A_98 : vector<128x1xi32>
    %add3A_107 = arith.constant 1724713080 : i32
    %add3A_108 = vector.broadcast %add3A_107 : i32 to vector<128x1xi32>
    %add3A_109 = arith.addi %add3A_98, %add3A_108 : vector<128x1xi32>
    %add3A_110 = arith.constant 1832780943 : i32
    %add3A_111 = vector.broadcast %add3A_110 : i32 to vector<128x1xi32>
    %add3A_112 = arith.addi %xor3A_106, %add3A_111 : vector<128x1xi32>
    %add3A_113 = arith.constant 2 : i32
    %add3A_114 = vector.broadcast %add3A_113 : i32 to vector<128x1xi32>
    %add3A_115 = arith.addi %add3A_112, %add3A_114 : vector<128x1xi32>
    %add3A_116 = arith.addi %add3A_109, %add3A_115 : vector<128x1xi32>
    %shift_left3A_117 = arith.constant 13 : i32
    %shift_left3A_118 = vector.broadcast %shift_left3A_117 : i32 to vector<128x1xi32>
    %shift_left3A_119 = arith.shli %add3A_115, %shift_left3A_118 : vector<128x1xi32>
    %shift_right_logical3A_120 = arith.constant 19 : i32
    %shift_right_logical3A_121 = vector.broadcast %shift_right_logical3A_120 : i32 to vector<128x1xi32>
    %shift_right_logical3A_122 = arith.shrui %add3A_115, %shift_right_logical3A_121 : vector<128x1xi32>
    %or3A_123 = arith.ori %shift_left3A_119, %shift_right_logical3A_122 : vector<128x1xi32>
    %xor3A_124 = arith.xori %or3A_123, %add3A_116 : vector<128x1xi32>
    %add3A_125 = arith.addi %add3A_116, %xor3A_124 : vector<128x1xi32>
    %shift_left3A_126 = arith.constant 15 : i32
    %shift_left3A_127 = vector.broadcast %shift_left3A_126 : i32 to vector<128x1xi32>
    %shift_left3A_128 = arith.shli %xor3A_124, %shift_left3A_127 : vector<128x1xi32>
    %shift_right_logical3A_129 = arith.constant 17 : i32
    %shift_right_logical3A_130 = vector.broadcast %shift_right_logical3A_129 : i32 to vector<128x1xi32>
    %shift_right_logical3A_131 = arith.shrui %xor3A_124, %shift_right_logical3A_130 : vector<128x1xi32>
    %or3A_132 = arith.ori %shift_left3A_128, %shift_right_logical3A_131 : vector<128x1xi32>
    %xor3A_133 = arith.xori %or3A_132, %add3A_125 : vector<128x1xi32>
    %add3A_134 = arith.addi %add3A_125, %xor3A_133 : vector<128x1xi32>
    %shift_left3A_135 = arith.constant 26 : i32
    %shift_left3A_136 = vector.broadcast %shift_left3A_135 : i32 to vector<128x1xi32>
    %shift_left3A_137 = arith.shli %xor3A_133, %shift_left3A_136 : vector<128x1xi32>
    %shift_right_logical3A_138 = arith.constant 6 : i32
    %shift_right_logical3A_139 = vector.broadcast %shift_right_logical3A_138 : i32 to vector<128x1xi32>
    %shift_right_logical3A_140 = arith.shrui %xor3A_133, %shift_right_logical3A_139 : vector<128x1xi32>
    %or3A_141 = arith.ori %shift_left3A_137, %shift_right_logical3A_140 : vector<128x1xi32>
    %xor3A_142 = arith.xori %or3A_141, %add3A_134 : vector<128x1xi32>
    %add3A_143 = arith.addi %add3A_134, %xor3A_142 : vector<128x1xi32>
    %shift_left3A_144 = arith.constant 6 : i32
    %shift_left3A_145 = vector.broadcast %shift_left3A_144 : i32 to vector<128x1xi32>
    %shift_left3A_146 = arith.shli %xor3A_142, %shift_left3A_145 : vector<128x1xi32>
    %shift_right_logical3A_147 = arith.constant 26 : i32
    %shift_right_logical3A_148 = vector.broadcast %shift_right_logical3A_147 : i32 to vector<128x1xi32>
    %shift_right_logical3A_149 = arith.shrui %xor3A_142, %shift_right_logical3A_148 : vector<128x1xi32>
    %or3A_150 = arith.ori %shift_left3A_146, %shift_right_logical3A_149 : vector<128x1xi32>
    %xor3A_151 = arith.xori %or3A_150, %add3A_143 : vector<128x1xi32>
    %add3A_152 = arith.constant 1832780943 : i32
    %add3A_153 = vector.broadcast %add3A_152 : i32 to vector<128x1xi32>
    %add3A_154 = arith.addi %add3A_143, %add3A_153 : vector<128x1xi32>
    %add3A_155 = arith.constant 270669613 : i32
    %add3A_156 = vector.broadcast %add3A_155 : i32 to vector<128x1xi32>
    %add3A_157 = arith.addi %xor3A_151, %add3A_156 : vector<128x1xi32>
    %add3A_158 = arith.constant 3 : i32
    %add3A_159 = vector.broadcast %add3A_158 : i32 to vector<128x1xi32>
    %add3A_160 = arith.addi %add3A_157, %add3A_159 : vector<128x1xi32>
    %add3A_161 = arith.addi %add3A_154, %add3A_160 : vector<128x1xi32>
    %shift_left3A_162 = arith.constant 17 : i32
    %shift_left3A_163 = vector.broadcast %shift_left3A_162 : i32 to vector<128x1xi32>
    %shift_left3A_164 = arith.shli %add3A_160, %shift_left3A_163 : vector<128x1xi32>
    %shift_right_logical3A_165 = arith.constant 15 : i32
    %shift_right_logical3A_166 = vector.broadcast %shift_right_logical3A_165 : i32 to vector<128x1xi32>
    %shift_right_logical3A_167 = arith.shrui %add3A_160, %shift_right_logical3A_166 : vector<128x1xi32>
    %or3A_168 = arith.ori %shift_left3A_164, %shift_right_logical3A_167 : vector<128x1xi32>
    %xor3A_169 = arith.xori %or3A_168, %add3A_161 : vector<128x1xi32>
    %add3A_170 = arith.addi %add3A_161, %xor3A_169 : vector<128x1xi32>
    %shift_left3A_171 = arith.constant 29 : i32
    %shift_left3A_172 = vector.broadcast %shift_left3A_171 : i32 to vector<128x1xi32>
    %shift_left3A_173 = arith.shli %xor3A_169, %shift_left3A_172 : vector<128x1xi32>
    %shift_right_logical3A_174 = arith.constant 3 : i32
    %shift_right_logical3A_175 = vector.broadcast %shift_right_logical3A_174 : i32 to vector<128x1xi32>
    %shift_right_logical3A_176 = arith.shrui %xor3A_169, %shift_right_logical3A_175 : vector<128x1xi32>
    %or3A_177 = arith.ori %shift_left3A_173, %shift_right_logical3A_176 : vector<128x1xi32>
    %xor3A_178 = arith.xori %or3A_177, %add3A_170 : vector<128x1xi32>
    %add3A_179 = arith.addi %add3A_170, %xor3A_178 : vector<128x1xi32>
    %shift_left3A_180 = arith.constant 16 : i32
    %shift_left3A_181 = vector.broadcast %shift_left3A_180 : i32 to vector<128x1xi32>
    %shift_left3A_182 = arith.shli %xor3A_178, %shift_left3A_181 : vector<128x1xi32>
    %shift_right_logical3A_183 = arith.constant 16 : i32
    %shift_right_logical3A_184 = vector.broadcast %shift_right_logical3A_183 : i32 to vector<128x1xi32>
    %shift_right_logical3A_185 = arith.shrui %xor3A_178, %shift_right_logical3A_184 : vector<128x1xi32>
    %or3A_186 = arith.ori %shift_left3A_182, %shift_right_logical3A_185 : vector<128x1xi32>
    %xor3A_187 = arith.xori %or3A_186, %add3A_179 : vector<128x1xi32>
    %add3A_188 = arith.addi %add3A_179, %xor3A_187 : vector<128x1xi32>
    %shift_left3A_189 = arith.constant 24 : i32
    %shift_left3A_190 = vector.broadcast %shift_left3A_189 : i32 to vector<128x1xi32>
    %shift_left3A_191 = arith.shli %xor3A_187, %shift_left3A_190 : vector<128x1xi32>
    %shift_right_logical3A_192 = arith.constant 8 : i32
    %shift_right_logical3A_193 = vector.broadcast %shift_right_logical3A_192 : i32 to vector<128x1xi32>
    %shift_right_logical3A_194 = arith.shrui %xor3A_187, %shift_right_logical3A_193 : vector<128x1xi32>
    %or3A_195 = arith.ori %shift_left3A_191, %shift_right_logical3A_194 : vector<128x1xi32>
    %xor3A_196 = arith.xori %or3A_195, %add3A_188 : vector<128x1xi32>
    %add3A_197 = arith.constant 270669613 : i32
    %add3A_198 = vector.broadcast %add3A_197 : i32 to vector<128x1xi32>
    %add3A_199 = arith.addi %add3A_188, %add3A_198 : vector<128x1xi32>
    %add3A_200 = arith.constant 1724713080 : i32
    %add3A_201 = vector.broadcast %add3A_200 : i32 to vector<128x1xi32>
    %add3A_202 = arith.addi %xor3A_196, %add3A_201 : vector<128x1xi32>
    %add3A_203 = arith.constant 4 : i32
    %add3A_204 = vector.broadcast %add3A_203 : i32 to vector<128x1xi32>
    %add3A_205 = arith.addi %add3A_202, %add3A_204 : vector<128x1xi32>
    %add3A_206 = arith.addi %add3A_199, %add3A_205 : vector<128x1xi32>
    %shift_left3A_207 = arith.constant 13 : i32
    %shift_left3A_208 = vector.broadcast %shift_left3A_207 : i32 to vector<128x1xi32>
    %shift_left3A_209 = arith.shli %add3A_205, %shift_left3A_208 : vector<128x1xi32>
    %shift_right_logical3A_210 = arith.constant 19 : i32
    %shift_right_logical3A_211 = vector.broadcast %shift_right_logical3A_210 : i32 to vector<128x1xi32>
    %shift_right_logical3A_212 = arith.shrui %add3A_205, %shift_right_logical3A_211 : vector<128x1xi32>
    %or3A_213 = arith.ori %shift_left3A_209, %shift_right_logical3A_212 : vector<128x1xi32>
    %xor3A_214 = arith.xori %or3A_213, %add3A_206 : vector<128x1xi32>
    %add3A_215 = arith.addi %add3A_206, %xor3A_214 : vector<128x1xi32>
    %shift_left3A_216 = arith.constant 15 : i32
    %shift_left3A_217 = vector.broadcast %shift_left3A_216 : i32 to vector<128x1xi32>
    %shift_left3A_218 = arith.shli %xor3A_214, %shift_left3A_217 : vector<128x1xi32>
    %shift_right_logical3A_219 = arith.constant 17 : i32
    %shift_right_logical3A_220 = vector.broadcast %shift_right_logical3A_219 : i32 to vector<128x1xi32>
    %shift_right_logical3A_221 = arith.shrui %xor3A_214, %shift_right_logical3A_220 : vector<128x1xi32>
    %or3A_222 = arith.ori %shift_left3A_218, %shift_right_logical3A_221 : vector<128x1xi32>
    %xor3A_223 = arith.xori %or3A_222, %add3A_215 : vector<128x1xi32>
    %add3A_224 = arith.addi %add3A_215, %xor3A_223 : vector<128x1xi32>
    %shift_left3A_225 = arith.constant 26 : i32
    %shift_left3A_226 = vector.broadcast %shift_left3A_225 : i32 to vector<128x1xi32>
    %shift_left3A_227 = arith.shli %xor3A_223, %shift_left3A_226 : vector<128x1xi32>
    %shift_right_logical3A_228 = arith.constant 6 : i32
    %shift_right_logical3A_229 = vector.broadcast %shift_right_logical3A_228 : i32 to vector<128x1xi32>
    %shift_right_logical3A_230 = arith.shrui %xor3A_223, %shift_right_logical3A_229 : vector<128x1xi32>
    %or3A_231 = arith.ori %shift_left3A_227, %shift_right_logical3A_230 : vector<128x1xi32>
    %xor3A_232 = arith.xori %or3A_231, %add3A_224 : vector<128x1xi32>
    %add3A_233 = arith.addi %add3A_224, %xor3A_232 : vector<128x1xi32>
    %shift_left3A_234 = arith.constant 6 : i32
    %shift_left3A_235 = vector.broadcast %shift_left3A_234 : i32 to vector<128x1xi32>
    %shift_left3A_236 = arith.shli %xor3A_232, %shift_left3A_235 : vector<128x1xi32>
    %shift_right_logical3A_237 = arith.constant 26 : i32
    %shift_right_logical3A_238 = vector.broadcast %shift_right_logical3A_237 : i32 to vector<128x1xi32>
    %shift_right_logical3A_239 = arith.shrui %xor3A_232, %shift_right_logical3A_238 : vector<128x1xi32>
    %or3A_240 = arith.ori %shift_left3A_236, %shift_right_logical3A_239 : vector<128x1xi32>
    %xor3A_241 = arith.xori %or3A_240, %add3A_233 : vector<128x1xi32>
    %add3A_242 = arith.constant 1724713080 : i32
    %add3A_243 = vector.broadcast %add3A_242 : i32 to vector<128x1xi32>
    %add3A_244 = arith.addi %add3A_233, %add3A_243 : vector<128x1xi32>
    %add3A_245 = arith.constant 1832780943 : i32
    %add3A_246 = vector.broadcast %add3A_245 : i32 to vector<128x1xi32>
    %add3A_247 = arith.addi %xor3A_241, %add3A_246 : vector<128x1xi32>
    %add3A_248 = arith.constant 5 : i32
    %add3A_249 = vector.broadcast %add3A_248 : i32 to vector<128x1xi32>
    %add3A_250 = arith.addi %add3A_247, %add3A_249 : vector<128x1xi32>
    %xor3A_251 = arith.xori %add3A_244, %add3A_250 : vector<128x1xi32>
    %shift_right_logical3A_252 = arith.constant 9 : i32
    %shift_right_logical3A_253 = vector.broadcast %shift_right_logical3A_252 : i32 to vector<128x1xi32>
    %shift_right_logical3A_254 = arith.shrui %xor3A_251, %shift_right_logical3A_253 : vector<128x1xi32>
    %or3A_255 = arith.constant 1065353216 : i32
    %or3A_256 = vector.broadcast %or3A_255 : i32 to vector<128x1xi32>
    %or3A_257 = arith.ori %shift_right_logical3A_254, %or3A_256 : vector<128x1xi32>
    %bitcast_convert_type3A = tpu.bitcast %or3A_257 : vector<128x1xi32> -> vector<128x1xf32>
    %sub3A = arith.constant 1.000000e+00 : f32
    %sub3A_258 = vector.broadcast %sub3A : f32 to vector<128x1xf32>
    %sub3A_259 = arith.subf %bitcast_convert_type3A, %sub3A_258 : vector<128x1xf32>
    %add3A_260 = arith.constant 1.17549435E-38 : f32
    %add3A_261 = vector.broadcast %add3A_260 : f32 to vector<128x1xf32>
    %add3A_262 = arith.addf %sub3A_259, %add3A_261 : vector<128x1xf32>
    %max3A = arith.constant 1.17549435E-38 : f32
    %max3A_263 = vector.broadcast %max3A : f32 to vector<128x1xf32>
    %max3A_264 = arith.maximumf %max3A_263, %add3A_262 : vector<128x1xf32>
    %log3A = math.log %max3A_264 : vector<128x1xf32>
    %neg3A = arith.constant 0.000000e+00 : f32
    %neg3A_265 = vector.broadcast %neg3A : f32 to vector<128x1xf32>
    %neg3A_266 = arith.subf %neg3A_265, %log3A : vector<128x1xf32>
    %log3A_267 = math.log %neg3A_266 : vector<128x1xf32>
    %neg3A_268 = arith.constant 0.000000e+00 : f32
    %neg3A_269 = vector.broadcast %neg3A_268 : f32 to vector<128x1xf32>
    %neg3A_270 = arith.subf %neg3A_269, %log3A_267 : vector<128x1xf32>
    %add3A_271 = arith.constant -13.8155107 : f32
    %add3A_272 = vector.broadcast %add3A_271 : f32 to vector<128x1xf32>
    %add3A_273 = arith.addf %neg3A_270, %add3A_272 : vector<128x1xf32>
    %broadcast_in_dim3A_274 = arith.constant 1832780943 : i32
    %broadcast_in_dim3A_275 = vector.broadcast %broadcast_in_dim3A_274 : i32 to vector<128x1xi32>
    %add3A_276 = arith.constant 270669613 : i32
    %add3A_277 = vector.broadcast %add3A_276 : i32 to vector<128x1xi32>
    %add3A_278 = arith.addi %add3A, %add3A_277 : vector<128x1xi32>
    %add3A_279 = arith.addi %broadcast_in_dim3A_275, %add3A_278 : vector<128x1xi32>
    %shift_left3A_280 = arith.constant 13 : i32
    %shift_left3A_281 = vector.broadcast %shift_left3A_280 : i32 to vector<128x1xi32>
    %shift_left3A_282 = arith.shli %add3A_278, %shift_left3A_281 : vector<128x1xi32>
    %shift_right_logical3A_283 = arith.constant 19 : i32
    %shift_right_logical3A_284 = vector.broadcast %shift_right_logical3A_283 : i32 to vector<128x1xi32>
    %shift_right_logical3A_285 = arith.shrui %add3A_278, %shift_right_logical3A_284 : vector<128x1xi32>
    %or3A_286 = arith.ori %shift_left3A_282, %shift_right_logical3A_285 : vector<128x1xi32>
    %xor3A_287 = arith.xori %or3A_286, %add3A_279 : vector<128x1xi32>
    %add3A_288 = arith.addi %add3A_279, %xor3A_287 : vector<128x1xi32>
    %shift_left3A_289 = arith.constant 15 : i32
    %shift_left3A_290 = vector.broadcast %shift_left3A_289 : i32 to vector<128x1xi32>
    %shift_left3A_291 = arith.shli %xor3A_287, %shift_left3A_290 : vector<128x1xi32>
    %shift_right_logical3A_292 = arith.constant 17 : i32
    %shift_right_logical3A_293 = vector.broadcast %shift_right_logical3A_292 : i32 to vector<128x1xi32>
    %shift_right_logical3A_294 = arith.shrui %xor3A_287, %shift_right_logical3A_293 : vector<128x1xi32>
    %or3A_295 = arith.ori %shift_left3A_291, %shift_right_logical3A_294 : vector<128x1xi32>
    %xor3A_296 = arith.xori %or3A_295, %add3A_288 : vector<128x1xi32>
    %add3A_297 = arith.addi %add3A_288, %xor3A_296 : vector<128x1xi32>
    %shift_left3A_298 = arith.constant 26 : i32
    %shift_left3A_299 = vector.broadcast %shift_left3A_298 : i32 to vector<128x1xi32>
    %shift_left3A_300 = arith.shli %xor3A_296, %shift_left3A_299 : vector<128x1xi32>
    %shift_right_logical3A_301 = arith.constant 6 : i32
    %shift_right_logical3A_302 = vector.broadcast %shift_right_logical3A_301 : i32 to vector<128x1xi32>
    %shift_right_logical3A_303 = arith.shrui %xor3A_296, %shift_right_logical3A_302 : vector<128x1xi32>
    %or3A_304 = arith.ori %shift_left3A_300, %shift_right_logical3A_303 : vector<128x1xi32>
    %xor3A_305 = arith.xori %or3A_304, %add3A_297 : vector<128x1xi32>
    %add3A_306 = arith.addi %add3A_297, %xor3A_305 : vector<128x1xi32>
    %shift_left3A_307 = arith.constant 6 : i32
    %shift_left3A_308 = vector.broadcast %shift_left3A_307 : i32 to vector<128x1xi32>
    %shift_left3A_309 = arith.shli %xor3A_305, %shift_left3A_308 : vector<128x1xi32>
    %shift_right_logical3A_310 = arith.constant 26 : i32
    %shift_right_logical3A_311 = vector.broadcast %shift_right_logical3A_310 : i32 to vector<128x1xi32>
    %shift_right_logical3A_312 = arith.shrui %xor3A_305, %shift_right_logical3A_311 : vector<128x1xi32>
    %or3A_313 = arith.ori %shift_left3A_309, %shift_right_logical3A_312 : vector<128x1xi32>
    %xor3A_314 = arith.xori %or3A_313, %add3A_306 : vector<128x1xi32>
    %add3A_315 = arith.constant 270669613 : i32
    %add3A_316 = vector.broadcast %add3A_315 : i32 to vector<128x1xi32>
    %add3A_317 = arith.addi %add3A_306, %add3A_316 : vector<128x1xi32>
    %add3A_318 = arith.constant 1724713080 : i32
    %add3A_319 = vector.broadcast %add3A_318 : i32 to vector<128x1xi32>
    %add3A_320 = arith.addi %xor3A_314, %add3A_319 : vector<128x1xi32>
    %add3A_321 = arith.constant 1 : i32
    %add3A_322 = vector.broadcast %add3A_321 : i32 to vector<128x1xi32>
    %add3A_323 = arith.addi %add3A_320, %add3A_322 : vector<128x1xi32>
    %add3A_324 = arith.addi %add3A_317, %add3A_323 : vector<128x1xi32>
    %shift_left3A_325 = arith.constant 17 : i32
    %shift_left3A_326 = vector.broadcast %shift_left3A_325 : i32 to vector<128x1xi32>
    %shift_left3A_327 = arith.shli %add3A_323, %shift_left3A_326 : vector<128x1xi32>
    %shift_right_logical3A_328 = arith.constant 15 : i32
    %shift_right_logical3A_329 = vector.broadcast %shift_right_logical3A_328 : i32 to vector<128x1xi32>
    %shift_right_logical3A_330 = arith.shrui %add3A_323, %shift_right_logical3A_329 : vector<128x1xi32>
    %or3A_331 = arith.ori %shift_left3A_327, %shift_right_logical3A_330 : vector<128x1xi32>
    %xor3A_332 = arith.xori %or3A_331, %add3A_324 : vector<128x1xi32>
    %add3A_333 = arith.addi %add3A_324, %xor3A_332 : vector<128x1xi32>
    %shift_left3A_334 = arith.constant 29 : i32
    %shift_left3A_335 = vector.broadcast %shift_left3A_334 : i32 to vector<128x1xi32>
    %shift_left3A_336 = arith.shli %xor3A_332, %shift_left3A_335 : vector<128x1xi32>
    %shift_right_logical3A_337 = arith.constant 3 : i32
    %shift_right_logical3A_338 = vector.broadcast %shift_right_logical3A_337 : i32 to vector<128x1xi32>
    %shift_right_logical3A_339 = arith.shrui %xor3A_332, %shift_right_logical3A_338 : vector<128x1xi32>
    %or3A_340 = arith.ori %shift_left3A_336, %shift_right_logical3A_339 : vector<128x1xi32>
    %xor3A_341 = arith.xori %or3A_340, %add3A_333 : vector<128x1xi32>
    %add3A_342 = arith.addi %add3A_333, %xor3A_341 : vector<128x1xi32>
    %shift_left3A_343 = arith.constant 16 : i32
    %shift_left3A_344 = vector.broadcast %shift_left3A_343 : i32 to vector<128x1xi32>
    %shift_left3A_345 = arith.shli %xor3A_341, %shift_left3A_344 : vector<128x1xi32>
    %shift_right_logical3A_346 = arith.constant 16 : i32
    %shift_right_logical3A_347 = vector.broadcast %shift_right_logical3A_346 : i32 to vector<128x1xi32>
    %shift_right_logical3A_348 = arith.shrui %xor3A_341, %shift_right_logical3A_347 : vector<128x1xi32>
    %or3A_349 = arith.ori %shift_left3A_345, %shift_right_logical3A_348 : vector<128x1xi32>
    %xor3A_350 = arith.xori %or3A_349, %add3A_342 : vector<128x1xi32>
    %add3A_351 = arith.addi %add3A_342, %xor3A_350 : vector<128x1xi32>
    %shift_left3A_352 = arith.constant 24 : i32
    %shift_left3A_353 = vector.broadcast %shift_left3A_352 : i32 to vector<128x1xi32>
    %shift_left3A_354 = arith.shli %xor3A_350, %shift_left3A_353 : vector<128x1xi32>
    %shift_right_logical3A_355 = arith.constant 8 : i32
    %shift_right_logical3A_356 = vector.broadcast %shift_right_logical3A_355 : i32 to vector<128x1xi32>
    %shift_right_logical3A_357 = arith.shrui %xor3A_350, %shift_right_logical3A_356 : vector<128x1xi32>
    %or3A_358 = arith.ori %shift_left3A_354, %shift_right_logical3A_357 : vector<128x1xi32>
    %xor3A_359 = arith.xori %or3A_358, %add3A_351 : vector<128x1xi32>
    %add3A_360 = arith.constant 1724713080 : i32
    %add3A_361 = vector.broadcast %add3A_360 : i32 to vector<128x1xi32>
    %add3A_362 = arith.addi %add3A_351, %add3A_361 : vector<128x1xi32>
    %add3A_363 = arith.constant 1832780943 : i32
    %add3A_364 = vector.broadcast %add3A_363 : i32 to vector<128x1xi32>
    %add3A_365 = arith.addi %xor3A_359, %add3A_364 : vector<128x1xi32>
    %add3A_366 = arith.constant 2 : i32
    %add3A_367 = vector.broadcast %add3A_366 : i32 to vector<128x1xi32>
    %add3A_368 = arith.addi %add3A_365, %add3A_367 : vector<128x1xi32>
    %add3A_369 = arith.addi %add3A_362, %add3A_368 : vector<128x1xi32>
    %shift_left3A_370 = arith.constant 13 : i32
    %shift_left3A_371 = vector.broadcast %shift_left3A_370 : i32 to vector<128x1xi32>
    %shift_left3A_372 = arith.shli %add3A_368, %shift_left3A_371 : vector<128x1xi32>
    %shift_right_logical3A_373 = arith.constant 19 : i32
    %shift_right_logical3A_374 = vector.broadcast %shift_right_logical3A_373 : i32 to vector<128x1xi32>
    %shift_right_logical3A_375 = arith.shrui %add3A_368, %shift_right_logical3A_374 : vector<128x1xi32>
    %or3A_376 = arith.ori %shift_left3A_372, %shift_right_logical3A_375 : vector<128x1xi32>
    %xor3A_377 = arith.xori %or3A_376, %add3A_369 : vector<128x1xi32>
    %add3A_378 = arith.addi %add3A_369, %xor3A_377 : vector<128x1xi32>
    %shift_left3A_379 = arith.constant 15 : i32
    %shift_left3A_380 = vector.broadcast %shift_left3A_379 : i32 to vector<128x1xi32>
    %shift_left3A_381 = arith.shli %xor3A_377, %shift_left3A_380 : vector<128x1xi32>
    %shift_right_logical3A_382 = arith.constant 17 : i32
    %shift_right_logical3A_383 = vector.broadcast %shift_right_logical3A_382 : i32 to vector<128x1xi32>
    %shift_right_logical3A_384 = arith.shrui %xor3A_377, %shift_right_logical3A_383 : vector<128x1xi32>
    %or3A_385 = arith.ori %shift_left3A_381, %shift_right_logical3A_384 : vector<128x1xi32>
    %xor3A_386 = arith.xori %or3A_385, %add3A_378 : vector<128x1xi32>
    %add3A_387 = arith.addi %add3A_378, %xor3A_386 : vector<128x1xi32>
    %shift_left3A_388 = arith.constant 26 : i32
    %shift_left3A_389 = vector.broadcast %shift_left3A_388 : i32 to vector<128x1xi32>
    %shift_left3A_390 = arith.shli %xor3A_386, %shift_left3A_389 : vector<128x1xi32>
    %shift_right_logical3A_391 = arith.constant 6 : i32
    %shift_right_logical3A_392 = vector.broadcast %shift_right_logical3A_391 : i32 to vector<128x1xi32>
    %shift_right_logical3A_393 = arith.shrui %xor3A_386, %shift_right_logical3A_392 : vector<128x1xi32>
    %or3A_394 = arith.ori %shift_left3A_390, %shift_right_logical3A_393 : vector<128x1xi32>
    %xor3A_395 = arith.xori %or3A_394, %add3A_387 : vector<128x1xi32>
    %add3A_396 = arith.addi %add3A_387, %xor3A_395 : vector<128x1xi32>
    %shift_left3A_397 = arith.constant 6 : i32
    %shift_left3A_398 = vector.broadcast %shift_left3A_397 : i32 to vector<128x1xi32>
    %shift_left3A_399 = arith.shli %xor3A_395, %shift_left3A_398 : vector<128x1xi32>
    %shift_right_logical3A_400 = arith.constant 26 : i32
    %shift_right_logical3A_401 = vector.broadcast %shift_right_logical3A_400 : i32 to vector<128x1xi32>
    %shift_right_logical3A_402 = arith.shrui %xor3A_395, %shift_right_logical3A_401 : vector<128x1xi32>
    %or3A_403 = arith.ori %shift_left3A_399, %shift_right_logical3A_402 : vector<128x1xi32>
    %xor3A_404 = arith.xori %or3A_403, %add3A_396 : vector<128x1xi32>
    %add3A_405 = arith.constant 1832780943 : i32
    %add3A_406 = vector.broadcast %add3A_405 : i32 to vector<128x1xi32>
    %add3A_407 = arith.addi %add3A_396, %add3A_406 : vector<128x1xi32>
    %add3A_408 = arith.constant 270669613 : i32
    %add3A_409 = vector.broadcast %add3A_408 : i32 to vector<128x1xi32>
    %add3A_410 = arith.addi %xor3A_404, %add3A_409 : vector<128x1xi32>
    %add3A_411 = arith.constant 3 : i32
    %add3A_412 = vector.broadcast %add3A_411 : i32 to vector<128x1xi32>
    %add3A_413 = arith.addi %add3A_410, %add3A_412 : vector<128x1xi32>
    %add3A_414 = arith.addi %add3A_407, %add3A_413 : vector<128x1xi32>
    %shift_left3A_415 = arith.constant 17 : i32
    %shift_left3A_416 = vector.broadcast %shift_left3A_415 : i32 to vector<128x1xi32>
    %shift_left3A_417 = arith.shli %add3A_413, %shift_left3A_416 : vector<128x1xi32>
    %shift_right_logical3A_418 = arith.constant 15 : i32
    %shift_right_logical3A_419 = vector.broadcast %shift_right_logical3A_418 : i32 to vector<128x1xi32>
    %shift_right_logical3A_420 = arith.shrui %add3A_413, %shift_right_logical3A_419 : vector<128x1xi32>
    %or3A_421 = arith.ori %shift_left3A_417, %shift_right_logical3A_420 : vector<128x1xi32>
    %xor3A_422 = arith.xori %or3A_421, %add3A_414 : vector<128x1xi32>
    %add3A_423 = arith.addi %add3A_414, %xor3A_422 : vector<128x1xi32>
    %shift_left3A_424 = arith.constant 29 : i32
    %shift_left3A_425 = vector.broadcast %shift_left3A_424 : i32 to vector<128x1xi32>
    %shift_left3A_426 = arith.shli %xor3A_422, %shift_left3A_425 : vector<128x1xi32>
    %shift_right_logical3A_427 = arith.constant 3 : i32
    %shift_right_logical3A_428 = vector.broadcast %shift_right_logical3A_427 : i32 to vector<128x1xi32>
    %shift_right_logical3A_429 = arith.shrui %xor3A_422, %shift_right_logical3A_428 : vector<128x1xi32>
    %or3A_430 = arith.ori %shift_left3A_426, %shift_right_logical3A_429 : vector<128x1xi32>
    %xor3A_431 = arith.xori %or3A_430, %add3A_423 : vector<128x1xi32>
    %add3A_432 = arith.addi %add3A_423, %xor3A_431 : vector<128x1xi32>
    %shift_left3A_433 = arith.constant 16 : i32
    %shift_left3A_434 = vector.broadcast %shift_left3A_433 : i32 to vector<128x1xi32>
    %shift_left3A_435 = arith.shli %xor3A_431, %shift_left3A_434 : vector<128x1xi32>
    %shift_right_logical3A_436 = arith.constant 16 : i32
    %shift_right_logical3A_437 = vector.broadcast %shift_right_logical3A_436 : i32 to vector<128x1xi32>
    %shift_right_logical3A_438 = arith.shrui %xor3A_431, %shift_right_logical3A_437 : vector<128x1xi32>
    %or3A_439 = arith.ori %shift_left3A_435, %shift_right_logical3A_438 : vector<128x1xi32>
    %xor3A_440 = arith.xori %or3A_439, %add3A_432 : vector<128x1xi32>
    %add3A_441 = arith.addi %add3A_432, %xor3A_440 : vector<128x1xi32>
    %shift_left3A_442 = arith.constant 24 : i32
    %shift_left3A_443 = vector.broadcast %shift_left3A_442 : i32 to vector<128x1xi32>
    %shift_left3A_444 = arith.shli %xor3A_440, %shift_left3A_443 : vector<128x1xi32>
    %shift_right_logical3A_445 = arith.constant 8 : i32
    %shift_right_logical3A_446 = vector.broadcast %shift_right_logical3A_445 : i32 to vector<128x1xi32>
    %shift_right_logical3A_447 = arith.shrui %xor3A_440, %shift_right_logical3A_446 : vector<128x1xi32>
    %or3A_448 = arith.ori %shift_left3A_444, %shift_right_logical3A_447 : vector<128x1xi32>
    %xor3A_449 = arith.xori %or3A_448, %add3A_441 : vector<128x1xi32>
    %add3A_450 = arith.constant 270669613 : i32
    %add3A_451 = vector.broadcast %add3A_450 : i32 to vector<128x1xi32>
    %add3A_452 = arith.addi %add3A_441, %add3A_451 : vector<128x1xi32>
    %add3A_453 = arith.constant 1724713080 : i32
    %add3A_454 = vector.broadcast %add3A_453 : i32 to vector<128x1xi32>
    %add3A_455 = arith.addi %xor3A_449, %add3A_454 : vector<128x1xi32>
    %add3A_456 = arith.constant 4 : i32
    %add3A_457 = vector.broadcast %add3A_456 : i32 to vector<128x1xi32>
    %add3A_458 = arith.addi %add3A_455, %add3A_457 : vector<128x1xi32>
    %add3A_459 = arith.addi %add3A_452, %add3A_458 : vector<128x1xi32>
    %shift_left3A_460 = arith.constant 13 : i32
    %shift_left3A_461 = vector.broadcast %shift_left3A_460 : i32 to vector<128x1xi32>
    %shift_left3A_462 = arith.shli %add3A_458, %shift_left3A_461 : vector<128x1xi32>
    %shift_right_logical3A_463 = arith.constant 19 : i32
    %shift_right_logical3A_464 = vector.broadcast %shift_right_logical3A_463 : i32 to vector<128x1xi32>
    %shift_right_logical3A_465 = arith.shrui %add3A_458, %shift_right_logical3A_464 : vector<128x1xi32>
    %or3A_466 = arith.ori %shift_left3A_462, %shift_right_logical3A_465 : vector<128x1xi32>
    %xor3A_467 = arith.xori %or3A_466, %add3A_459 : vector<128x1xi32>
    %add3A_468 = arith.addi %add3A_459, %xor3A_467 : vector<128x1xi32>
    %shift_left3A_469 = arith.constant 15 : i32
    %shift_left3A_470 = vector.broadcast %shift_left3A_469 : i32 to vector<128x1xi32>
    %shift_left3A_471 = arith.shli %xor3A_467, %shift_left3A_470 : vector<128x1xi32>
    %shift_right_logical3A_472 = arith.constant 17 : i32
    %shift_right_logical3A_473 = vector.broadcast %shift_right_logical3A_472 : i32 to vector<128x1xi32>
    %shift_right_logical3A_474 = arith.shrui %xor3A_467, %shift_right_logical3A_473 : vector<128x1xi32>
    %or3A_475 = arith.ori %shift_left3A_471, %shift_right_logical3A_474 : vector<128x1xi32>
    %xor3A_476 = arith.xori %or3A_475, %add3A_468 : vector<128x1xi32>
    %add3A_477 = arith.addi %add3A_468, %xor3A_476 : vector<128x1xi32>
    %shift_left3A_478 = arith.constant 26 : i32
    %shift_left3A_479 = vector.broadcast %shift_left3A_478 : i32 to vector<128x1xi32>
    %shift_left3A_480 = arith.shli %xor3A_476, %shift_left3A_479 : vector<128x1xi32>
    %shift_right_logical3A_481 = arith.constant 6 : i32
    %shift_right_logical3A_482 = vector.broadcast %shift_right_logical3A_481 : i32 to vector<128x1xi32>
    %shift_right_logical3A_483 = arith.shrui %xor3A_476, %shift_right_logical3A_482 : vector<128x1xi32>
    %or3A_484 = arith.ori %shift_left3A_480, %shift_right_logical3A_483 : vector<128x1xi32>
    %xor3A_485 = arith.xori %or3A_484, %add3A_477 : vector<128x1xi32>
    %add3A_486 = arith.addi %add3A_477, %xor3A_485 : vector<128x1xi32>
    %shift_left3A_487 = arith.constant 6 : i32
    %shift_left3A_488 = vector.broadcast %shift_left3A_487 : i32 to vector<128x1xi32>
    %shift_left3A_489 = arith.shli %xor3A_485, %shift_left3A_488 : vector<128x1xi32>
    %shift_right_logical3A_490 = arith.constant 26 : i32
    %shift_right_logical3A_491 = vector.broadcast %shift_right_logical3A_490 : i32 to vector<128x1xi32>
    %shift_right_logical3A_492 = arith.shrui %xor3A_485, %shift_right_logical3A_491 : vector<128x1xi32>
    %or3A_493 = arith.ori %shift_left3A_489, %shift_right_logical3A_492 : vector<128x1xi32>
    %xor3A_494 = arith.xori %or3A_493, %add3A_486 : vector<128x1xi32>
    %add3A_495 = arith.constant 1724713080 : i32
    %add3A_496 = vector.broadcast %add3A_495 : i32 to vector<128x1xi32>
    %add3A_497 = arith.addi %add3A_486, %add3A_496 : vector<128x1xi32>
    %add3A_498 = arith.constant 1832780943 : i32
    %add3A_499 = vector.broadcast %add3A_498 : i32 to vector<128x1xi32>
    %add3A_500 = arith.addi %xor3A_494, %add3A_499 : vector<128x1xi32>
    %add3A_501 = arith.constant 5 : i32
    %add3A_502 = vector.broadcast %add3A_501 : i32 to vector<128x1xi32>
    %add3A_503 = arith.addi %add3A_500, %add3A_502 : vector<128x1xi32>
    %xor3A_504 = arith.xori %add3A_497, %add3A_503 : vector<128x1xi32>
    %shift_right_logical3A_505 = arith.constant 9 : i32
    %shift_right_logical3A_506 = vector.broadcast %shift_right_logical3A_505 : i32 to vector<128x1xi32>
    %shift_right_logical3A_507 = arith.shrui %xor3A_504, %shift_right_logical3A_506 : vector<128x1xi32>
    %or3A_508 = arith.constant 1065353216 : i32
    %or3A_509 = vector.broadcast %or3A_508 : i32 to vector<128x1xi32>
    %or3A_510 = arith.ori %shift_right_logical3A_507, %or3A_509 : vector<128x1xi32>
    %bitcast_convert_type3A_511 = tpu.bitcast %or3A_510 : vector<128x1xi32> -> vector<128x1xf32>
    %sub3A_512 = arith.constant 1.000000e+00 : f32
    %sub3A_513 = vector.broadcast %sub3A_512 : f32 to vector<128x1xf32>
    %sub3A_514 = arith.subf %bitcast_convert_type3A_511, %sub3A_513 : vector<128x1xf32>
    %add3A_515 = arith.constant 1.17549435E-38 : f32
    %add3A_516 = vector.broadcast %add3A_515 : f32 to vector<128x1xf32>
    %add3A_517 = arith.addf %sub3A_514, %add3A_516 : vector<128x1xf32>
    %max3A_518 = arith.constant 1.17549435E-38 : f32
    %max3A_519 = vector.broadcast %max3A_518 : f32 to vector<128x1xf32>
    %max3A_520 = arith.maximumf %max3A_519, %add3A_517 : vector<128x1xf32>
    %log3A_521 = math.log %max3A_520 : vector<128x1xf32>
    %neg3A_522 = arith.constant 0.000000e+00 : f32
    %neg3A_523 = vector.broadcast %neg3A_522 : f32 to vector<128x1xf32>
    %neg3A_524 = arith.subf %neg3A_523, %log3A_521 : vector<128x1xf32>
    %log3A_525 = math.log %neg3A_524 : vector<128x1xf32>
    %neg3A_526 = arith.constant 0.000000e+00 : f32
    %neg3A_527 = vector.broadcast %neg3A_526 : f32 to vector<128x1xf32>
    %neg3A_528 = arith.subf %neg3A_527, %log3A_525 : vector<128x1xf32>
    %add3A_529 = arith.constant -0.10535942 : f32
    %add3A_530 = vector.broadcast %add3A_529 : f32 to vector<128x1xf32>
    %add3A_531 = arith.addf %neg3A_528, %add3A_530 : vector<128x1xf32>
    %gt3A = arith.cmpf ogt, %add3A_531, %add3A_273 : vector<128x1xf32>
    %eq3A_532 = arith.cmpf oeq, %add3A_531, %add3A_273 : vector<128x1xf32>
    %lt3A = arith.cmpi slt, %reduce_min3A_10, %select_n3A_20 : vector<128x1xi32>
    %and3A = arith.andi %eq3A_532, %lt3A : vector<128x1xi1>
    %or3A_533 = arith.ori %gt3A, %and3A : vector<128x1xi1>
    %get3A_534 = arith.constant 0 : index
    %get3A_535 = arith.constant 0 : index
    %get3A_536 = vector.load %arg4[%get3A_534, %get3A_535] : memref<128x1xi32, #tpu.memory_space<vmem>>, vector<128x1xi32>
    %get3A_537 = arith.constant 0 : index
    %get3A_538 = arith.constant 0 : index
    %get3A_539 = vector.load %arg5[%get3A_537, %get3A_538] : memref<128x1xi32, #tpu.memory_space<vmem>>, vector<128x1xi32>
    %eq3A_540 = arith.cmpi eq, %get3A_536, %reduce_min3A_10 : vector<128x1xi32>
    %select_n3A_541 = arith.select %eq3A_540, %get3A_539, %get3A_536 : vector<128x1xi1>, vector<128x1xi32>
    %mul3A_542 = arith.constant 100000 : i32
    %mul3A_543 = vector.broadcast %mul3A_542 : i32 to vector<128x1xi32>
    %mul3A_544 = arith.muli %iota3A, %mul3A_543 : vector<128x1xi32>
    %add3A_545 = arith.addi %mul3A_544, %select_n3A_541 : vector<128x1xi32>
    %broadcast_in_dim3A_546 = arith.constant 64467757 : i32
    %broadcast_in_dim3A_547 = vector.broadcast %broadcast_in_dim3A_546 : i32 to vector<128x1xi32>
    %add3A_548 = arith.constant -1378843660 : i32
    %add3A_549 = vector.broadcast %add3A_548 : i32 to vector<128x1xi32>
    %add3A_550 = arith.addi %add3A_545, %add3A_549 : vector<128x1xi32>
    %add3A_551 = arith.addi %broadcast_in_dim3A_547, %add3A_550 : vector<128x1xi32>
    %shift_left3A_552 = arith.constant 13 : i32
    %shift_left3A_553 = vector.broadcast %shift_left3A_552 : i32 to vector<128x1xi32>
    %shift_left3A_554 = arith.shli %add3A_550, %shift_left3A_553 : vector<128x1xi32>
    %shift_right_logical3A_555 = arith.constant 19 : i32
    %shift_right_logical3A_556 = vector.broadcast %shift_right_logical3A_555 : i32 to vector<128x1xi32>
    %shift_right_logical3A_557 = arith.shrui %add3A_550, %shift_right_logical3A_556 : vector<128x1xi32>
    %or3A_558 = arith.ori %shift_left3A_554, %shift_right_logical3A_557 : vector<128x1xi32>
    %xor3A_559 = arith.xori %or3A_558, %add3A_551 : vector<128x1xi32>
    %add3A_560 = arith.addi %add3A_551, %xor3A_559 : vector<128x1xi32>
    %shift_left3A_561 = arith.constant 15 : i32
    %shift_left3A_562 = vector.broadcast %shift_left3A_561 : i32 to vector<128x1xi32>
    %shift_left3A_563 = arith.shli %xor3A_559, %shift_left3A_562 : vector<128x1xi32>
    %shift_right_logical3A_564 = arith.constant 17 : i32
    %shift_right_logical3A_565 = vector.broadcast %shift_right_logical3A_564 : i32 to vector<128x1xi32>
    %shift_right_logical3A_566 = arith.shrui %xor3A_559, %shift_right_logical3A_565 : vector<128x1xi32>
    %or3A_567 = arith.ori %shift_left3A_563, %shift_right_logical3A_566 : vector<128x1xi32>
    %xor3A_568 = arith.xori %or3A_567, %add3A_560 : vector<128x1xi32>
    %add3A_569 = arith.addi %add3A_560, %xor3A_568 : vector<128x1xi32>
    %shift_left3A_570 = arith.constant 26 : i32
    %shift_left3A_571 = vector.broadcast %shift_left3A_570 : i32 to vector<128x1xi32>
    %shift_left3A_572 = arith.shli %xor3A_568, %shift_left3A_571 : vector<128x1xi32>
    %shift_right_logical3A_573 = arith.constant 6 : i32
    %shift_right_logical3A_574 = vector.broadcast %shift_right_logical3A_573 : i32 to vector<128x1xi32>
    %shift_right_logical3A_575 = arith.shrui %xor3A_568, %shift_right_logical3A_574 : vector<128x1xi32>
    %or3A_576 = arith.ori %shift_left3A_572, %shift_right_logical3A_575 : vector<128x1xi32>
    %xor3A_577 = arith.xori %or3A_576, %add3A_569 : vector<128x1xi32>
    %add3A_578 = arith.addi %add3A_569, %xor3A_577 : vector<128x1xi32>
    %shift_left3A_579 = arith.constant 6 : i32
    %shift_left3A_580 = vector.broadcast %shift_left3A_579 : i32 to vector<128x1xi32>
    %shift_left3A_581 = arith.shli %xor3A_577, %shift_left3A_580 : vector<128x1xi32>
    %shift_right_logical3A_582 = arith.constant 26 : i32
    %shift_right_logical3A_583 = vector.broadcast %shift_right_logical3A_582 : i32 to vector<128x1xi32>
    %shift_right_logical3A_584 = arith.shrui %xor3A_577, %shift_right_logical3A_583 : vector<128x1xi32>
    %or3A_585 = arith.ori %shift_left3A_581, %shift_right_logical3A_584 : vector<128x1xi32>
    %xor3A_586 = arith.xori %or3A_585, %add3A_578 : vector<128x1xi32>
    %add3A_587 = arith.constant -1378843660 : i32
    %add3A_588 = vector.broadcast %add3A_587 : i32 to vector<128x1xi32>
    %add3A_589 = arith.addi %add3A_578, %add3A_588 : vector<128x1xi32>
    %add3A_590 = arith.constant -1244255485 : i32
    %add3A_591 = vector.broadcast %add3A_590 : i32 to vector<128x1xi32>
    %add3A_592 = arith.addi %xor3A_586, %add3A_591 : vector<128x1xi32>
    %add3A_593 = arith.constant 1 : i32
    %add3A_594 = vector.broadcast %add3A_593 : i32 to vector<128x1xi32>
    %add3A_595 = arith.addi %add3A_592, %add3A_594 : vector<128x1xi32>
    %add3A_596 = arith.addi %add3A_589, %add3A_595 : vector<128x1xi32>
    %shift_left3A_597 = arith.constant 17 : i32
    %shift_left3A_598 = vector.broadcast %shift_left3A_597 : i32 to vector<128x1xi32>
    %shift_left3A_599 = arith.shli %add3A_595, %shift_left3A_598 : vector<128x1xi32>
    %shift_right_logical3A_600 = arith.constant 15 : i32
    %shift_right_logical3A_601 = vector.broadcast %shift_right_logical3A_600 : i32 to vector<128x1xi32>
    %shift_right_logical3A_602 = arith.shrui %add3A_595, %shift_right_logical3A_601 : vector<128x1xi32>
    %or3A_603 = arith.ori %shift_left3A_599, %shift_right_logical3A_602 : vector<128x1xi32>
    %xor3A_604 = arith.xori %or3A_603, %add3A_596 : vector<128x1xi32>
    %add3A_605 = arith.addi %add3A_596, %xor3A_604 : vector<128x1xi32>
    %shift_left3A_606 = arith.constant 29 : i32
    %shift_left3A_607 = vector.broadcast %shift_left3A_606 : i32 to vector<128x1xi32>
    %shift_left3A_608 = arith.shli %xor3A_604, %shift_left3A_607 : vector<128x1xi32>
    %shift_right_logical3A_609 = arith.constant 3 : i32
    %shift_right_logical3A_610 = vector.broadcast %shift_right_logical3A_609 : i32 to vector<128x1xi32>
    %shift_right_logical3A_611 = arith.shrui %xor3A_604, %shift_right_logical3A_610 : vector<128x1xi32>
    %or3A_612 = arith.ori %shift_left3A_608, %shift_right_logical3A_611 : vector<128x1xi32>
    %xor3A_613 = arith.xori %or3A_612, %add3A_605 : vector<128x1xi32>
    %add3A_614 = arith.addi %add3A_605, %xor3A_613 : vector<128x1xi32>
    %shift_left3A_615 = arith.constant 16 : i32
    %shift_left3A_616 = vector.broadcast %shift_left3A_615 : i32 to vector<128x1xi32>
    %shift_left3A_617 = arith.shli %xor3A_613, %shift_left3A_616 : vector<128x1xi32>
    %shift_right_logical3A_618 = arith.constant 16 : i32
    %shift_right_logical3A_619 = vector.broadcast %shift_right_logical3A_618 : i32 to vector<128x1xi32>
    %shift_right_logical3A_620 = arith.shrui %xor3A_613, %shift_right_logical3A_619 : vector<128x1xi32>
    %or3A_621 = arith.ori %shift_left3A_617, %shift_right_logical3A_620 : vector<128x1xi32>
    %xor3A_622 = arith.xori %or3A_621, %add3A_614 : vector<128x1xi32>
    %add3A_623 = arith.addi %add3A_614, %xor3A_622 : vector<128x1xi32>
    %shift_left3A_624 = arith.constant 24 : i32
    %shift_left3A_625 = vector.broadcast %shift_left3A_624 : i32 to vector<128x1xi32>
    %shift_left3A_626 = arith.shli %xor3A_622, %shift_left3A_625 : vector<128x1xi32>
    %shift_right_logical3A_627 = arith.constant 8 : i32
    %shift_right_logical3A_628 = vector.broadcast %shift_right_logical3A_627 : i32 to vector<128x1xi32>
    %shift_right_logical3A_629 = arith.shrui %xor3A_622, %shift_right_logical3A_628 : vector<128x1xi32>
    %or3A_630 = arith.ori %shift_left3A_626, %shift_right_logical3A_629 : vector<128x1xi32>
    %xor3A_631 = arith.xori %or3A_630, %add3A_623 : vector<128x1xi32>
    %add3A_632 = arith.constant -1244255485 : i32
    %add3A_633 = vector.broadcast %add3A_632 : i32 to vector<128x1xi32>
    %add3A_634 = arith.addi %add3A_623, %add3A_633 : vector<128x1xi32>
    %add3A_635 = arith.constant 64467757 : i32
    %add3A_636 = vector.broadcast %add3A_635 : i32 to vector<128x1xi32>
    %add3A_637 = arith.addi %xor3A_631, %add3A_636 : vector<128x1xi32>
    %add3A_638 = arith.constant 2 : i32
    %add3A_639 = vector.broadcast %add3A_638 : i32 to vector<128x1xi32>
    %add3A_640 = arith.addi %add3A_637, %add3A_639 : vector<128x1xi32>
    %add3A_641 = arith.addi %add3A_634, %add3A_640 : vector<128x1xi32>
    %shift_left3A_642 = arith.constant 13 : i32
    %shift_left3A_643 = vector.broadcast %shift_left3A_642 : i32 to vector<128x1xi32>
    %shift_left3A_644 = arith.shli %add3A_640, %shift_left3A_643 : vector<128x1xi32>
    %shift_right_logical3A_645 = arith.constant 19 : i32
    %shift_right_logical3A_646 = vector.broadcast %shift_right_logical3A_645 : i32 to vector<128x1xi32>
    %shift_right_logical3A_647 = arith.shrui %add3A_640, %shift_right_logical3A_646 : vector<128x1xi32>
    %or3A_648 = arith.ori %shift_left3A_644, %shift_right_logical3A_647 : vector<128x1xi32>
    %xor3A_649 = arith.xori %or3A_648, %add3A_641 : vector<128x1xi32>
    %add3A_650 = arith.addi %add3A_641, %xor3A_649 : vector<128x1xi32>
    %shift_left3A_651 = arith.constant 15 : i32
    %shift_left3A_652 = vector.broadcast %shift_left3A_651 : i32 to vector<128x1xi32>
    %shift_left3A_653 = arith.shli %xor3A_649, %shift_left3A_652 : vector<128x1xi32>
    %shift_right_logical3A_654 = arith.constant 17 : i32
    %shift_right_logical3A_655 = vector.broadcast %shift_right_logical3A_654 : i32 to vector<128x1xi32>
    %shift_right_logical3A_656 = arith.shrui %xor3A_649, %shift_right_logical3A_655 : vector<128x1xi32>
    %or3A_657 = arith.ori %shift_left3A_653, %shift_right_logical3A_656 : vector<128x1xi32>
    %xor3A_658 = arith.xori %or3A_657, %add3A_650 : vector<128x1xi32>
    %add3A_659 = arith.addi %add3A_650, %xor3A_658 : vector<128x1xi32>
    %shift_left3A_660 = arith.constant 26 : i32
    %shift_left3A_661 = vector.broadcast %shift_left3A_660 : i32 to vector<128x1xi32>
    %shift_left3A_662 = arith.shli %xor3A_658, %shift_left3A_661 : vector<128x1xi32>
    %shift_right_logical3A_663 = arith.constant 6 : i32
    %shift_right_logical3A_664 = vector.broadcast %shift_right_logical3A_663 : i32 to vector<128x1xi32>
    %shift_right_logical3A_665 = arith.shrui %xor3A_658, %shift_right_logical3A_664 : vector<128x1xi32>
    %or3A_666 = arith.ori %shift_left3A_662, %shift_right_logical3A_665 : vector<128x1xi32>
    %xor3A_667 = arith.xori %or3A_666, %add3A_659 : vector<128x1xi32>
    %add3A_668 = arith.addi %add3A_659, %xor3A_667 : vector<128x1xi32>
    %shift_left3A_669 = arith.constant 6 : i32
    %shift_left3A_670 = vector.broadcast %shift_left3A_669 : i32 to vector<128x1xi32>
    %shift_left3A_671 = arith.shli %xor3A_667, %shift_left3A_670 : vector<128x1xi32>
    %shift_right_logical3A_672 = arith.constant 26 : i32
    %shift_right_logical3A_673 = vector.broadcast %shift_right_logical3A_672 : i32 to vector<128x1xi32>
    %shift_right_logical3A_674 = arith.shrui %xor3A_667, %shift_right_logical3A_673 : vector<128x1xi32>
    %or3A_675 = arith.ori %shift_left3A_671, %shift_right_logical3A_674 : vector<128x1xi32>
    %xor3A_676 = arith.xori %or3A_675, %add3A_668 : vector<128x1xi32>
    %add3A_677 = arith.constant 64467757 : i32
    %add3A_678 = vector.broadcast %add3A_677 : i32 to vector<128x1xi32>
    %add3A_679 = arith.addi %add3A_668, %add3A_678 : vector<128x1xi32>
    %add3A_680 = arith.constant -1378843660 : i32
    %add3A_681 = vector.broadcast %add3A_680 : i32 to vector<128x1xi32>
    %add3A_682 = arith.addi %xor3A_676, %add3A_681 : vector<128x1xi32>
    %add3A_683 = arith.constant 3 : i32
    %add3A_684 = vector.broadcast %add3A_683 : i32 to vector<128x1xi32>
    %add3A_685 = arith.addi %add3A_682, %add3A_684 : vector<128x1xi32>
    %add3A_686 = arith.addi %add3A_679, %add3A_685 : vector<128x1xi32>
    %shift_left3A_687 = arith.constant 17 : i32
    %shift_left3A_688 = vector.broadcast %shift_left3A_687 : i32 to vector<128x1xi32>
    %shift_left3A_689 = arith.shli %add3A_685, %shift_left3A_688 : vector<128x1xi32>
    %shift_right_logical3A_690 = arith.constant 15 : i32
    %shift_right_logical3A_691 = vector.broadcast %shift_right_logical3A_690 : i32 to vector<128x1xi32>
    %shift_right_logical3A_692 = arith.shrui %add3A_685, %shift_right_logical3A_691 : vector<128x1xi32>
    %or3A_693 = arith.ori %shift_left3A_689, %shift_right_logical3A_692 : vector<128x1xi32>
    %xor3A_694 = arith.xori %or3A_693, %add3A_686 : vector<128x1xi32>
    %add3A_695 = arith.addi %add3A_686, %xor3A_694 : vector<128x1xi32>
    %shift_left3A_696 = arith.constant 29 : i32
    %shift_left3A_697 = vector.broadcast %shift_left3A_696 : i32 to vector<128x1xi32>
    %shift_left3A_698 = arith.shli %xor3A_694, %shift_left3A_697 : vector<128x1xi32>
    %shift_right_logical3A_699 = arith.constant 3 : i32
    %shift_right_logical3A_700 = vector.broadcast %shift_right_logical3A_699 : i32 to vector<128x1xi32>
    %shift_right_logical3A_701 = arith.shrui %xor3A_694, %shift_right_logical3A_700 : vector<128x1xi32>
    %or3A_702 = arith.ori %shift_left3A_698, %shift_right_logical3A_701 : vector<128x1xi32>
    %xor3A_703 = arith.xori %or3A_702, %add3A_695 : vector<128x1xi32>
    %add3A_704 = arith.addi %add3A_695, %xor3A_703 : vector<128x1xi32>
    %shift_left3A_705 = arith.constant 16 : i32
    %shift_left3A_706 = vector.broadcast %shift_left3A_705 : i32 to vector<128x1xi32>
    %shift_left3A_707 = arith.shli %xor3A_703, %shift_left3A_706 : vector<128x1xi32>
    %shift_right_logical3A_708 = arith.constant 16 : i32
    %shift_right_logical3A_709 = vector.broadcast %shift_right_logical3A_708 : i32 to vector<128x1xi32>
    %shift_right_logical3A_710 = arith.shrui %xor3A_703, %shift_right_logical3A_709 : vector<128x1xi32>
    %or3A_711 = arith.ori %shift_left3A_707, %shift_right_logical3A_710 : vector<128x1xi32>
    %xor3A_712 = arith.xori %or3A_711, %add3A_704 : vector<128x1xi32>
    %add3A_713 = arith.addi %add3A_704, %xor3A_712 : vector<128x1xi32>
    %shift_left3A_714 = arith.constant 24 : i32
    %shift_left3A_715 = vector.broadcast %shift_left3A_714 : i32 to vector<128x1xi32>
    %shift_left3A_716 = arith.shli %xor3A_712, %shift_left3A_715 : vector<128x1xi32>
    %shift_right_logical3A_717 = arith.constant 8 : i32
    %shift_right_logical3A_718 = vector.broadcast %shift_right_logical3A_717 : i32 to vector<128x1xi32>
    %shift_right_logical3A_719 = arith.shrui %xor3A_712, %shift_right_logical3A_718 : vector<128x1xi32>
    %or3A_720 = arith.ori %shift_left3A_716, %shift_right_logical3A_719 : vector<128x1xi32>
    %xor3A_721 = arith.xori %or3A_720, %add3A_713 : vector<128x1xi32>
    %add3A_722 = arith.constant -1378843660 : i32
    %add3A_723 = vector.broadcast %add3A_722 : i32 to vector<128x1xi32>
    %add3A_724 = arith.addi %add3A_713, %add3A_723 : vector<128x1xi32>
    %add3A_725 = arith.constant -1244255485 : i32
    %add3A_726 = vector.broadcast %add3A_725 : i32 to vector<128x1xi32>
    %add3A_727 = arith.addi %xor3A_721, %add3A_726 : vector<128x1xi32>
    %add3A_728 = arith.constant 4 : i32
    %add3A_729 = vector.broadcast %add3A_728 : i32 to vector<128x1xi32>
    %add3A_730 = arith.addi %add3A_727, %add3A_729 : vector<128x1xi32>
    %add3A_731 = arith.addi %add3A_724, %add3A_730 : vector<128x1xi32>
    %shift_left3A_732 = arith.constant 13 : i32
    %shift_left3A_733 = vector.broadcast %shift_left3A_732 : i32 to vector<128x1xi32>
    %shift_left3A_734 = arith.shli %add3A_730, %shift_left3A_733 : vector<128x1xi32>
    %shift_right_logical3A_735 = arith.constant 19 : i32
    %shift_right_logical3A_736 = vector.broadcast %shift_right_logical3A_735 : i32 to vector<128x1xi32>
    %shift_right_logical3A_737 = arith.shrui %add3A_730, %shift_right_logical3A_736 : vector<128x1xi32>
    %or3A_738 = arith.ori %shift_left3A_734, %shift_right_logical3A_737 : vector<128x1xi32>
    %xor3A_739 = arith.xori %or3A_738, %add3A_731 : vector<128x1xi32>
    %add3A_740 = arith.addi %add3A_731, %xor3A_739 : vector<128x1xi32>
    %shift_left3A_741 = arith.constant 15 : i32
    %shift_left3A_742 = vector.broadcast %shift_left3A_741 : i32 to vector<128x1xi32>
    %shift_left3A_743 = arith.shli %xor3A_739, %shift_left3A_742 : vector<128x1xi32>
    %shift_right_logical3A_744 = arith.constant 17 : i32
    %shift_right_logical3A_745 = vector.broadcast %shift_right_logical3A_744 : i32 to vector<128x1xi32>
    %shift_right_logical3A_746 = arith.shrui %xor3A_739, %shift_right_logical3A_745 : vector<128x1xi32>
    %or3A_747 = arith.ori %shift_left3A_743, %shift_right_logical3A_746 : vector<128x1xi32>
    %xor3A_748 = arith.xori %or3A_747, %add3A_740 : vector<128x1xi32>
    %add3A_749 = arith.addi %add3A_740, %xor3A_748 : vector<128x1xi32>
    %shift_left3A_750 = arith.constant 26 : i32
    %shift_left3A_751 = vector.broadcast %shift_left3A_750 : i32 to vector<128x1xi32>
    %shift_left3A_752 = arith.shli %xor3A_748, %shift_left3A_751 : vector<128x1xi32>
    %shift_right_logical3A_753 = arith.constant 6 : i32
    %shift_right_logical3A_754 = vector.broadcast %shift_right_logical3A_753 : i32 to vector<128x1xi32>
    %shift_right_logical3A_755 = arith.shrui %xor3A_748, %shift_right_logical3A_754 : vector<128x1xi32>
    %or3A_756 = arith.ori %shift_left3A_752, %shift_right_logical3A_755 : vector<128x1xi32>
    %xor3A_757 = arith.xori %or3A_756, %add3A_749 : vector<128x1xi32>
    %add3A_758 = arith.addi %add3A_749, %xor3A_757 : vector<128x1xi32>
    %shift_left3A_759 = arith.constant 6 : i32
    %shift_left3A_760 = vector.broadcast %shift_left3A_759 : i32 to vector<128x1xi32>
    %shift_left3A_761 = arith.shli %xor3A_757, %shift_left3A_760 : vector<128x1xi32>
    %shift_right_logical3A_762 = arith.constant 26 : i32
    %shift_right_logical3A_763 = vector.broadcast %shift_right_logical3A_762 : i32 to vector<128x1xi32>
    %shift_right_logical3A_764 = arith.shrui %xor3A_757, %shift_right_logical3A_763 : vector<128x1xi32>
    %or3A_765 = arith.ori %shift_left3A_761, %shift_right_logical3A_764 : vector<128x1xi32>
    %xor3A_766 = arith.xori %or3A_765, %add3A_758 : vector<128x1xi32>
    %add3A_767 = arith.constant -1244255485 : i32
    %add3A_768 = vector.broadcast %add3A_767 : i32 to vector<128x1xi32>
    %add3A_769 = arith.addi %add3A_758, %add3A_768 : vector<128x1xi32>
    %add3A_770 = arith.constant 64467757 : i32
    %add3A_771 = vector.broadcast %add3A_770 : i32 to vector<128x1xi32>
    %add3A_772 = arith.addi %xor3A_766, %add3A_771 : vector<128x1xi32>
    %add3A_773 = arith.constant 5 : i32
    %add3A_774 = vector.broadcast %add3A_773 : i32 to vector<128x1xi32>
    %add3A_775 = arith.addi %add3A_772, %add3A_774 : vector<128x1xi32>
    %xor3A_776 = arith.xori %add3A_769, %add3A_775 : vector<128x1xi32>
    %shift_right_logical3A_777 = arith.constant 9 : i32
    %shift_right_logical3A_778 = vector.broadcast %shift_right_logical3A_777 : i32 to vector<128x1xi32>
    %shift_right_logical3A_779 = arith.shrui %xor3A_776, %shift_right_logical3A_778 : vector<128x1xi32>
    %or3A_780 = arith.constant 1065353216 : i32
    %or3A_781 = vector.broadcast %or3A_780 : i32 to vector<128x1xi32>
    %or3A_782 = arith.ori %shift_right_logical3A_779, %or3A_781 : vector<128x1xi32>
    %bitcast_convert_type3A_783 = tpu.bitcast %or3A_782 : vector<128x1xi32> -> vector<128x1xf32>
    %sub3A_784 = arith.constant 1.000000e+00 : f32
    %sub3A_785 = vector.broadcast %sub3A_784 : f32 to vector<128x1xf32>
    %sub3A_786 = arith.subf %bitcast_convert_type3A_783, %sub3A_785 : vector<128x1xf32>
    %add3A_787 = arith.constant 1.17549435E-38 : f32
    %add3A_788 = vector.broadcast %add3A_787 : f32 to vector<128x1xf32>
    %add3A_789 = arith.addf %sub3A_786, %add3A_788 : vector<128x1xf32>
    %max3A_790 = arith.constant 1.17549435E-38 : f32
    %max3A_791 = vector.broadcast %max3A_790 : f32 to vector<128x1xf32>
    %max3A_792 = arith.maximumf %max3A_791, %add3A_789 : vector<128x1xf32>
    %log3A_793 = math.log %max3A_792 : vector<128x1xf32>
    %neg3A_794 = arith.constant 0.000000e+00 : f32
    %neg3A_795 = vector.broadcast %neg3A_794 : f32 to vector<128x1xf32>
    %neg3A_796 = arith.subf %neg3A_795, %log3A_793 : vector<128x1xf32>
    %log3A_797 = math.log %neg3A_796 : vector<128x1xf32>
    %neg3A_798 = arith.constant 0.000000e+00 : f32
    %neg3A_799 = vector.broadcast %neg3A_798 : f32 to vector<128x1xf32>
    %neg3A_800 = arith.subf %neg3A_799, %log3A_797 : vector<128x1xf32>
    %add3A_801 = arith.constant -13.8155107 : f32
    %add3A_802 = vector.broadcast %add3A_801 : f32 to vector<128x1xf32>
    %add3A_803 = arith.addf %neg3A_800, %add3A_802 : vector<128x1xf32>
    %broadcast_in_dim3A_804 = arith.constant 64467757 : i32
    %broadcast_in_dim3A_805 = vector.broadcast %broadcast_in_dim3A_804 : i32 to vector<128x1xi32>
    %add3A_806 = arith.constant -1378843660 : i32
    %add3A_807 = vector.broadcast %add3A_806 : i32 to vector<128x1xi32>
    %add3A_808 = arith.addi %add3A, %add3A_807 : vector<128x1xi32>
    %add3A_809 = arith.addi %broadcast_in_dim3A_805, %add3A_808 : vector<128x1xi32>
    %shift_left3A_810 = arith.constant 13 : i32
    %shift_left3A_811 = vector.broadcast %shift_left3A_810 : i32 to vector<128x1xi32>
    %shift_left3A_812 = arith.shli %add3A_808, %shift_left3A_811 : vector<128x1xi32>
    %shift_right_logical3A_813 = arith.constant 19 : i32
    %shift_right_logical3A_814 = vector.broadcast %shift_right_logical3A_813 : i32 to vector<128x1xi32>
    %shift_right_logical3A_815 = arith.shrui %add3A_808, %shift_right_logical3A_814 : vector<128x1xi32>
    %or3A_816 = arith.ori %shift_left3A_812, %shift_right_logical3A_815 : vector<128x1xi32>
    %xor3A_817 = arith.xori %or3A_816, %add3A_809 : vector<128x1xi32>
    %add3A_818 = arith.addi %add3A_809, %xor3A_817 : vector<128x1xi32>
    %shift_left3A_819 = arith.constant 15 : i32
    %shift_left3A_820 = vector.broadcast %shift_left3A_819 : i32 to vector<128x1xi32>
    %shift_left3A_821 = arith.shli %xor3A_817, %shift_left3A_820 : vector<128x1xi32>
    %shift_right_logical3A_822 = arith.constant 17 : i32
    %shift_right_logical3A_823 = vector.broadcast %shift_right_logical3A_822 : i32 to vector<128x1xi32>
    %shift_right_logical3A_824 = arith.shrui %xor3A_817, %shift_right_logical3A_823 : vector<128x1xi32>
    %or3A_825 = arith.ori %shift_left3A_821, %shift_right_logical3A_824 : vector<128x1xi32>
    %xor3A_826 = arith.xori %or3A_825, %add3A_818 : vector<128x1xi32>
    %add3A_827 = arith.addi %add3A_818, %xor3A_826 : vector<128x1xi32>
    %shift_left3A_828 = arith.constant 26 : i32
    %shift_left3A_829 = vector.broadcast %shift_left3A_828 : i32 to vector<128x1xi32>
    %shift_left3A_830 = arith.shli %xor3A_826, %shift_left3A_829 : vector<128x1xi32>
    %shift_right_logical3A_831 = arith.constant 6 : i32
    %shift_right_logical3A_832 = vector.broadcast %shift_right_logical3A_831 : i32 to vector<128x1xi32>
    %shift_right_logical3A_833 = arith.shrui %xor3A_826, %shift_right_logical3A_832 : vector<128x1xi32>
    %or3A_834 = arith.ori %shift_left3A_830, %shift_right_logical3A_833 : vector<128x1xi32>
    %xor3A_835 = arith.xori %or3A_834, %add3A_827 : vector<128x1xi32>
    %add3A_836 = arith.addi %add3A_827, %xor3A_835 : vector<128x1xi32>
    %shift_left3A_837 = arith.constant 6 : i32
    %shift_left3A_838 = vector.broadcast %shift_left3A_837 : i32 to vector<128x1xi32>
    %shift_left3A_839 = arith.shli %xor3A_835, %shift_left3A_838 : vector<128x1xi32>
    %shift_right_logical3A_840 = arith.constant 26 : i32
    %shift_right_logical3A_841 = vector.broadcast %shift_right_logical3A_840 : i32 to vector<128x1xi32>
    %shift_right_logical3A_842 = arith.shrui %xor3A_835, %shift_right_logical3A_841 : vector<128x1xi32>
    %or3A_843 = arith.ori %shift_left3A_839, %shift_right_logical3A_842 : vector<128x1xi32>
    %xor3A_844 = arith.xori %or3A_843, %add3A_836 : vector<128x1xi32>
    %add3A_845 = arith.constant -1378843660 : i32
    %add3A_846 = vector.broadcast %add3A_845 : i32 to vector<128x1xi32>
    %add3A_847 = arith.addi %add3A_836, %add3A_846 : vector<128x1xi32>
    %add3A_848 = arith.constant -1244255485 : i32
    %add3A_849 = vector.broadcast %add3A_848 : i32 to vector<128x1xi32>
    %add3A_850 = arith.addi %xor3A_844, %add3A_849 : vector<128x1xi32>
    %add3A_851 = arith.constant 1 : i32
    %add3A_852 = vector.broadcast %add3A_851 : i32 to vector<128x1xi32>
    %add3A_853 = arith.addi %add3A_850, %add3A_852 : vector<128x1xi32>
    %add3A_854 = arith.addi %add3A_847, %add3A_853 : vector<128x1xi32>
    %shift_left3A_855 = arith.constant 17 : i32
    %shift_left3A_856 = vector.broadcast %shift_left3A_855 : i32 to vector<128x1xi32>
    %shift_left3A_857 = arith.shli %add3A_853, %shift_left3A_856 : vector<128x1xi32>
    %shift_right_logical3A_858 = arith.constant 15 : i32
    %shift_right_logical3A_859 = vector.broadcast %shift_right_logical3A_858 : i32 to vector<128x1xi32>
    %shift_right_logical3A_860 = arith.shrui %add3A_853, %shift_right_logical3A_859 : vector<128x1xi32>
    %or3A_861 = arith.ori %shift_left3A_857, %shift_right_logical3A_860 : vector<128x1xi32>
    %xor3A_862 = arith.xori %or3A_861, %add3A_854 : vector<128x1xi32>
    %add3A_863 = arith.addi %add3A_854, %xor3A_862 : vector<128x1xi32>
    %shift_left3A_864 = arith.constant 29 : i32
    %shift_left3A_865 = vector.broadcast %shift_left3A_864 : i32 to vector<128x1xi32>
    %shift_left3A_866 = arith.shli %xor3A_862, %shift_left3A_865 : vector<128x1xi32>
    %shift_right_logical3A_867 = arith.constant 3 : i32
    %shift_right_logical3A_868 = vector.broadcast %shift_right_logical3A_867 : i32 to vector<128x1xi32>
    %shift_right_logical3A_869 = arith.shrui %xor3A_862, %shift_right_logical3A_868 : vector<128x1xi32>
    %or3A_870 = arith.ori %shift_left3A_866, %shift_right_logical3A_869 : vector<128x1xi32>
    %xor3A_871 = arith.xori %or3A_870, %add3A_863 : vector<128x1xi32>
    %add3A_872 = arith.addi %add3A_863, %xor3A_871 : vector<128x1xi32>
    %shift_left3A_873 = arith.constant 16 : i32
    %shift_left3A_874 = vector.broadcast %shift_left3A_873 : i32 to vector<128x1xi32>
    %shift_left3A_875 = arith.shli %xor3A_871, %shift_left3A_874 : vector<128x1xi32>
    %shift_right_logical3A_876 = arith.constant 16 : i32
    %shift_right_logical3A_877 = vector.broadcast %shift_right_logical3A_876 : i32 to vector<128x1xi32>
    %shift_right_logical3A_878 = arith.shrui %xor3A_871, %shift_right_logical3A_877 : vector<128x1xi32>
    %or3A_879 = arith.ori %shift_left3A_875, %shift_right_logical3A_878 : vector<128x1xi32>
    %xor3A_880 = arith.xori %or3A_879, %add3A_872 : vector<128x1xi32>
    %add3A_881 = arith.addi %add3A_872, %xor3A_880 : vector<128x1xi32>
    %shift_left3A_882 = arith.constant 24 : i32
    %shift_left3A_883 = vector.broadcast %shift_left3A_882 : i32 to vector<128x1xi32>
    %shift_left3A_884 = arith.shli %xor3A_880, %shift_left3A_883 : vector<128x1xi32>
    %shift_right_logical3A_885 = arith.constant 8 : i32
    %shift_right_logical3A_886 = vector.broadcast %shift_right_logical3A_885 : i32 to vector<128x1xi32>
    %shift_right_logical3A_887 = arith.shrui %xor3A_880, %shift_right_logical3A_886 : vector<128x1xi32>
    %or3A_888 = arith.ori %shift_left3A_884, %shift_right_logical3A_887 : vector<128x1xi32>
    %xor3A_889 = arith.xori %or3A_888, %add3A_881 : vector<128x1xi32>
    %add3A_890 = arith.constant -1244255485 : i32
    %add3A_891 = vector.broadcast %add3A_890 : i32 to vector<128x1xi32>
    %add3A_892 = arith.addi %add3A_881, %add3A_891 : vector<128x1xi32>
    %add3A_893 = arith.constant 64467757 : i32
    %add3A_894 = vector.broadcast %add3A_893 : i32 to vector<128x1xi32>
    %add3A_895 = arith.addi %xor3A_889, %add3A_894 : vector<128x1xi32>
    %add3A_896 = arith.constant 2 : i32
    %add3A_897 = vector.broadcast %add3A_896 : i32 to vector<128x1xi32>
    %add3A_898 = arith.addi %add3A_895, %add3A_897 : vector<128x1xi32>
    %add3A_899 = arith.addi %add3A_892, %add3A_898 : vector<128x1xi32>
    %shift_left3A_900 = arith.constant 13 : i32
    %shift_left3A_901 = vector.broadcast %shift_left3A_900 : i32 to vector<128x1xi32>
    %shift_left3A_902 = arith.shli %add3A_898, %shift_left3A_901 : vector<128x1xi32>
    %shift_right_logical3A_903 = arith.constant 19 : i32
    %shift_right_logical3A_904 = vector.broadcast %shift_right_logical3A_903 : i32 to vector<128x1xi32>
    %shift_right_logical3A_905 = arith.shrui %add3A_898, %shift_right_logical3A_904 : vector<128x1xi32>
    %or3A_906 = arith.ori %shift_left3A_902, %shift_right_logical3A_905 : vector<128x1xi32>
    %xor3A_907 = arith.xori %or3A_906, %add3A_899 : vector<128x1xi32>
    %add3A_908 = arith.addi %add3A_899, %xor3A_907 : vector<128x1xi32>
    %shift_left3A_909 = arith.constant 15 : i32
    %shift_left3A_910 = vector.broadcast %shift_left3A_909 : i32 to vector<128x1xi32>
    %shift_left3A_911 = arith.shli %xor3A_907, %shift_left3A_910 : vector<128x1xi32>
    %shift_right_logical3A_912 = arith.constant 17 : i32
    %shift_right_logical3A_913 = vector.broadcast %shift_right_logical3A_912 : i32 to vector<128x1xi32>
    %shift_right_logical3A_914 = arith.shrui %xor3A_907, %shift_right_logical3A_913 : vector<128x1xi32>
    %or3A_915 = arith.ori %shift_left3A_911, %shift_right_logical3A_914 : vector<128x1xi32>
    %xor3A_916 = arith.xori %or3A_915, %add3A_908 : vector<128x1xi32>
    %add3A_917 = arith.addi %add3A_908, %xor3A_916 : vector<128x1xi32>
    %shift_left3A_918 = arith.constant 26 : i32
    %shift_left3A_919 = vector.broadcast %shift_left3A_918 : i32 to vector<128x1xi32>
    %shift_left3A_920 = arith.shli %xor3A_916, %shift_left3A_919 : vector<128x1xi32>
    %shift_right_logical3A_921 = arith.constant 6 : i32
    %shift_right_logical3A_922 = vector.broadcast %shift_right_logical3A_921 : i32 to vector<128x1xi32>
    %shift_right_logical3A_923 = arith.shrui %xor3A_916, %shift_right_logical3A_922 : vector<128x1xi32>
    %or3A_924 = arith.ori %shift_left3A_920, %shift_right_logical3A_923 : vector<128x1xi32>
    %xor3A_925 = arith.xori %or3A_924, %add3A_917 : vector<128x1xi32>
    %add3A_926 = arith.addi %add3A_917, %xor3A_925 : vector<128x1xi32>
    %shift_left3A_927 = arith.constant 6 : i32
    %shift_left3A_928 = vector.broadcast %shift_left3A_927 : i32 to vector<128x1xi32>
    %shift_left3A_929 = arith.shli %xor3A_925, %shift_left3A_928 : vector<128x1xi32>
    %shift_right_logical3A_930 = arith.constant 26 : i32
    %shift_right_logical3A_931 = vector.broadcast %shift_right_logical3A_930 : i32 to vector<128x1xi32>
    %shift_right_logical3A_932 = arith.shrui %xor3A_925, %shift_right_logical3A_931 : vector<128x1xi32>
    %or3A_933 = arith.ori %shift_left3A_929, %shift_right_logical3A_932 : vector<128x1xi32>
    %xor3A_934 = arith.xori %or3A_933, %add3A_926 : vector<128x1xi32>
    %add3A_935 = arith.constant 64467757 : i32
    %add3A_936 = vector.broadcast %add3A_935 : i32 to vector<128x1xi32>
    %add3A_937 = arith.addi %add3A_926, %add3A_936 : vector<128x1xi32>
    %add3A_938 = arith.constant -1378843660 : i32
    %add3A_939 = vector.broadcast %add3A_938 : i32 to vector<128x1xi32>
    %add3A_940 = arith.addi %xor3A_934, %add3A_939 : vector<128x1xi32>
    %add3A_941 = arith.constant 3 : i32
    %add3A_942 = vector.broadcast %add3A_941 : i32 to vector<128x1xi32>
    %add3A_943 = arith.addi %add3A_940, %add3A_942 : vector<128x1xi32>
    %add3A_944 = arith.addi %add3A_937, %add3A_943 : vector<128x1xi32>
    %shift_left3A_945 = arith.constant 17 : i32
    %shift_left3A_946 = vector.broadcast %shift_left3A_945 : i32 to vector<128x1xi32>
    %shift_left3A_947 = arith.shli %add3A_943, %shift_left3A_946 : vector<128x1xi32>
    %shift_right_logical3A_948 = arith.constant 15 : i32
    %shift_right_logical3A_949 = vector.broadcast %shift_right_logical3A_948 : i32 to vector<128x1xi32>
    %shift_right_logical3A_950 = arith.shrui %add3A_943, %shift_right_logical3A_949 : vector<128x1xi32>
    %or3A_951 = arith.ori %shift_left3A_947, %shift_right_logical3A_950 : vector<128x1xi32>
    %xor3A_952 = arith.xori %or3A_951, %add3A_944 : vector<128x1xi32>
    %add3A_953 = arith.addi %add3A_944, %xor3A_952 : vector<128x1xi32>
    %shift_left3A_954 = arith.constant 29 : i32
    %shift_left3A_955 = vector.broadcast %shift_left3A_954 : i32 to vector<128x1xi32>
    %shift_left3A_956 = arith.shli %xor3A_952, %shift_left3A_955 : vector<128x1xi32>
    %shift_right_logical3A_957 = arith.constant 3 : i32
    %shift_right_logical3A_958 = vector.broadcast %shift_right_logical3A_957 : i32 to vector<128x1xi32>
    %shift_right_logical3A_959 = arith.shrui %xor3A_952, %shift_right_logical3A_958 : vector<128x1xi32>
    %or3A_960 = arith.ori %shift_left3A_956, %shift_right_logical3A_959 : vector<128x1xi32>
    %xor3A_961 = arith.xori %or3A_960, %add3A_953 : vector<128x1xi32>
    %add3A_962 = arith.addi %add3A_953, %xor3A_961 : vector<128x1xi32>
    %shift_left3A_963 = arith.constant 16 : i32
    %shift_left3A_964 = vector.broadcast %shift_left3A_963 : i32 to vector<128x1xi32>
    %shift_left3A_965 = arith.shli %xor3A_961, %shift_left3A_964 : vector<128x1xi32>
    %shift_right_logical3A_966 = arith.constant 16 : i32
    %shift_right_logical3A_967 = vector.broadcast %shift_right_logical3A_966 : i32 to vector<128x1xi32>
    %shift_right_logical3A_968 = arith.shrui %xor3A_961, %shift_right_logical3A_967 : vector<128x1xi32>
    %or3A_969 = arith.ori %shift_left3A_965, %shift_right_logical3A_968 : vector<128x1xi32>
    %xor3A_970 = arith.xori %or3A_969, %add3A_962 : vector<128x1xi32>
    %add3A_971 = arith.addi %add3A_962, %xor3A_970 : vector<128x1xi32>
    %shift_left3A_972 = arith.constant 24 : i32
    %shift_left3A_973 = vector.broadcast %shift_left3A_972 : i32 to vector<128x1xi32>
    %shift_left3A_974 = arith.shli %xor3A_970, %shift_left3A_973 : vector<128x1xi32>
    %shift_right_logical3A_975 = arith.constant 8 : i32
    %shift_right_logical3A_976 = vector.broadcast %shift_right_logical3A_975 : i32 to vector<128x1xi32>
    %shift_right_logical3A_977 = arith.shrui %xor3A_970, %shift_right_logical3A_976 : vector<128x1xi32>
    %or3A_978 = arith.ori %shift_left3A_974, %shift_right_logical3A_977 : vector<128x1xi32>
    %xor3A_979 = arith.xori %or3A_978, %add3A_971 : vector<128x1xi32>
    %add3A_980 = arith.constant -1378843660 : i32
    %add3A_981 = vector.broadcast %add3A_980 : i32 to vector<128x1xi32>
    %add3A_982 = arith.addi %add3A_971, %add3A_981 : vector<128x1xi32>
    %add3A_983 = arith.constant -1244255485 : i32
    %add3A_984 = vector.broadcast %add3A_983 : i32 to vector<128x1xi32>
    %add3A_985 = arith.addi %xor3A_979, %add3A_984 : vector<128x1xi32>
    %add3A_986 = arith.constant 4 : i32
    %add3A_987 = vector.broadcast %add3A_986 : i32 to vector<128x1xi32>
    %add3A_988 = arith.addi %add3A_985, %add3A_987 : vector<128x1xi32>
    %add3A_989 = arith.addi %add3A_982, %add3A_988 : vector<128x1xi32>
    %shift_left3A_990 = arith.constant 13 : i32
    %shift_left3A_991 = vector.broadcast %shift_left3A_990 : i32 to vector<128x1xi32>
    %shift_left3A_992 = arith.shli %add3A_988, %shift_left3A_991 : vector<128x1xi32>
    %shift_right_logical3A_993 = arith.constant 19 : i32
    %shift_right_logical3A_994 = vector.broadcast %shift_right_logical3A_993 : i32 to vector<128x1xi32>
    %shift_right_logical3A_995 = arith.shrui %add3A_988, %shift_right_logical3A_994 : vector<128x1xi32>
    %or3A_996 = arith.ori %shift_left3A_992, %shift_right_logical3A_995 : vector<128x1xi32>
    %xor3A_997 = arith.xori %or3A_996, %add3A_989 : vector<128x1xi32>
    %add3A_998 = arith.addi %add3A_989, %xor3A_997 : vector<128x1xi32>
    %shift_left3A_999 = arith.constant 15 : i32
    %shift_left3A_1000 = vector.broadcast %shift_left3A_999 : i32 to vector<128x1xi32>
    %shift_left3A_1001 = arith.shli %xor3A_997, %shift_left3A_1000 : vector<128x1xi32>
    %shift_right_logical3A_1002 = arith.constant 17 : i32
    %shift_right_logical3A_1003 = vector.broadcast %shift_right_logical3A_1002 : i32 to vector<128x1xi32>
    %shift_right_logical3A_1004 = arith.shrui %xor3A_997, %shift_right_logical3A_1003 : vector<128x1xi32>
    %or3A_1005 = arith.ori %shift_left3A_1001, %shift_right_logical3A_1004 : vector<128x1xi32>
    %xor3A_1006 = arith.xori %or3A_1005, %add3A_998 : vector<128x1xi32>
    %add3A_1007 = arith.addi %add3A_998, %xor3A_1006 : vector<128x1xi32>
    %shift_left3A_1008 = arith.constant 26 : i32
    %shift_left3A_1009 = vector.broadcast %shift_left3A_1008 : i32 to vector<128x1xi32>
    %shift_left3A_1010 = arith.shli %xor3A_1006, %shift_left3A_1009 : vector<128x1xi32>
    %shift_right_logical3A_1011 = arith.constant 6 : i32
    %shift_right_logical3A_1012 = vector.broadcast %shift_right_logical3A_1011 : i32 to vector<128x1xi32>
    %shift_right_logical3A_1013 = arith.shrui %xor3A_1006, %shift_right_logical3A_1012 : vector<128x1xi32>
    %or3A_1014 = arith.ori %shift_left3A_1010, %shift_right_logical3A_1013 : vector<128x1xi32>
    %xor3A_1015 = arith.xori %or3A_1014, %add3A_1007 : vector<128x1xi32>
    %add3A_1016 = arith.addi %add3A_1007, %xor3A_1015 : vector<128x1xi32>
    %shift_left3A_1017 = arith.constant 6 : i32
    %shift_left3A_1018 = vector.broadcast %shift_left3A_1017 : i32 to vector<128x1xi32>
    %shift_left3A_1019 = arith.shli %xor3A_1015, %shift_left3A_1018 : vector<128x1xi32>
    %shift_right_logical3A_1020 = arith.constant 26 : i32
    %shift_right_logical3A_1021 = vector.broadcast %shift_right_logical3A_1020 : i32 to vector<128x1xi32>
    %shift_right_logical3A_1022 = arith.shrui %xor3A_1015, %shift_right_logical3A_1021 : vector<128x1xi32>
    %or3A_1023 = arith.ori %shift_left3A_1019, %shift_right_logical3A_1022 : vector<128x1xi32>
    %xor3A_1024 = arith.xori %or3A_1023, %add3A_1016 : vector<128x1xi32>
    %add3A_1025 = arith.constant -1244255485 : i32
    %add3A_1026 = vector.broadcast %add3A_1025 : i32 to vector<128x1xi32>
    %add3A_1027 = arith.addi %add3A_1016, %add3A_1026 : vector<128x1xi32>
    %add3A_1028 = arith.constant 64467757 : i32
    %add3A_1029 = vector.broadcast %add3A_1028 : i32 to vector<128x1xi32>
    %add3A_1030 = arith.addi %xor3A_1024, %add3A_1029 : vector<128x1xi32>
    %add3A_1031 = arith.constant 5 : i32
    %add3A_1032 = vector.broadcast %add3A_1031 : i32 to vector<128x1xi32>
    %add3A_1033 = arith.addi %add3A_1030, %add3A_1032 : vector<128x1xi32>
    %xor3A_1034 = arith.xori %add3A_1027, %add3A_1033 : vector<128x1xi32>
    %shift_right_logical3A_1035 = arith.constant 9 : i32
    %shift_right_logical3A_1036 = vector.broadcast %shift_right_logical3A_1035 : i32 to vector<128x1xi32>
    %shift_right_logical3A_1037 = arith.shrui %xor3A_1034, %shift_right_logical3A_1036 : vector<128x1xi32>
    %or3A_1038 = arith.constant 1065353216 : i32
    %or3A_1039 = vector.broadcast %or3A_1038 : i32 to vector<128x1xi32>
    %or3A_1040 = arith.ori %shift_right_logical3A_1037, %or3A_1039 : vector<128x1xi32>
    %bitcast_convert_type3A_1041 = tpu.bitcast %or3A_1040 : vector<128x1xi32> -> vector<128x1xf32>
    %sub3A_1042 = arith.constant 1.000000e+00 : f32
    %sub3A_1043 = vector.broadcast %sub3A_1042 : f32 to vector<128x1xf32>
    %sub3A_1044 = arith.subf %bitcast_convert_type3A_1041, %sub3A_1043 : vector<128x1xf32>
    %add3A_1045 = arith.constant 1.17549435E-38 : f32
    %add3A_1046 = vector.broadcast %add3A_1045 : f32 to vector<128x1xf32>
    %add3A_1047 = arith.addf %sub3A_1044, %add3A_1046 : vector<128x1xf32>
    %max3A_1048 = arith.constant 1.17549435E-38 : f32
    %max3A_1049 = vector.broadcast %max3A_1048 : f32 to vector<128x1xf32>
    %max3A_1050 = arith.maximumf %max3A_1049, %add3A_1047 : vector<128x1xf32>
    %log3A_1051 = math.log %max3A_1050 : vector<128x1xf32>
    %neg3A_1052 = arith.constant 0.000000e+00 : f32
    %neg3A_1053 = vector.broadcast %neg3A_1052 : f32 to vector<128x1xf32>
    %neg3A_1054 = arith.subf %neg3A_1053, %log3A_1051 : vector<128x1xf32>
    %log3A_1055 = math.log %neg3A_1054 : vector<128x1xf32>
    %neg3A_1056 = arith.constant 0.000000e+00 : f32
    %neg3A_1057 = vector.broadcast %neg3A_1056 : f32 to vector<128x1xf32>
    %neg3A_1058 = arith.subf %neg3A_1057, %log3A_1055 : vector<128x1xf32>
    %add3A_1059 = arith.constant -0.10535942 : f32
    %add3A_1060 = vector.broadcast %add3A_1059 : f32 to vector<128x1xf32>
    %add3A_1061 = arith.addf %neg3A_1058, %add3A_1060 : vector<128x1xf32>
    %gt3A_1062 = arith.cmpf ogt, %add3A_1061, %add3A_803 : vector<128x1xf32>
    %eq3A_1063 = arith.cmpf oeq, %add3A_1061, %add3A_803 : vector<128x1xf32>
    %lt3A_1064 = arith.cmpi slt, %reduce_min3A_10, %select_n3A_541 : vector<128x1xi32>
    %and3A_1065 = arith.andi %eq3A_1063, %lt3A_1064 : vector<128x1xi1>
    %or3A_1066 = arith.ori %gt3A_1062, %and3A_1065 : vector<128x1xi1>
    %select_n3A_1067 = arith.select %or3A_1066, %reduce_min3A_10, %select_n3A_541 : vector<128x1xi1>, vector<128x1xi32>
    %swap3A = arith.constant 0 : index
    %swap3A_1068 = arith.constant 0 : index
    %swap3A_1069 = vector.load %arg6[%swap3A, %swap3A_1068] : memref<128x1xi32, #tpu.memory_space<vmem>>, vector<128x1xi32>
    tpu.vector_store %arg6[%swap3A, %swap3A_1068], %select_n3A_1067 {strides = array<i32>} : memref<128x1xi32, #tpu.memory_space<vmem>>, vector<128x1xi32>,
    %jit3A_1070 = arith.constant -0.10535942 : f32
    %jit3A_1071 = arith.constant -13.8155107 : f32
    %broadcast_in_dim3A_1072 = vector.broadcast %jit3A_1070 : f32 to vector<128x1xf32>
    %broadcast_in_dim3A_1073 = vector.broadcast %jit3A_1071 : f32 to vector<128x1xf32>
    %select_n3A_1074 = arith.select %or3A_533, %broadcast_in_dim3A_1072, %broadcast_in_dim3A_1073 : vector<128x1xi1>, vector<128x1xf32>
    %swap3A_1075 = arith.constant 0 : index
    %swap3A_1076 = arith.constant 0 : index
    %swap3A_1077 = vector.load %arg7[%swap3A_1075, %swap3A_1076] : memref<128x1xf32, #tpu.memory_space<vmem>>, vector<128x1xf32>
    tpu.vector_store %arg7[%swap3A_1075, %swap3A_1076], %select_n3A_1074 {strides = array<i32>} : memref<128x1xf32, #tpu.memory_space<vmem>>, vector<128x1xf32>,
    %broadcast_in_dim3A_1078 = arith.constant 1.47636092 : f32
    %broadcast_in_dim3A_1079 = vector.broadcast %broadcast_in_dim3A_1078 : f32 to vector<128x1xf32>
    %swap3A_1080 = arith.constant 0 : index
    %swap3A_1081 = arith.constant 0 : index
    %swap3A_1082 = vector.load %arg8[%swap3A_1080, %swap3A_1081] : memref<128x1xf32, #tpu.memory_space<vmem>>, vector<128x1xf32>
    tpu.vector_store %arg8[%swap3A_1080, %swap3A_1081], %broadcast_in_dim3A_1079 {strides = array<i32>} : memref<128x1xf32, #tpu.memory_space<vmem>>, vector<128x1xf32>,
    return
  }
}

</mosaic_0001>

<sc_bundles>
// kernel: kernel.5.cloned.1.call-start
scs
__scs_entry_jumppad:
0x0: {  	(pc) =	sbr.rel $0x88, $3  }
0x1: {  	(tag) =	ssettag $0x0;
	lr =	simm.s32 $0x1  }
0x2: {  	[smem:$0x3FA0] =	sst lr;
	_ =	strace $0xD0000000  }
0x3: {  	_ = 	snop  }
0x4: {  	_ = 	snop  }
0x5: {  	_ = 	snop  }
0x6: {  	_ = 	snop  }
0x7: {  	_ = 	snop  }
__scs_overlays_trampoline_lowered:
0x8: {  	[smem:$0x3FAF] =	sst s0  }
0x9: {  	[smem:$0x3FB0] =	sst s1  }
0xa: {  	[smem:$0x3FB1] =	sst s2  }
0xb: {  	[smem:$0x3FB2] =	sst s3  }
0xc: {  	[smem:$0x3FB3] =	sst s4  }
0xd: {  	[smem:$0x3FB4] =	sst s5  }
0xe: {  	[smem:$0x3FB5] =	sst s6  }
0xf: {  	[smem:$0x3FB6] =	sst s7  }
0x10: {  	[smem:$0x3FB7] =	sst s8  }
0x11: {  	[smem:$0x3FB8] =	sst s9;
	s0 =	simm.s32 @!p0 $0x0  }
0x12: {  	s1 =	sld [smem:$0x3F9E];
	s0 =	simm.s32 @p0 $0x1  }
0x13: {  	[smem:$0x3FB9] =	sst s0;
	s0 =	simm.s32 @!p1 $0x0  }
0x14: {  	s2 =	sld [smem:$0x3F9D];
	s0 =	simm.s32 @p1 $0x1  }
0x15: {  	[smem:$0x3FBA] =	sst s0;
	s0 =	simm.s32 @!p2 $0x0  }
0x16: {  	s3 =	sld [smem:$0x3FDB];
	s0 =	simm.s32 @p2 $0x1  }
0x17: {  	s4 =	simm.s32 $0x1BF5;
	[smem:$0x3FBC] =	sst s0  }
0x18: {  	s0 =	sld [smem:$0x3F9F];
	_ =	swait.ge [sflag:s4], $0x0  }
0x19: {  	s7 =	sld [smem:$0x3FA0]  }
0x1a: {  	s8 =	sadd.s32 $0xFFFFE003, lr  }
0x1b: {  	s9 =	sadd.s32 $0xFFFFFEF7, lr;
	s5 =	simm.s32 $0xFFFFFFFF;
	p2 =	slt.u32 s8, $0xFFFFF086  }
0x1c: {  	p1 =	slt.u32 s9, $0xF7A;
	s5 =	simm.s32 @!p2 $0x0  }
0x1d: {  	s5 =	simm.s32 @p1 $0x1;
	p0 =	seq.s32 s7, s2  }
0x1e: {  	s7 =	smul.u32 @!p0 $0xF7A, s2;
	p2 =	seq.s32 @!p0 s5, $0x0  }
0x1f: {  	s9 =	smul.u32 $0xF7A, s1;
	s8 =	simm.s32 @!p0 $0x1BF5;
	p2 =	por !p2, p0  }
0x20: {  	[sflag:s8] =	ssyncset.s32 @!p0 $0xFFFFF086;
	s6 =	sadd.s32 @!p0 s3, s7;
	s7 =	simm.s32 @!p0 $0x108  }
0x21: {  	s3 =	sadd.s32 s3, s9;
	s6 =	sadd.s32 @!p0 $0x88, s6;
	s7 =	simm.s32 @p2 $0x1082  }
0x22: {  	[simem:s7], [sflag:s8] =	dma.local @!p0 [hbm:s6], $0xF7A  }
0x23: {  	s9 =	sor.u32 $0xD0000000, s2;
	s6 =	simm.s32 $0x108;
	_ =	swait.ge @!p0 [sflag:s8], $0x0  }
0x24: {  	s3 =	sadd.s32 $0x88, s3;
	s6 =	simm.s32 @!p1 $0x1082;
	[sflag:s4] =	ssyncset.s32 $0xFFFFF086  }
0x25: {  	[simem:s6], [sflag:s4] =	dma.local [hbm:s3], $0xF7A  }
0x26: {  	[smem:$0x3FA0] =	sst s1;
	(tag) =	ssettag s2;
	_ =	strace s9  }
0x27: {  	s1 =	sld [smem:$0x3FB0]  }
0x28: {  	s2 =	sld [smem:$0x3FB1]  }
0x29: {  	s4 =	sld [smem:$0x3FB3]  }
0x2a: {  	p0 =	seq.s32 s5, $0x0;
	s5 =	sld [smem:$0x3FB4]  }
0x2b: {  	s6 =	sld [smem:$0x3FB5]  }
0x2c: {  	s7 =	sld [smem:$0x3FB6]  }
0x2d: {  	s3 =	simm.s32 $0x108;
	s8 =	sld [smem:$0x3FB7]  }
0x2e: {  	s3 =	simm.s32 @!p0 $0x1082;
	s9 =	sld [smem:$0x3FB8]  }
0x2f: {  	lr =	sadd.s32 s0, s3;
	s0 =	sld [smem:$0x3FAF]  }
0x30: {  	s3 =	sld [smem:$0x3FB2]  }
0x31: {  	[smem:$0x3FBB] =	sst s10  }
0x32: {  	s10 =	sld [smem:$0x3FB9];
	_ =	sdelay $0x3  }
0x33: {  	p0 =	seq.s32 s10, $0x1;
	s10 =	sld [smem:$0x3FBB];
	_ =	sdelay $0x3  }
0x34: {  	[smem:$0x3FBB] =	sst s10  }
0x35: {  	s10 =	sld [smem:$0x3FBA];
	_ =	sdelay $0x3  }
0x36: {  	p1 =	seq.s32 s10, $0x1;
	s10 =	sld [smem:$0x3FBB];
	_ =	sdelay $0x3  }
0x37: {  	[smem:$0x3FBB] =	sst s10  }
0x38: {  	s10 =	sld [smem:$0x3FBC]  }
0x39: {  	_ = 	snop;
	(pc) =	sbr.ind lr, $3  }
0x3a: {  	_ = 	snop  }
0x3b: {  	_ = 	snop  }
0x3c: {  	p2 =	seq.s32 s10, $0x1;
	s10 =	sld [smem:$0x3FBB]  }
0x3d: {  	_ =	shalt  }
0x3e: {  	_ =	shalt  }
0x3f: {  	_ =	shalt  }
0x40: {  	_ =	shalt  }
0x41: {  	_ =	shalt  }
0x42: {  	_ =	shalt  }
0x43: {  	_ =	shalt  }
0x44: {  	_ =	shalt  }
0x45: {  	_ =	shalt  }
0x46: {  	_ =	shalt  }
0x47: {  	_ =	shalt  }
0x48: {  	_ =	shalt  }
0x49: {  	_ =	shalt  }
0x4a: {  	_ =	shalt  }
0x4b: {  	_ =	shalt  }
0x4c: {  	_ =	shalt  }
0x4d: {  	_ =	shalt  }
0x4e: {  	_ =	shalt  }
0x4f: {  	_ =	shalt  }
0x50: {  	_ =	shalt  }
0x51: {  	_ =	shalt  }
0x52: {  	_ =	shalt  }
0x53: {  	_ =	shalt  }
0x54: {  	_ =	shalt  }
0x55: {  	_ =	shalt  }
0x56: {  	_ =	shalt  }
0x57: {  	_ =	shalt  }
0x58: {  	_ =	shalt  }
0x59: {  	_ =	shalt  }
0x5a: {  	_ =	shalt  }
0x5b: {  	_ =	shalt  }
0x5c: {  	_ =	shalt  }
0x5d: {  	_ =	shalt  }
0x5e: {  	_ =	shalt  }
0x5f: {  	_ =	shalt  }
0x60: {  	_ =	shalt  }
0x61: {  	_ =	shalt  }
0x62: {  	_ =	shalt  }
0x63: {  	_ =	shalt  }
0x64: {  	_ =	shalt  }
0x65: {  	_ =	shalt  }
0x66: {  	_ =	shalt  }
0x67: {  	_ =	shalt  }
0x68: {  	_ =	shalt  }
0x69: {  	_ =	shalt  }
0x6a: {  	_ =	shalt  }
0x6b: {  	_ =	shalt  }
0x6c: {  	_ =	shalt  }
0x6d: {  	_ =	shalt  }
0x6e: {  	_ =	shalt  }
0x6f: {  	_ =	shalt  }
0x70: {  	_ =	shalt  }
0x71: {  	_ =	shalt  }
0x72: {  	_ =	shalt  }
0x73: {  	_ =	shalt  }
0x74: {  	_ =	shalt  }
0x75: {  	_ =	shalt  }
0x76: {  	_ =	shalt  }
0x77: {  	_ =	shalt  }
0x78: {  	_ =	shalt  }
0x79: {  	_ =	shalt  }
0x7a: {  	_ =	shalt  }
0x7b: {  	_ =	shalt  }
0x7c: {  	_ =	shalt  }
0x7d: {  	_ =	shalt  }
0x7e: {  	_ =	shalt  }
0x7f: {  	_ =	shalt  }
0x80: {  	_ =	shalt  }
0x81: {  	_ =	shalt  }
0x82: {  	_ =	shalt  }
0x83: {  	_ =	shalt  }
0x84: {  	_ =	shalt  }
0x85: {  	_ =	shalt  }
0x86: {  	_ =	shalt  }
0x87: {  	_ =	shalt  }
.Lfunc_end0:
.L_simem_size_0:
called_computation.1_lowered:
.L_overlay_start_0:
0x88: {  	s2 =	sld [smem:$0x3FD9]  }
0x89: {  	s3 =	sld [smem:$0x3FFE];
	_ =	sdelay $0x1  }
0x8a: {  	s1 =	srdreg.scid  }
0x8b: {  	s0 =	sand.u32 $0x1, s1  }
0x8c: {  	s14 =	sshll.u32 s0, $0xA;
	s2 =	sadd.s32 s3, s2  }
0x8d: {  	s2 =	sadd.s32 s2, s14  }
0x8e: {  	[smem:$0x3FC7] =	sst s2  }
0x8f: {  	_ = 	snop  }
0x90: {  	s2 =	sld [smem:$0x3FD0];
	_ =	sdelay $0x2  }
0x91: {  	s15 =	simm.s32 $0xA;
	s4 =	simm.s32 $0x10  }
0x92: {  	[smem:s4], [sflag:s15] =	dma.local [hbm:s2], $0x1  }
0x93: {  	_ =	swait.eq [sflag:s15], $0x1  }
0x94: {  	[sflag:s15] =	ssyncset.done $0x0  }
0x95: {  	[sflag:s15] =	ssyncadd.s32 $0xFFFFFFFF  }
0x96: {  	s16 =	sld [smem:$0x13];
	(tm) =	ssettm $0x1  }
0x97: {  	s17 =	sld [smem:$0x3FFB];
	_ =	sdelay $0x3  }
0x98: {  	_ =	strace s17  }
0x99: {  	s3 =	sld [smem:$0x3FFC];
	_ =	sdelay $0x3  }
0x9a: {  	_ =	strace s3  }
0x9b: {  	s3 =	sld [smem:$0x3FFD];
	_ =	sdelay $0x3  }
0x9c: {  	_ =	strace s3  }
0x9d: {  	_ =	strace $0x8FFFFFFF  }
0x9e: {  	s18 =	sld [smem:$0x3FDB];
	_ =	sdelay $0x1  }
0x9f: {  	s19 =	simm.s32 $_scs_section_size  }
0xa0: {  	s5 =	simm.s32 $_size__tile_overlayer_lowered;
	s6 =	simm.s32 $_tile_overlayer_lowered  }
0xa1: {  	s22 =	simm.s32 $0x1BFF;
	s21 =	sshll.u32 s6, $0x1;
	s3 =	sadd.s32 s19, s18  }
0xa2: {  	s7 =	simm.s32 $0x0;
	s20 =	sshll.u32 s5, $0x1;
	s5 =	sadd.s32 s21, s3  }
0xa3: {  	[timem:s7], [sflag:s22] =	dma.local [hbm:s5], s20  }
0xa4: {  	_ =	swait.ge [sflag:s22], s20  }
0xa5: {  	s4 =	ssub.s32 $0x0, s20;
	[sflag:s22] =	ssyncset.done $0x0  }
0xa6: {  	[sflag:s22] =	ssyncadd.s32 s4;
	_ =	sdelay $0x1  }
0xa7: {  	s23 =	simm.s32 $0x1B8B  }
0xa8: {  	_ =	swait.ge [sflag:s23], $0x1  }
0xa9: {  	[sflag:s23] =	ssyncset.done $0x0  }
0xaa: {  	s25 =	simm.s32 $0x1B8E;
	s24 =	sld [smem:$0x3FFE];
	[sflag:s23] =	ssyncadd.s32 $0xFFFFFFFF  }
0xab: {  	s26 =	simm.s32 $execute0_lowered;
	[smem:$0x3FD2] =	sst s25  }
0xac: {  	s5 =	sshll.u32 s26, $0x1;
	_ =	strace $0x80000046;
	[dreg:$0x1] =	wrdreg $0xFFFFFFFF  }
0xad: {  	s28 =	simm.s32 $_size_execute0_lowered;
	s3 =	sadd.s32 s3, s5;
	[dreg:$0x0] =	wrdreg $0x0  }
0xae: {  	s5 =	sshll.u32 s28, $0x1;
	[dreg:$0x2] =	wrdreg s3  }
0xaf: {  	[dreg:$0x3] =	wrdreg s5  }
0xb0: {  	[dreg:$0x4] =	wrdreg $0xC0  }
0xb1: {  	_ =	task [dreg:s7], $0x5FFFF  }
0xb2: {  	[dreg:$0x1] =	wrdreg $0xFFFFFFFF  }
0xb3: {  	[dreg:$0x0] =	wrdreg $0x60  }
0xb4: {  	[dreg:$0x2] =	wrdreg s24  }
0xb5: {  	[dreg:$0x3] =	wrdreg s16  }
0xb6: {  	[dreg:$0x4] =	wrdreg $0x9  }
0xb7: {  	_ =	task.clear_ibuf [dreg:s7], $0x5FFFF;
	_ =	strace $0x90000046  }
0xb8: {  	s29 =	simm.s32 $0x9;
	_ =	strace $0x80000048  }
0xb9: {  	_ =	swait.ge [sflag:s29], $0x1  }
0xba: {  	[sflag:s29] =	ssyncadd.s32 $0xFFFFFFFF  }
0xbb: {  	_ =	strace $0x90000048  }
0xbc: {  	_ =	sfence  }
0xbd: {  	s30 =	sld [smem:$0x0];
	_ =	sdelay $0x2  }
0xbe: {  	s31 =	sshll.u32 s1, $0xD;
	s1 =	sshrl.u32 s1, $0x2  }
0xbf: {  	s3 =	sand.u32 $0x4000, s31;
	s1 =	sadd.s32 s1, s30  }
0xc0: {  	s0 =	sor.u32 s3, s0;
	s1 =	sshll.u32 s1, $0x11  }
0xc1: {  	s0 =	sor.u32 s1, s0  }
0xc2: {  	s0 =	sadd.s32 $0x8F2B, s0  }
0xc3: {  	[sflag:s0] =	ssyncadd.remote.s32 $0x1  }
0xc4: {  	_ =	sfence.sel $0xFFFF  }
0xc5: {  	[dreg:$0x0] =	wrdreg $0xFFFFFFFF;
	(pc) =	sbr.abs _section_cstart, $3  }
0xc6: {  	[dreg:$0x1] =	wrdreg $0xFFFFFFFF  }
0xc7: {  	_ =	task.clear_ibuf [dreg:s7], $0x2FFFF;
	_ =	strace $0x9FFFFFFF  }
0xc8: {  	(tm) =	ssettm $0x7FFFFFFF  }
0xc9: {  	_ =	shalt  }
tec
execute0_lowered:
.L_overlay_start_1:
0x0: {  	(tag) =	ssettag $0x1  }
0x1: {  	s0 =	srdreg.scid;
	s5 =	stileid.u32  }
0x2: {  	s4 =	sand.u32 $0x1, s0;
	s11 =	sshll.u32 s5, $0x1  }
0x3: {  	s0 =	sor.u32 s4, s11  }
0x4: {  	s6 =	rddreg [dreg:$0x0];
	p1 =	seq.s32 s4, $0x1;
	p0 =	seq.s32 s0, $0x0  }
0x5: {  	s2 =	rddreg [dreg:$0x1];
	s1 =	simm.s32 $0x1;
	p0 =	por !p0, !p1  }
0x6: {  	s3 =	simm.s32 $0x0;
	s28 =	simm.s32 $0xC380;
	p0 =	por !p0, !p0  }
0x7: {  	s29 =	simm.s32 $0x6180;
	s7 =	ssub.s32 $0x2, s4;
	s1 =	simm.s32 @!p0 $0x0  }
0x8: {  	[smem:$0x7FF] =	sst s3;
	s8 =	sshrl.u32 s7, $0x1;
	s1 =	ssub.s32 s5, s1  }
0x9: {  	_ =	strace $0x80000047;
	s7 =	ssub.s32 s7, s8;
	s4 =	smul.u32 $0xC3500, s1  }
0xa: {  	s5 =	sadd.s32 $0x7000, s6;
	s6 =	sadd.s32 $0x7200, s6;
	s10 =	sshll.u32 s1, $0x1  }
0xb: {  	s11 =	ssub.s32 s0, s10;
	p0 =	seq.s32 s0, s10;
	s12 =	sadd.s32 $0xC300, s4  }
0xc: {  	s9 =	sadd.s32 $0x124D0, s4;
	[dreg:$0x3] =	wrdreg s11;
	s14 =	sadd.s32 $0x249A0, s4  }
0xd: {  	s15 =	sadd.s32 $0x2AB70, s4;
	s16 =	sadd.s32 $0x3D040, s4;
	s19 =	sadd.s32 $0x43210, s4  }
0xe: {  	s20 =	sadd.s32 $0x556E0, s4;
	s21 =	sadd.s32 $0x5B8B0, s4;
	s24 =	sadd.s32 $0x6DD80, s4  }
0xf: {  	s25 =	sadd.s32 $0x73F50, s4;
	s26 =	sadd.s32 $0x86420, s4;
	s8 =	sshrl.u32 s12, $0x3  }
0x10: {  	s9 =	sshrl.u32 s9, $0x3;
	s11 =	sshrl.u32 s16, $0x3;
	s16 =	sadd.s32 $0xA4C90, s4  }
0x11: {  	s8 =	sadd.s32 s2, s8;
	s13 =	sadd.s32 s2, s9;
	s9 =	sshrl.u32 s15, $0x3  }
0x12: {  	s18 =	sadd.s32 s2, s11;
	s11 =	sshrl.u32 s21, $0x3;
	[dreg:$0x4] =	wrdreg s8  }
0x13: {  	s15 =	sadd.s32 $0x9EAC0, s4;
	s21 =	sshrl.u32 s4, $0x3;
	[dreg:$0x5] =	wrdreg s13  }
0x14: {  	s8 =	sshrl.u32 s14, $0x3;
	s17 =	sadd.s32 s2, s9;
	[dreg:$0x8] =	wrdreg s18  }
0x15: {  	s9 =	sshrl.u32 s20, $0x3;
	s23 =	sadd.s32 s2, s11;
	s11 =	sshrl.u32 s26, $0x3  }
0x16: {  	s14 =	sadd.s32 $0x8C5F0, s4;
	s20 =	sadd.s32 $0xBD330, s4;
	[dreg:$0x7] =	wrdreg s17  }
0x17: {  	s26 =	sadd.s32 $0x1E820, s4;
	s8 =	sadd.s32 s2, s8;
	[dreg:$0xb] =	wrdreg s23  }
0x18: {  	s22 =	sadd.s32 s2, s9;
	s9 =	sshrl.u32 s25, $0x3;
	[dreg:$0x6] =	wrdreg s8  }
0x19: {  	s13 =	sadd.s32 s2, s11;
	s11 =	sshrl.u32 s16, $0x3;
	[dreg:$0xa] =	wrdreg s22  }
0x1a: {  	s23 =	sadd.s32 s2, s21;
	s25 =	sadd.s32 $0x6180, s4;
	[dreg:$0xe] =	wrdreg s13  }
0x1b: {  	s16 =	sadd.s32 $0x61A80, s4;
	s21 =	sadd.s32 $0x7A120, s4;
	[dreg:$0x14] =	wrdreg s23  }
0x1c: {  	s8 =	sshrl.u32 s19, $0x3;
	s12 =	sadd.s32 s2, s9;
	[dreg:$0x1e] =	wrdreg s16  }
0x1d: {  	s9 =	sshrl.u32 s15, $0x3;
	s18 =	sadd.s32 s2, s11;
	[smem:$0x7FB] =	sst s21  }
0x1e: {  	s19 =	sadd.s32 $0xB7160, s4;
	s13 =	sadd.s32 $0x493E0, s4;
	[dreg:$0xd] =	wrdreg s12  }
0x1f: {  	s23 =	sadd.s32 $0x802A0, s4;
	s8 =	sadd.s32 s2, s8;
	[dreg:$0x11] =	wrdreg s18  }
0x20: {  	s17 =	sadd.s32 s2, s9;
	s0 =	sshrl.u32 s19, $0x3;
	[dreg:$0x1a] =	wrdreg s13  }
0x21: {  	s12 =	sadd.s32 $0x30D40, s4;
	s18 =	sadd.s32 $0x67C00, s4;
	[dreg:$0x9] =	wrdreg s8  }
0x22: {  	s8 =	sshrl.u32 s24, $0x3;
	[dreg:$0x10] =	wrdreg s17;
	s0 =	sadd.s32 s2, s0  }
0x23: {  	s24 =	sadd.s32 $0x186A0, s4;
	[dreg:$0x19] =	wrdreg s12;
	s17 =	sadd.s32 $0x4F560, s4  }
0x24: {  	s8 =	sadd.s32 s2, s8;
	[dreg:$0x12] =	wrdreg s0;
	s0 =	sshrl.u32 s25, $0x3  }
0x25: {  	[dreg:$0x15] =	wrdreg s24;
	s9 =	sshrl.u32 s24, $0x3;
	s24 =	sadd.s32 $0xAAE60, s4  }
0x26: {  	s25 =	sadd.s32 $0x98940, s4;
	[dreg:$0xc] =	wrdreg s8;
	s8 =	sshrl.u32 s14, $0x3  }
0x27: {  	s0 =	sadd.s32 s2, s0;
	s10 =	sadd.s32 s2, s9;
	[smem:$0x7FD] =	sst s24  }
0x28: {  	s14 =	sadd.s32 $0x36EC0, s4;
	s9 =	sshrl.u32 s13, $0x3;
	[dreg:$0x16] =	wrdreg s0  }
0x29: {  	s8 =	sadd.s32 s2, s8;
	[dreg:$0x17] =	wrdreg s10;
	s0 =	sshrl.u32 s14, $0x3  }
0x2a: {  	s15 =	sadd.s32 s2, s9;
	s9 =	sshrl.u32 s16, $0x3;
	[dreg:$0xf] =	wrdreg s8  }
0x2b: {  	s8 =	sshrl.u32 s20, $0x3;
	s0 =	sadd.s32 s2, s0;
	[dreg:$0x1d] =	wrdreg s15  }
0x2c: {  	s19 =	sadd.s32 s2, s9;
	s22 =	sadd.s32 s2, s8;
	[dreg:$0x1c] =	wrdreg s0  }
0x2d: {  	s8 =	sshrl.u32 s26, $0x3;
	s0 =	sshrl.u32 s17, $0x3;
	[smem:$0x7F9] =	sst s19  }
0x2e: {  	s26 =	sadd.s32 $0xB0FE0, s4;
	[dreg:$0x13] =	wrdreg s22;
	s11 =	sadd.s32 s2, s8  }
0x2f: {  	s8 =	sshrl.u32 s12, $0x3;
	s0 =	sadd.s32 s2, s0;
	[dreg:$0x18] =	wrdreg s11  }
0x30: {  	s22 =	sadd.s32 $0x927C0, s4;
	s8 =	sadd.s32 s2, s8;
	[dreg:$0x1f] =	wrdreg s0  }
0x31: {  	s0 =	sshrl.u32 s23, $0x3;
	[smem:$0x7FC] =	sst s22;
	s9 =	sshrl.u32 s22, $0x3  }
0x32: {  	s22 =	sshll.u32 s1, $0x7;
	s23 =	smax.u32 s7, $0x1;
	s1 =	simm.s32 $0x0  }
0x33: {  	[dreg:$0x1b] =	wrdreg s8;
	s8 =	sshrl.u32 s18, $0x3;
	s16 =	sadd.s32 s2, s0  }
0x34: {  	s17 =	sadd.s32 s2, s9;
	s0 =	sshrl.u32 s25, $0x3;
	s9 =	sshrl.u32 s24, $0x3  }
0x35: {  	s25 =	simm.s32 $0x1;
	s30 =	sor.u32 $0x10, s22;
	s31 =	sor.u32 $0x20, s22  }
.Ltmp0:
0x36: {  	s13 =	sor.u32 $0x40, s22;
	s14 =	sor.u32 $0x50, s22;
	(pc) =	sbr.rel .LBB2_1-.Ltmp0, $4  }
0x37: {  	s18 =	sor.u32 $0x60, s22;
	s7 =	sor.u32 $0x70, s22;
	s20 =	sadd.s32 s2, s8  }
0x38: {  	s8 =	sshrl.u32 s21, $0x3;
	s19 =	sadd.s32 s2, s0;
	[smem:$0x7FA] =	sst s20  }
0x39: {  	s15 =	sadd.s32 s2, s8;
	s8 =	sshrl.u32 s26, $0x3;
	s20 =	sadd.s32 s2, s9  }
0x3a: {  	v0 =	vimm.f32 $9.999999970e-07;
	v1 =	vlaneseq.u32;
	s9 =	sor.u32 $0x30, s22;
	s26 =	simm.s32 $0xCC00;
	s21 =	sadd.s32 s2, s8  }
.LBB2_10:
0x3b: {  	s0 =	rddreg [dreg:$0x14]  }
0x3c: {  	[hbm4b:s0+s3] =	stream.linear.scatter [tilespmem:s3], [sflag:$0x1], $0x6180, $0x38;
	[tilespmem:$0xD400] =	vst v63  }
0x3d: {  	_ =	swait.ge [sflag:s25], $0x6180  }
0x3e: {  	[sflag:s25] =	ssyncset.done $0x0  }
0x3f: {  	s10 =	rddreg [dreg:$0x16];
	[sflag:s25] =	ssyncadd.s32 $0xFFFF9E80  }
0x40: {  	[hbm4b:s10+s3] =	stream.linear.scatter [tilespmem:s3], [sflag:$0x1], $0x6180, $0x38;
	[tilespmem:$0xD400] =	vst v63  }
0x41: {  	_ =	swait.ge [sflag:s25], $0x6180  }
0x42: {  	[sflag:s25] =	ssyncset.done $0x0  }
0x43: {  	s11 =	rddreg [dreg:$0x17];
	[sflag:s25] =	ssyncadd.s32 $0xFFFF9E80  }
0x44: {  	[hbm4b:s11+s3] =	stream.linear.scatter [tilespmem:s3], [sflag:$0x1], $0x6180, $0x38;
	[tilespmem:$0xD400] =	vst v63  }
0x45: {  	_ =	swait.ge [sflag:s25], $0x6180  }
0x46: {  	[sflag:s25] =	ssyncset.done $0x0  }
0x47: {  	s12 =	rddreg [dreg:$0x18];
	[sflag:s25] =	ssyncadd.s32 $0xFFFF9E80  }
0x48: {  	[hbm4b:s12+s3] =	stream.linear.scatter [tilespmem:s3], [sflag:$0x1], $0x6180, $0x38;
	[tilespmem:$0xD400] =	vst v63  }
0x49: {  	_ =	swait.ge [sflag:s25], $0x6180  }
0x4a: {  	[sflag:s25] =	ssyncset.done $0x0  }
0x4b: {  	s24 =	rddreg [dreg:$0x1b];
	[sflag:s25] =	ssyncadd.s32 $0xFFFF9E80  }
0x4c: {  	[hbm4b:s24+s3] =	stream.linear.scatter [tilespmem:s3], [sflag:$0x1], $0x6180, $0x38;
	[tilespmem:$0xD400] =	vst v63  }
0x4d: {  	_ =	swait.ge [sflag:s25], $0x6180  }
0x4e: {  	[sflag:s25] =	ssyncset.done $0x0  }
0x4f: {  	s8 =	rddreg [dreg:$0x1c];
	[sflag:s25] =	ssyncadd.s32 $0xFFFF9E80  }
0x50: {  	[hbm4b:s8+s3] =	stream.linear.scatter [tilespmem:s3], [sflag:$0x1], $0x6180, $0x38;
	[tilespmem:$0xD400] =	vst v63  }
0x51: {  	_ =	swait.ge [sflag:s25], $0x6180  }
0x52: {  	[sflag:s25] =	ssyncset.done $0x0  }
0x53: {  	s10 =	rddreg [dreg:$0x1d];
	[sflag:s25] =	ssyncadd.s32 $0xFFFF9E80  }
0x54: {  	[hbm4b:s10+s3] =	stream.linear.scatter [tilespmem:s3], [sflag:$0x1], $0x6180, $0x38;
	[tilespmem:$0xD400] =	vst v63  }
0x55: {  	_ =	swait.ge [sflag:s25], $0x6180  }
0x56: {  	[sflag:s25] =	ssyncset.done $0x0  }
0x57: {  	s11 =	rddreg [dreg:$0x1f];
	[sflag:s25] =	ssyncadd.s32 $0xFFFF9E80  }
0x58: {  	[hbm4b:s11+s3] =	stream.linear.scatter [tilespmem:s3], [sflag:$0x1], $0x6180, $0x38;
	[tilespmem:$0xD400] =	vst v63  }
0x59: {  	_ =	swait.ge [sflag:s25], $0x6180  }
0x5a: {  	s12 =	sld [smem:$0x7F9]  }
0x5b: {  	[sflag:s25] =	ssyncset.done $0x0  }
0x5c: {  	[sflag:s25] =	ssyncadd.s32 $0xFFFF9E80  }
0x5d: {  	[hbm4b:s12+s3] =	stream.linear.scatter [tilespmem:s3], [sflag:$0x1], $0x6180, $0x38;
	[tilespmem:$0xD400] =	vst v63  }
0x5e: {  	_ =	swait.ge [sflag:s25], $0x6180  }
0x5f: {  	s24 =	sld [smem:$0x7FA]  }
0x60: {  	[sflag:s25] =	ssyncset.done $0x0  }
0x61: {  	[sflag:s25] =	ssyncadd.s32 $0xFFFF9E80  }
0x62: {  	[hbm4b:s24+s3] =	stream.linear.scatter [tilespmem:s3], [sflag:$0x1], $0x6180, $0x38;
	[tilespmem:$0xD400] =	vst v63  }
0x63: {  	_ =	swait.ge [sflag:s25], $0x6180  }
0x64: {  	[sflag:s25] =	ssyncset.done $0x0  }
0x65: {  	[sflag:s25] =	ssyncadd.s32 $0xFFFF9E80  }
0x66: {  	[hbm4b:s15+s3] =	stream.linear.scatter [tilespmem:s3], [sflag:$0x1], $0x6180, $0x38;
	[tilespmem:$0xD400] =	vst v63  }
0x67: {  	_ =	swait.ge [sflag:s25], $0x6180  }
0x68: {  	[sflag:s25] =	ssyncset.done $0x0  }
0x69: {  	[sflag:s25] =	ssyncadd.s32 $0xFFFF9E80  }
0x6a: {  	[hbm4b:s16+s3] =	stream.linear.scatter [tilespmem:s3], [sflag:$0x1], $0x6180, $0x38;
	[tilespmem:$0xD400] =	vst v63  }
0x6b: {  	_ =	swait.ge [sflag:s25], $0x6180  }
0x6c: {  	[sflag:s25] =	ssyncset.done $0x0  }
0x6d: {  	[sflag:s25] =	ssyncadd.s32 $0xFFFF9E80  }
0x6e: {  	[hbm4b:s17+s3] =	stream.linear.scatter [tilespmem:s3], [sflag:$0x1], $0x6180, $0x38;
	[tilespmem:$0xD400] =	vst v63  }
0x6f: {  	_ =	swait.ge [sflag:s25], $0x6180  }
0x70: {  	[sflag:s25] =	ssyncset.done $0x0  }
0x71: {  	[sflag:s25] =	ssyncadd.s32 $0xFFFF9E80  }
0x72: {  	[hbm4b:s19+s3] =	stream.linear.scatter [tilespmem:s3], [sflag:$0x1], $0x6180, $0x38;
	[tilespmem:$0xD400] =	vst v63  }
0x73: {  	_ =	swait.ge [sflag:s25], $0x6180  }
0x74: {  	[sflag:s25] =	ssyncset.done $0x0  }
0x75: {  	[sflag:s25] =	ssyncadd.s32 $0xFFFF9E80  }
0x76: {  	[hbm4b:s20+s3] =	stream.linear.scatter [tilespmem:s3], [sflag:$0x1], $0x6180, $0x38;
	[tilespmem:$0xD400] =	vst v63  }
0x77: {  	_ =	swait.ge [sflag:s25], $0x6180  }
0x78: {  	[sflag:s25] =	ssyncset.done $0x0  }
0x79: {  	[sflag:s25] =	ssyncadd.s32 $0xFFFF9E80  }
0x7a: {  	[hbm4b:s21+s3] =	stream.linear.scatter [tilespmem:s3], [sflag:$0x1], $0x6180, $0x38;
	[tilespmem:$0xD400] =	vst v63  }
0x7b: {  	_ =	swait.ge [sflag:s25], $0x6180  }
0x7c: {  	[sflag:s25] =	ssyncset.done $0x0  }
0x7d: {  	p1 =	por $0x0, $0x0;
	[sflag:s25] =	ssyncadd.s32 $0xFFFF9E80  }
.LBB2_8:
0x7e: {  	v2 =	vld [tilespmem:s22+$0xC400]  }
0x7f: {  	v3 =	vld [tilespmem:s22+$0xCC00];
	_ =	sdelay $0x3  }
0x80: {  	(v2sf) =	vpush v2, $0x0  }
0x81: {  	(v2sf) =	vpush v3, $0x0  }
0x82: {  	(v2sf) =	vpush v2, $0x1;
	_ =	sdelay $0x1  }
0x83: {  	(v2sf) =	vpush v3, $0x1  }
0x84: {  	(v2sf) =	vpush v2, $0x2;
	_ =	sdelay $0x1  }
0x85: {  	(v2sf) =	vpush v3, $0x2  }
0x86: {  	(v2sf) =	vpush v2, $0x3;
	_ =	sdelay $0x1  }
0x87: {  	(v2sf) =	vpush v3, $0x3  }
0x88: {  	(v2sf) =	vpush v2, $0x4;
	_ =	sdelay $0x1  }
0x89: {  	(v2sf) =	vpush v3, $0x4  }
0x8a: {  	(v2sf) =	vpush v2, $0x5  }
0x8b: {  	s0 =	spop (v2sf)  }
0x8c: {  	s8 =	spop (v2sf);
	(v2sf) =	vpush v3, $0x5  }
0x8d: {  	s10 =	spop (v2sf);
	(v2sf) =	vpush v2, $0x6  }
0x8e: {  	p2 =	sgt.f32 s10, s0  }
0x8f: {  	s11 =	spop (v2sf);
	(v2sf) =	vpush v3, $0x6  }
0x90: {  	s12 =	spop (v2sf);
	s0 =	smov.u32 @p2 s10  }
0x91: {  	p3 =	sgt.f32 s12, s0  }
0x92: {  	s10 =	spop (v2sf)  }
0x93: {  	s24 =	spop (v2sf);
	s0 =	smov.u32 @p3 s12  }
0x94: {  	p4 =	sgt.f32 s24, s0  }
0x95: {  	s12 =	spop (v2sf)  }
0x96: {  	s0 =	smov.u32 @p4 s24;
	s24 =	spop (v2sf)  }
0x97: {  	p5 =	sgt.f32 s24, s0  }
0x98: {  	s8 =	smov.u32 @p2 s11;
	s11 =	spop (v2sf)  }
0x99: {  	s0 =	smov.u32 @p5 s24;
	s24 =	spop (v2sf)  }
0x9a: {  	p2 =	sgt.f32 s24, s0  }
0x9b: {  	s8 =	smov.u32 @p3 s10;
	s10 =	spop (v2sf)  }
0x9c: {  	s8 =	smov.u32 @p4 s12;
	s0 =	smov.u32 @p2 s24;
	s24 =	spop (v2sf)  }
0x9d: {  	s8 =	smov.u32 @p5 s11;
	p3 =	sgt.f32 s24, s0  }
0x9e: {  	s8 =	smov.u32 @p2 s10;
	s0 =	spop (v2sf)  }
0x9f: {  	s8 =	smov.u32 @p3 s0  }
0xa0: {  	s0 =	sshra.s32 s8, $0x1F  }
0xa1: {  	s0 =	sshrl.u32 s0, $0x1C  }
0xa2: {  	s0 =	sadd.s32 s0, s8  }
0xa3: {  	s0 =	sand.u32 $0xFFFFFFF0, s0  }
0xa4: {  	p5 =	slt.s32 s0, $0xC300;
	p6 =	sgt.s32 s0, $0xC2FF  }
0xa5: {  	p2 =	por !p0, !p5;
	p3 =	por !p1, !p6  }
0xa6: {  	s8 =	ssub.s32 s8, s0;
	p2 =	por !p2, !p2;
	p3 =	por !p3, !p3  }
0xa7: {  	v2 =	vmov s8;
	p2 =	por p2, p3  }
0xa8: {  	vm0 =	veq.s32 v2, v1;
	s0 =	sadd.s32 @p2 s4, s0  }
0xa9: {  	v2 =	vsel vm0, $0x3F666677, v0;
	s0 =	sshrl.u32 @p2 s0, $0x3  }
0xaa: {  	[tilespmem:$0xC380] =	vst v2;
	s0 =	sadd.s32 @p2 s2, s0  }
0xab: {  	[hbm4b:s0+s3] =	stream.linear.scatter @p2 [tilespmem:s28], [sflag:$0x1], $0x10, $0x38;
	[tilespmem:$0xD400] =	vst v63  }
0xac: {  	_ =	swait.ge @p2 [sflag:s25], $0x10  }
0xad: {  	[sflag:s25] =	ssyncset.done @p2 $0x0  }
0xae: {  	[sflag:s25] =	ssyncadd.s32 @p2 $0xFFFFFFF0  }
0xaf: {  	v2 =	vld [tilespmem:s30+$0xC400]  }
0xb0: {  	v3 =	vld [tilespmem:s30+$0xCC00];
	_ =	sdelay $0x3  }
0xb1: {  	(v2sf) =	vpush v2, $0x0  }
0xb2: {  	(v2sf) =	vpush v3, $0x0  }
0xb3: {  	(v2sf) =	vpush v2, $0x1;
	_ =	sdelay $0x1  }
0xb4: {  	(v2sf) =	vpush v3, $0x1  }
0xb5: {  	(v2sf) =	vpush v2, $0x2;
	_ =	sdelay $0x1  }
0xb6: {  	(v2sf) =	vpush v3, $0x2  }
0xb7: {  	(v2sf) =	vpush v2, $0x3;
	_ =	sdelay $0x1  }
0xb8: {  	(v2sf) =	vpush v3, $0x3  }
0xb9: {  	(v2sf) =	vpush v2, $0x4;
	_ =	sdelay $0x1  }
0xba: {  	(v2sf) =	vpush v3, $0x4  }
0xbb: {  	(v2sf) =	vpush v2, $0x5  }
0xbc: {  	s0 =	spop (v2sf)  }
0xbd: {  	s8 =	spop (v2sf);
	(v2sf) =	vpush v3, $0x5  }
0xbe: {  	s10 =	spop (v2sf);
	(v2sf) =	vpush v2, $0x6  }
0xbf: {  	p2 =	sgt.f32 s10, s0  }
0xc0: {  	s11 =	spop (v2sf);
	(v2sf) =	vpush v3, $0x6  }
0xc1: {  	s12 =	spop (v2sf);
	s0 =	smov.u32 @p2 s10  }
0xc2: {  	p3 =	sgt.f32 s12, s0  }
0xc3: {  	s10 =	spop (v2sf)  }
0xc4: {  	s24 =	spop (v2sf);
	s0 =	smov.u32 @p3 s12  }
0xc5: {  	p4 =	sgt.f32 s24, s0  }
0xc6: {  	s12 =	spop (v2sf)  }
0xc7: {  	s0 =	smov.u32 @p4 s24;
	s24 =	spop (v2sf)  }
0xc8: {  	p5 =	sgt.f32 s24, s0  }
0xc9: {  	s8 =	smov.u32 @p2 s11;
	s11 =	spop (v2sf)  }
0xca: {  	s0 =	smov.u32 @p5 s24;
	s24 =	spop (v2sf)  }
0xcb: {  	p2 =	sgt.f32 s24, s0  }
0xcc: {  	s8 =	smov.u32 @p3 s10;
	s10 =	spop (v2sf)  }
0xcd: {  	s8 =	smov.u32 @p4 s12;
	s0 =	smov.u32 @p2 s24;
	s24 =	spop (v2sf)  }
0xce: {  	s8 =	smov.u32 @p5 s11;
	p3 =	sgt.f32 s24, s0  }
0xcf: {  	s8 =	smov.u32 @p2 s10;
	s0 =	spop (v2sf)  }
0xd0: {  	s8 =	smov.u32 @p3 s0  }
0xd1: {  	s0 =	sshra.s32 s8, $0x1F  }
0xd2: {  	s0 =	sshrl.u32 s0, $0x1C  }
0xd3: {  	s0 =	sadd.s32 s0, s8  }
0xd4: {  	s0 =	sand.u32 $0xFFFFFFF0, s0  }
0xd5: {  	p3 =	slt.s32 s0, $0xC300;
	p4 =	sgt.s32 s0, $0xC2FF  }
0xd6: {  	p2 =	por !p0, !p3;
	p3 =	por !p1, !p4  }
0xd7: {  	p2 =	por !p2, !p2;
	p3 =	por !p3, !p3  }
0xd8: {  	s8 =	ssub.s32 s8, s0;
	p2 =	por p2, p3  }
0xd9: {  	v2 =	vmov s8;
	s8 =	rddreg @p2 [dreg:$0x15]  }
0xda: {  	vm9 =	veq.s32 v2, v1;
	s0 =	sadd.s32 @p2 s8, s0  }
0xdb: {  	v2 =	vsel vm9, $0x3F666677, v0;
	s0 =	sshrl.u32 @p2 s0, $0x3  }
0xdc: {  	[tilespmem:$0xC380] =	vst v2;
	s0 =	sadd.s32 @p2 s2, s0  }
0xdd: {  	[hbm4b:s0+s3] =	stream.linear.scatter @p2 [tilespmem:s28], [sflag:$0x1], $0x10, $0x38;
	[tilespmem:$0xD400] =	vst v63  }
0xde: {  	_ =	swait.ge @p2 [sflag:s25], $0x10  }
0xdf: {  	[sflag:s25] =	ssyncset.done @p2 $0x0  }
0xe0: {  	[sflag:s25] =	ssyncadd.s32 @p2 $0xFFFFFFF0  }
0xe1: {  	v2 =	vld [tilespmem:s31+$0xC400]  }
0xe2: {  	v3 =	vld [tilespmem:s31+$0xCC00];
	_ =	sdelay $0x3  }
0xe3: {  	(v2sf) =	vpush v2, $0x0  }
0xe4: {  	(v2sf) =	vpush v3, $0x0  }
0xe5: {  	(v2sf) =	vpush v2, $0x1;
	_ =	sdelay $0x1  }
0xe6: {  	(v2sf) =	vpush v3, $0x1  }
0xe7: {  	(v2sf) =	vpush v2, $0x2;
	_ =	sdelay $0x1  }
0xe8: {  	(v2sf) =	vpush v3, $0x2  }
0xe9: {  	(v2sf) =	vpush v2, $0x3;
	_ =	sdelay $0x1  }
0xea: {  	(v2sf) =	vpush v3, $0x3  }
0xeb: {  	(v2sf) =	vpush v2, $0x4;
	_ =	sdelay $0x1  }
0xec: {  	(v2sf) =	vpush v3, $0x4  }
0xed: {  	(v2sf) =	vpush v2, $0x5  }
0xee: {  	s0 =	spop (v2sf)  }
0xef: {  	s8 =	spop (v2sf);
	(v2sf) =	vpush v3, $0x5  }
0xf0: {  	s10 =	spop (v2sf);
	(v2sf) =	vpush v2, $0x6  }
0xf1: {  	p2 =	sgt.f32 s10, s0  }
0xf2: {  	s11 =	spop (v2sf);
	(v2sf) =	vpush v3, $0x6  }
0xf3: {  	s12 =	spop (v2sf);
	s0 =	smov.u32 @p2 s10  }
0xf4: {  	p3 =	sgt.f32 s12, s0  }
0xf5: {  	s10 =	spop (v2sf)  }
0xf6: {  	s24 =	spop (v2sf);
	s0 =	smov.u32 @p3 s12  }
0xf7: {  	p4 =	sgt.f32 s24, s0  }
0xf8: {  	s12 =	spop (v2sf)  }
0xf9: {  	s0 =	smov.u32 @p4 s24;
	s24 =	spop (v2sf)  }
0xfa: {  	p5 =	sgt.f32 s24, s0  }
0xfb: {  	s8 =	smov.u32 @p2 s11;
	s11 =	spop (v2sf)  }
0xfc: {  	s0 =	smov.u32 @p5 s24;
	s24 =	spop (v2sf)  }
0xfd: {  	p2 =	sgt.f32 s24, s0  }
0xfe: {  	s8 =	smov.u32 @p3 s10;
	s10 =	spop (v2sf)  }
0xff: {  	s8 =	smov.u32 @p4 s12;
	s0 =	smov.u32 @p2 s24;
	s24 =	spop (v2sf)  }
0x100: {  	s8 =	smov.u32 @p5 s11;
	p3 =	sgt.f32 s24, s0  }
0x101: {  	s8 =	smov.u32 @p2 s10;
	s0 =	spop (v2sf)  }
0x102: {  	s8 =	smov.u32 @p3 s0  }
0x103: {  	s0 =	sshra.s32 s8, $0x1F  }
0x104: {  	s0 =	sshrl.u32 s0, $0x1C  }
0x105: {  	s0 =	sadd.s32 s0, s8  }
0x106: {  	s0 =	sand.u32 $0xFFFFFFF0, s0  }
0x107: {  	p5 =	slt.s32 s0, $0xC300;
	p6 =	sgt.s32 s0, $0xC2FF  }
0x108: {  	p2 =	por !p0, !p5;
	p3 =	por !p1, !p6  }
0x109: {  	p2 =	por !p2, !p2;
	p3 =	por !p3, !p3  }
0x10a: {  	s8 =	ssub.s32 s8, s0;
	p2 =	por p2, p3  }
0x10b: {  	v2 =	vmov s8;
	s8 =	rddreg @p2 [dreg:$0x19]  }
0x10c: {  	vm10 =	veq.s32 v2, v1;
	s0 =	sadd.s32 @p2 s8, s0  }
0x10d: {  	v2 =	vsel vm10, $0x3F666677, v0;
	s0 =	sshrl.u32 @p2 s0, $0x3  }
0x10e: {  	[tilespmem:$0xC380] =	vst v2;
	s0 =	sadd.s32 @p2 s2, s0  }
0x10f: {  	[hbm4b:s0+s3] =	stream.linear.scatter @p2 [tilespmem:s28], [sflag:$0x1], $0x10, $0x38;
	[tilespmem:$0xD400] =	vst v63  }
0x110: {  	_ =	swait.ge @p2 [sflag:s25], $0x10  }
0x111: {  	[sflag:s25] =	ssyncset.done @p2 $0x0  }
0x112: {  	[sflag:s25] =	ssyncadd.s32 @p2 $0xFFFFFFF0  }
0x113: {  	v2 =	vld [tilespmem:s9+$0xC400]  }
0x114: {  	v3 =	vld [tilespmem:s9+$0xCC00];
	_ =	sdelay $0x3  }
0x115: {  	(v2sf) =	vpush v2, $0x0  }
0x116: {  	(v2sf) =	vpush v3, $0x0  }
0x117: {  	(v2sf) =	vpush v2, $0x1;
	_ =	sdelay $0x1  }
0x118: {  	(v2sf) =	vpush v3, $0x1  }
0x119: {  	(v2sf) =	vpush v2, $0x2;
	_ =	sdelay $0x1  }
0x11a: {  	(v2sf) =	vpush v3, $0x2  }
0x11b: {  	(v2sf) =	vpush v2, $0x3;
	_ =	sdelay $0x1  }
0x11c: {  	(v2sf) =	vpush v3, $0x3  }
0x11d: {  	(v2sf) =	vpush v2, $0x4;
	_ =	sdelay $0x1  }
0x11e: {  	(v2sf) =	vpush v3, $0x4  }
0x11f: {  	(v2sf) =	vpush v2, $0x5  }
0x120: {  	s0 =	spop (v2sf)  }
0x121: {  	s8 =	spop (v2sf);
	(v2sf) =	vpush v3, $0x5  }
0x122: {  	s10 =	spop (v2sf);
	(v2sf) =	vpush v2, $0x6  }
0x123: {  	p2 =	sgt.f32 s10, s0  }
0x124: {  	s11 =	spop (v2sf);
	(v2sf) =	vpush v3, $0x6  }
0x125: {  	s12 =	spop (v2sf);
	s0 =	smov.u32 @p2 s10  }
0x126: {  	p3 =	sgt.f32 s12, s0  }
0x127: {  	s10 =	spop (v2sf)  }
0x128: {  	s24 =	spop (v2sf);
	s0 =	smov.u32 @p3 s12  }
0x129: {  	p4 =	sgt.f32 s24, s0  }
0x12a: {  	s12 =	spop (v2sf)  }
0x12b: {  	s0 =	smov.u32 @p4 s24;
	s24 =	spop (v2sf)  }
0x12c: {  	p5 =	sgt.f32 s24, s0  }
0x12d: {  	s8 =	smov.u32 @p2 s11;
	s11 =	spop (v2sf)  }
0x12e: {  	s0 =	smov.u32 @p5 s24;
	s24 =	spop (v2sf)  }
0x12f: {  	p2 =	sgt.f32 s24, s0  }
0x130: {  	s8 =	smov.u32 @p3 s10;
	s10 =	spop (v2sf)  }
0x131: {  	s8 =	smov.u32 @p4 s12;
	s0 =	smov.u32 @p2 s24;
	s24 =	spop (v2sf)  }
0x132: {  	s8 =	smov.u32 @p5 s11;
	p3 =	sgt.f32 s24, s0  }
0x133: {  	s8 =	smov.u32 @p2 s10;
	s0 =	spop (v2sf)  }
0x134: {  	s8 =	smov.u32 @p3 s0  }
0x135: {  	s0 =	sshra.s32 s8, $0x1F  }
0x136: {  	s0 =	sshrl.u32 s0, $0x1C  }
0x137: {  	s0 =	sadd.s32 s0, s8  }
0x138: {  	s0 =	sand.u32 $0xFFFFFFF0, s0  }
0x139: {  	p3 =	slt.s32 s0, $0xC300;
	p4 =	sgt.s32 s0, $0xC2FF  }
0x13a: {  	p2 =	por !p0, !p3;
	p3 =	por !p1, !p4  }
0x13b: {  	p2 =	por !p2, !p2;
	p3 =	por !p3, !p3  }
0x13c: {  	s8 =	ssub.s32 s8, s0;
	p2 =	por p2, p3  }
0x13d: {  	v2 =	vmov s8;
	s8 =	rddreg @p2 [dreg:$0x1a]  }
0x13e: {  	vm11 =	veq.s32 v2, v1;
	s0 =	sadd.s32 @p2 s8, s0  }
0x13f: {  	v2 =	vsel vm11, $0x3F666677, v0;
	s0 =	sshrl.u32 @p2 s0, $0x3  }
0x140: {  	[tilespmem:$0xC380] =	vst v2;
	s0 =	sadd.s32 @p2 s2, s0  }
0x141: {  	[hbm4b:s0+s3] =	stream.linear.scatter @p2 [tilespmem:s28], [sflag:$0x1], $0x10, $0x38;
	[tilespmem:$0xD400] =	vst v63  }
0x142: {  	_ =	swait.ge @p2 [sflag:s25], $0x10  }
0x143: {  	[sflag:s25] =	ssyncset.done @p2 $0x0  }
0x144: {  	[sflag:s25] =	ssyncadd.s32 @p2 $0xFFFFFFF0  }
0x145: {  	v2 =	vld [tilespmem:s13+$0xC400]  }
0x146: {  	v3 =	vld [tilespmem:s13+$0xCC00];
	_ =	sdelay $0x3  }
0x147: {  	(v2sf) =	vpush v2, $0x0  }
0x148: {  	(v2sf) =	vpush v3, $0x0  }
0x149: {  	(v2sf) =	vpush v2, $0x1;
	_ =	sdelay $0x1  }
0x14a: {  	(v2sf) =	vpush v3, $0x1  }
0x14b: {  	(v2sf) =	vpush v2, $0x2;
	_ =	sdelay $0x1  }
0x14c: {  	(v2sf) =	vpush v3, $0x2  }
0x14d: {  	(v2sf) =	vpush v2, $0x3;
	_ =	sdelay $0x1  }
0x14e: {  	(v2sf) =	vpush v3, $0x3  }
0x14f: {  	(v2sf) =	vpush v2, $0x4;
	_ =	sdelay $0x1  }
0x150: {  	(v2sf) =	vpush v3, $0x4  }
0x151: {  	(v2sf) =	vpush v2, $0x5  }
0x152: {  	s0 =	spop (v2sf)  }
0x153: {  	s8 =	spop (v2sf);
	(v2sf) =	vpush v3, $0x5  }
0x154: {  	s10 =	spop (v2sf);
	(v2sf) =	vpush v2, $0x6  }
0x155: {  	p2 =	sgt.f32 s10, s0  }
0x156: {  	s11 =	spop (v2sf);
	(v2sf) =	vpush v3, $0x6  }
0x157: {  	s12 =	spop (v2sf);
	s0 =	smov.u32 @p2 s10  }
0x158: {  	p3 =	sgt.f32 s12, s0  }
0x159: {  	s10 =	spop (v2sf)  }
0x15a: {  	s24 =	spop (v2sf);
	s0 =	smov.u32 @p3 s12  }
0x15b: {  	p4 =	sgt.f32 s24, s0  }
0x15c: {  	s12 =	spop (v2sf)  }
0x15d: {  	s0 =	smov.u32 @p4 s24;
	s24 =	spop (v2sf)  }
0x15e: {  	p5 =	sgt.f32 s24, s0  }
0x15f: {  	s8 =	smov.u32 @p2 s11;
	s11 =	spop (v2sf)  }
0x160: {  	s0 =	smov.u32 @p5 s24;
	s24 =	spop (v2sf)  }
0x161: {  	p2 =	sgt.f32 s24, s0  }
0x162: {  	s8 =	smov.u32 @p3 s10;
	s10 =	spop (v2sf)  }
0x163: {  	s8 =	smov.u32 @p4 s12;
	s0 =	smov.u32 @p2 s24;
	s24 =	spop (v2sf)  }
0x164: {  	s8 =	smov.u32 @p5 s11;
	p3 =	sgt.f32 s24, s0  }
0x165: {  	s8 =	smov.u32 @p2 s10;
	s0 =	spop (v2sf)  }
0x166: {  	s8 =	smov.u32 @p3 s0  }
0x167: {  	s0 =	sshra.s32 s8, $0x1F  }
0x168: {  	s0 =	sshrl.u32 s0, $0x1C  }
0x169: {  	s0 =	sadd.s32 s0, s8  }
0x16a: {  	s0 =	sand.u32 $0xFFFFFFF0, s0  }
0x16b: {  	p5 =	slt.s32 s0, $0xC300;
	p6 =	sgt.s32 s0, $0xC2FF  }
0x16c: {  	p2 =	por !p0, !p5;
	p3 =	por !p1, !p6  }
0x16d: {  	p2 =	por !p2, !p2;
	p3 =	por !p3, !p3  }
0x16e: {  	s8 =	ssub.s32 s8, s0;
	p2 =	por p2, p3  }
0x16f: {  	v2 =	vmov s8;
	s8 =	rddreg @p2 [dreg:$0x1e]  }
0x170: {  	vm12 =	veq.s32 v2, v1;
	s0 =	sadd.s32 @p2 s8, s0  }
0x171: {  	v2 =	vsel vm12, $0x3F666677, v0;
	s0 =	sshrl.u32 @p2 s0, $0x3  }
0x172: {  	[tilespmem:$0xC380] =	vst v2;
	s0 =	sadd.s32 @p2 s2, s0  }
0x173: {  	[hbm4b:s0+s3] =	stream.linear.scatter @p2 [tilespmem:s28], [sflag:$0x1], $0x10, $0x38;
	[tilespmem:$0xD400] =	vst v63  }
0x174: {  	_ =	swait.ge @p2 [sflag:s25], $0x10  }
0x175: {  	[sflag:s25] =	ssyncset.done @p2 $0x0  }
0x176: {  	[sflag:s25] =	ssyncadd.s32 @p2 $0xFFFFFFF0  }
0x177: {  	v2 =	vld [tilespmem:s14+$0xC400]  }
0x178: {  	v3 =	vld [tilespmem:s14+$0xCC00];
	_ =	sdelay $0x3  }
0x179: {  	(v2sf) =	vpush v2, $0x0  }
0x17a: {  	(v2sf) =	vpush v3, $0x0  }
0x17b: {  	(v2sf) =	vpush v2, $0x1;
	_ =	sdelay $0x1  }
0x17c: {  	(v2sf) =	vpush v3, $0x1  }
0x17d: {  	(v2sf) =	vpush v2, $0x2;
	_ =	sdelay $0x1  }
0x17e: {  	(v2sf) =	vpush v3, $0x2  }
0x17f: {  	(v2sf) =	vpush v2, $0x3;
	_ =	sdelay $0x1  }
0x180: {  	(v2sf) =	vpush v3, $0x3  }
0x181: {  	(v2sf) =	vpush v2, $0x4;
	_ =	sdelay $0x1  }
0x182: {  	(v2sf) =	vpush v3, $0x4  }
0x183: {  	(v2sf) =	vpush v2, $0x5  }
0x184: {  	s0 =	spop (v2sf)  }
0x185: {  	s8 =	spop (v2sf);
	(v2sf) =	vpush v3, $0x5  }
0x186: {  	s10 =	spop (v2sf);
	(v2sf) =	vpush v2, $0x6  }
0x187: {  	p2 =	sgt.f32 s10, s0  }
0x188: {  	s11 =	spop (v2sf);
	(v2sf) =	vpush v3, $0x6  }
0x189: {  	s12 =	spop (v2sf);
	s0 =	smov.u32 @p2 s10  }
0x18a: {  	p3 =	sgt.f32 s12, s0  }
0x18b: {  	s10 =	spop (v2sf)  }
0x18c: {  	s24 =	spop (v2sf);
	s0 =	smov.u32 @p3 s12  }
0x18d: {  	p4 =	sgt.f32 s24, s0  }
0x18e: {  	s12 =	spop (v2sf)  }
0x18f: {  	s0 =	smov.u32 @p4 s24;
	s24 =	spop (v2sf)  }
0x190: {  	p5 =	sgt.f32 s24, s0  }
0x191: {  	s8 =	smov.u32 @p2 s11;
	s11 =	spop (v2sf)  }
0x192: {  	s0 =	smov.u32 @p5 s24;
	s24 =	spop (v2sf)  }
0x193: {  	p2 =	sgt.f32 s24, s0  }
0x194: {  	s8 =	smov.u32 @p3 s10;
	s10 =	spop (v2sf)  }
0x195: {  	s8 =	smov.u32 @p4 s12;
	s0 =	smov.u32 @p2 s24;
	s24 =	spop (v2sf)  }
0x196: {  	s8 =	smov.u32 @p5 s11;
	p3 =	sgt.f32 s24, s0  }
0x197: {  	s8 =	smov.u32 @p2 s10;
	s0 =	spop (v2sf)  }
0x198: {  	s8 =	smov.u32 @p3 s0  }
0x199: {  	s0 =	sshra.s32 s8, $0x1F  }
0x19a: {  	s0 =	sshrl.u32 s0, $0x1C  }
0x19b: {  	s0 =	sadd.s32 s0, s8  }
0x19c: {  	s0 =	sand.u32 $0xFFFFFFF0, s0  }
0x19d: {  	p3 =	slt.s32 s0, $0xC300;
	p4 =	sgt.s32 s0, $0xC2FF  }
0x19e: {  	p2 =	por !p0, !p3;
	p3 =	por !p1, !p4  }
0x19f: {  	p2 =	por !p2, !p2;
	p3 =	por !p3, !p3  }
0x1a0: {  	s8 =	ssub.s32 s8, s0;
	p2 =	por p2, p3  }
0x1a1: {  	v2 =	vmov s8;
	s8 =	sld @p2 [smem:$0x7FB];
	_ =	sdelay $0x2  }
0x1a2: {  	vm13 =	veq.s32 v2, v1;
	s0 =	sadd.s32 @p2 s8, s0  }
0x1a3: {  	v2 =	vsel vm13, $0x3F666677, v0;
	s0 =	sshrl.u32 @p2 s0, $0x3  }
0x1a4: {  	[tilespmem:$0xC380] =	vst v2;
	s0 =	sadd.s32 @p2 s2, s0  }
0x1a5: {  	[hbm4b:s0+s3] =	stream.linear.scatter @p2 [tilespmem:s28], [sflag:$0x1], $0x10, $0x38;
	[tilespmem:$0xD400] =	vst v63  }
0x1a6: {  	_ =	swait.ge @p2 [sflag:s25], $0x10  }
0x1a7: {  	[sflag:s25] =	ssyncset.done @p2 $0x0  }
0x1a8: {  	[sflag:s25] =	ssyncadd.s32 @p2 $0xFFFFFFF0  }
0x1a9: {  	v2 =	vld [tilespmem:s18+$0xC400]  }
0x1aa: {  	v3 =	vld [tilespmem:s18+$0xCC00];
	_ =	sdelay $0x3  }
0x1ab: {  	(v2sf) =	vpush v2, $0x0  }
0x1ac: {  	(v2sf) =	vpush v3, $0x0  }
0x1ad: {  	(v2sf) =	vpush v2, $0x1;
	_ =	sdelay $0x1  }
0x1ae: {  	(v2sf) =	vpush v3, $0x1  }
0x1af: {  	(v2sf) =	vpush v2, $0x2;
	_ =	sdelay $0x1  }
0x1b0: {  	(v2sf) =	vpush v3, $0x2  }
0x1b1: {  	(v2sf) =	vpush v2, $0x3;
	_ =	sdelay $0x1  }
0x1b2: {  	(v2sf) =	vpush v3, $0x3  }
0x1b3: {  	(v2sf) =	vpush v2, $0x4;
	_ =	sdelay $0x1  }
0x1b4: {  	(v2sf) =	vpush v3, $0x4  }
0x1b5: {  	(v2sf) =	vpush v2, $0x5  }
0x1b6: {  	s0 =	spop (v2sf)  }
0x1b7: {  	s8 =	spop (v2sf);
	(v2sf) =	vpush v3, $0x5  }
0x1b8: {  	s10 =	spop (v2sf);
	(v2sf) =	vpush v2, $0x6  }
0x1b9: {  	p2 =	sgt.f32 s10, s0  }
0x1ba: {  	s11 =	spop (v2sf);
	(v2sf) =	vpush v3, $0x6  }
0x1bb: {  	s12 =	spop (v2sf);
	s0 =	smov.u32 @p2 s10  }
0x1bc: {  	p3 =	sgt.f32 s12, s0  }
0x1bd: {  	s10 =	spop (v2sf)  }
0x1be: {  	s24 =	spop (v2sf);
	s0 =	smov.u32 @p3 s12  }
0x1bf: {  	p4 =	sgt.f32 s24, s0  }
0x1c0: {  	s12 =	spop (v2sf)  }
0x1c1: {  	s0 =	smov.u32 @p4 s24;
	s24 =	spop (v2sf)  }
0x1c2: {  	p5 =	sgt.f32 s24, s0  }
0x1c3: {  	s8 =	smov.u32 @p2 s11;
	s11 =	spop (v2sf)  }
0x1c4: {  	s0 =	smov.u32 @p5 s24;
	s24 =	spop (v2sf)  }
0x1c5: {  	p2 =	sgt.f32 s24, s0  }
0x1c6: {  	s8 =	smov.u32 @p3 s10;
	s10 =	spop (v2sf)  }
0x1c7: {  	s8 =	smov.u32 @p4 s12;
	s0 =	smov.u32 @p2 s24;
	s24 =	spop (v2sf)  }
0x1c8: {  	s8 =	smov.u32 @p5 s11;
	p3 =	sgt.f32 s24, s0  }
0x1c9: {  	s8 =	smov.u32 @p2 s10;
	s0 =	spop (v2sf)  }
0x1ca: {  	s8 =	smov.u32 @p3 s0  }
0x1cb: {  	s0 =	sshra.s32 s8, $0x1F  }
0x1cc: {  	s0 =	sshrl.u32 s0, $0x1C  }
0x1cd: {  	s0 =	sadd.s32 s0, s8  }
0x1ce: {  	s0 =	sand.u32 $0xFFFFFFF0, s0  }
0x1cf: {  	p5 =	slt.s32 s0, $0xC300;
	p6 =	sgt.s32 s0, $0xC2FF  }
0x1d0: {  	p2 =	por !p0, !p5;
	p3 =	por !p1, !p6  }
0x1d1: {  	p2 =	por !p2, !p2;
	p3 =	por !p3, !p3  }
0x1d2: {  	s8 =	ssub.s32 s8, s0;
	p2 =	por p2, p3  }
0x1d3: {  	v2 =	vmov s8;
	s8 =	sld @p2 [smem:$0x7FC];
	_ =	sdelay $0x2  }
0x1d4: {  	vm14 =	veq.s32 v2, v1;
	s0 =	sadd.s32 @p2 s8, s0  }
0x1d5: {  	v2 =	vsel vm14, $0x3F666677, v0;
	s0 =	sshrl.u32 @p2 s0, $0x3  }
0x1d6: {  	[tilespmem:$0xC380] =	vst v2;
	s0 =	sadd.s32 @p2 s2, s0  }
0x1d7: {  	[hbm4b:s0+s3] =	stream.linear.scatter @p2 [tilespmem:s28], [sflag:$0x1], $0x10, $0x38;
	[tilespmem:$0xD400] =	vst v63  }
0x1d8: {  	_ =	swait.ge @p2 [sflag:s25], $0x10  }
0x1d9: {  	[sflag:s25] =	ssyncset.done @p2 $0x0  }
0x1da: {  	[sflag:s25] =	ssyncadd.s32 @p2 $0xFFFFFFF0  }
0x1db: {  	v2 =	vld [tilespmem:s7+$0xC400]  }
0x1dc: {  	v3 =	vld [tilespmem:s7+$0xCC00];
	_ =	sdelay $0x3  }
0x1dd: {  	(v2sf) =	vpush v2, $0x0  }
0x1de: {  	(v2sf) =	vpush v3, $0x0  }
0x1df: {  	(v2sf) =	vpush v2, $0x1;
	_ =	sdelay $0x1  }
0x1e0: {  	(v2sf) =	vpush v3, $0x1  }
0x1e1: {  	(v2sf) =	vpush v2, $0x2;
	_ =	sdelay $0x1  }
0x1e2: {  	(v2sf) =	vpush v3, $0x2  }
0x1e3: {  	(v2sf) =	vpush v2, $0x3;
	_ =	sdelay $0x1  }
0x1e4: {  	(v2sf) =	vpush v3, $0x3  }
0x1e5: {  	(v2sf) =	vpush v2, $0x4;
	_ =	sdelay $0x1  }
0x1e6: {  	(v2sf) =	vpush v3, $0x4  }
0x1e7: {  	(v2sf) =	vpush v2, $0x5  }
0x1e8: {  	s0 =	spop (v2sf)  }
0x1e9: {  	(v2sf) =	vpush v3, $0x5;
	s8 =	spop (v2sf)  }
0x1ea: {  	(v2sf) =	vpush v2, $0x6;
	s10 =	spop (v2sf)  }
0x1eb: {  	p2 =	sgt.f32 s10, s0  }
0x1ec: {  	(v2sf) =	vpush v3, $0x6;
	s11 =	spop (v2sf)  }
0x1ed: {  	s12 =	spop (v2sf);
	s0 =	smov.u32 @p2 s10  }
0x1ee: {  	p3 =	sgt.f32 s12, s0  }
0x1ef: {  	s10 =	spop (v2sf)  }
0x1f0: {  	s24 =	spop (v2sf);
	s0 =	smov.u32 @p3 s12  }
0x1f1: {  	p4 =	sgt.f32 s24, s0  }
0x1f2: {  	s12 =	spop (v2sf)  }
0x1f3: {  	s0 =	smov.u32 @p4 s24;
	s24 =	spop (v2sf)  }
0x1f4: {  	p5 =	sgt.f32 s24, s0  }
0x1f5: {  	s8 =	smov.u32 @p2 s11;
	s11 =	spop (v2sf)  }
0x1f6: {  	s0 =	smov.u32 @p5 s24;
	s24 =	spop (v2sf)  }
0x1f7: {  	p2 =	sgt.f32 s24, s0  }
0x1f8: {  	s8 =	smov.u32 @p3 s10;
	s10 =	spop (v2sf)  }
0x1f9: {  	s8 =	smov.u32 @p4 s12;
	s0 =	smov.u32 @p2 s24;
	s24 =	spop (v2sf)  }
0x1fa: {  	s8 =	smov.u32 @p5 s11;
	p3 =	sgt.f32 s24, s0  }
0x1fb: {  	s8 =	smov.u32 @p2 s10;
	s0 =	spop (v2sf)  }
0x1fc: {  	s8 =	smov.u32 @p3 s0  }
0x1fd: {  	s0 =	sshra.s32 s8, $0x1F  }
0x1fe: {  	s0 =	sshrl.u32 s0, $0x1C  }
0x1ff: {  	s0 =	sadd.s32 s0, s8  }
0x200: {  	s0 =	sand.u32 $0xFFFFFFF0, s0  }
0x201: {  	p4 =	slt.s32 s0, $0xC300;
	p5 =	sgt.s32 s0, $0xC2FF  }
0x202: {  	p2 =	por !p0, !p4;
	p6 =	por !p1, !p5  }
0x203: {  	p2 =	por !p2, !p2;
	p1 =	por !p6, !p6  }
0x204: {  	s8 =	ssub.s32 s8, s0;
	p1 =	por p2, p1  }
0x205: {  	v2 =	vmov s8;
	s8 =	sld @p1 [smem:$0x7FD];
	_ =	sdelay $0x2  }
0x206: {  	vm15 =	veq.s32 v2, v1;
	s0 =	sadd.s32 @p1 s8, s0  }
0x207: {  	v2 =	vsel vm15, $0x3F666677, v0;
	s0 =	sshrl.u32 @p1 s0, $0x3  }
0x208: {  	[tilespmem:$0xC380] =	vst v2;
	s0 =	sadd.s32 @p1 s2, s0  }
0x209: {  	[hbm4b:s0+s3] =	stream.linear.scatter @p1 [tilespmem:s28], [sflag:$0x1], $0x10, $0x38;
	[tilespmem:$0xD400] =	vst v63  }
0x20a: {  	_ =	swait.ge @p1 [sflag:s25], $0x10  }
0x20b: {  	s1 =	sadd.s32 $0x1, s1;
	[sflag:s25] =	ssyncset.done @p1 $0x0  }
0x20c: {  	[sflag:s25] =	ssyncadd.s32 @p1 $0xFFFFFFF0;
	p1 =	sne.s32 s1, s23  }
.Ltmp1:
0x20d: {  	_ = 	snop;
	(pc) =	sbr.rel @!p1 .LBB2_9-.Ltmp1, $1  }
0x20e: {  	_ =	sdelay $0x3  }
.LBB2_1:
0x20f: {  	s0 =	simm.s32 $0xC400  }
0x210: {  	[tilespmem:s0], [sflag:$0x1] =	stream.linear.gather [hbm4b:s5+s3], $0x800, $0x38;
	[tilespmem:$0xD400] =	vst v63  }
0x211: {  	_ =	swait.ge [sflag:s25], $0x800  }
0x212: {  	[sflag:s25] =	ssyncset.done $0x0  }
0x213: {  	[sflag:s25] =	ssyncadd.s32 $0xFFFFF800  }
0x214: {  	[tilespmem:s26], [sflag:$0x1] =	stream.linear.gather [hbm4b:s6+s3], $0x800, $0x38;
	[tilespmem:$0xD400] =	vst v63  }
0x215: {  	_ =	swait.ge [sflag:s25], $0x800  }
0x216: {  	[sflag:s25] =	ssyncset.done $0x0  }
0x217: {  	s0 =	simm.s32 $0x0;
	[sflag:s25] =	ssyncadd.s32 $0xFFFFF800  }
.LBB2_2:
0x218: {  	p1 =	sne.s32 s0, $0x185C0  }
.Ltmp2:
0x219: {  	_ = 	snop;
	(pc) =	sbr.rel @p1 .LBB2_2-.Ltmp2, $3  }
0x21a: {  	_ =	sdelay $0x1  }
0x21b: {  	s8 =	sshra.s32 s0, $0x2  }
0x21c: {  	s0 =	sadd.s32 $0x40, s0;
	[tilespmem:s8+$0x0] =	vst v0  }
0x21d: {  	s0 =	simm.s32 $0x40;
	s8 =	simm.s32 $0x0  }
.LBB2_4:
0x21e: {  	p1 =	sne.s32 s0, $0x18700;
	[tilespmem:s8+$0x6180] =	vst v0;
	s8 =	smov.u32 s0;
	s0 =	sadd.s32 $0x40, s0  }
.Ltmp3:
0x21f: {  	(pc) =	sbr.rel @p1 .LBB2_4-.Ltmp3, $2  }
0x220: {  	_ =	sdelay $0x2  }
0x221: {  	s8 =	sshra.s32 s8, $0x2  }
.Ltmp4:
0x222: {  	(pc) =	sbr.rel @p0 .LBB2_10-.Ltmp4, $2  }
0x223: {  	_ =	sdelay $0x2  }
0x224: {  	[tilespmem:s8+$0x6180] =	vst v0  }
0x225: {  	s0 =	rddreg [dreg:$0x3]  }
0x226: {  	p2 =	seq.s32 s0, $0x1  }
.Ltmp5:
0x227: {  	_ = 	snop;
	(pc) =	sbr.rel @!p2 .LBB2_8-.Ltmp5, $2  }
0x228: {  	_ =	sdelay $0x2  }
0x229: {  	p1 =	por $0x0, $0x0  }
0x22a: {  	s0 =	rddreg [dreg:$0x4]  }
0x22b: {  	[hbm4b:s0+s3] =	stream.linear.scatter [tilespmem:s29], [sflag:$0x1], $0x61D0, $0x38;
	[tilespmem:$0xD400] =	vst v63  }
0x22c: {  	_ =	swait.ge [sflag:s25], $0x61D0  }
0x22d: {  	[sflag:s25] =	ssyncset.done $0x0  }
0x22e: {  	s8 =	rddreg [dreg:$0x5];
	[sflag:s25] =	ssyncadd.s32 $0xFFFF9E30  }
0x22f: {  	[hbm4b:s8+s3] =	stream.linear.scatter [tilespmem:s29], [sflag:$0x1], $0x61D0, $0x38;
	[tilespmem:$0xD400] =	vst v63  }
0x230: {  	_ =	swait.ge [sflag:s25], $0x61D0  }
0x231: {  	[sflag:s25] =	ssyncset.done $0x0  }
0x232: {  	s10 =	rddreg [dreg:$0x6];
	[sflag:s25] =	ssyncadd.s32 $0xFFFF9E30  }
0x233: {  	[hbm4b:s10+s3] =	stream.linear.scatter [tilespmem:s29], [sflag:$0x1], $0x61D0, $0x38;
	[tilespmem:$0xD400] =	vst v63  }
0x234: {  	_ =	swait.ge [sflag:s25], $0x61D0  }
0x235: {  	[sflag:s25] =	ssyncset.done $0x0  }
0x236: {  	s11 =	rddreg [dreg:$0x7];
	[sflag:s25] =	ssyncadd.s32 $0xFFFF9E30  }
0x237: {  	[hbm4b:s11+s3] =	stream.linear.scatter [tilespmem:s29], [sflag:$0x1], $0x61D0, $0x38;
	[tilespmem:$0xD400] =	vst v63  }
0x238: {  	_ =	swait.ge [sflag:s25], $0x61D0  }
0x239: {  	[sflag:s25] =	ssyncset.done $0x0  }
0x23a: {  	s12 =	rddreg [dreg:$0x8];
	[sflag:s25] =	ssyncadd.s32 $0xFFFF9E30  }
0x23b: {  	[hbm4b:s12+s3] =	stream.linear.scatter [tilespmem:s29], [sflag:$0x1], $0x61D0, $0x38;
	[tilespmem:$0xD400] =	vst v63  }
0x23c: {  	_ =	swait.ge [sflag:s25], $0x61D0  }
0x23d: {  	[sflag:s25] =	ssyncset.done $0x0  }
0x23e: {  	s24 =	rddreg [dreg:$0x9];
	[sflag:s25] =	ssyncadd.s32 $0xFFFF9E30  }
0x23f: {  	[hbm4b:s24+s3] =	stream.linear.scatter [tilespmem:s29], [sflag:$0x1], $0x61D0, $0x38;
	[tilespmem:$0xD400] =	vst v63  }
0x240: {  	_ =	swait.ge [sflag:s25], $0x61D0  }
0x241: {  	[sflag:s25] =	ssyncset.done $0x0  }
0x242: {  	s8 =	rddreg [dreg:$0xa];
	[sflag:s25] =	ssyncadd.s32 $0xFFFF9E30  }
0x243: {  	[hbm4b:s8+s3] =	stream.linear.scatter [tilespmem:s29], [sflag:$0x1], $0x61D0, $0x38;
	[tilespmem:$0xD400] =	vst v63  }
0x244: {  	_ =	swait.ge [sflag:s25], $0x61D0  }
0x245: {  	[sflag:s25] =	ssyncset.done $0x0  }
0x246: {  	s10 =	rddreg [dreg:$0xb];
	[sflag:s25] =	ssyncadd.s32 $0xFFFF9E30  }
0x247: {  	[hbm4b:s10+s3] =	stream.linear.scatter [tilespmem:s29], [sflag:$0x1], $0x61D0, $0x38;
	[tilespmem:$0xD400] =	vst v63  }
0x248: {  	_ =	swait.ge [sflag:s25], $0x61D0  }
0x249: {  	[sflag:s25] =	ssyncset.done $0x0  }
0x24a: {  	s11 =	rddreg [dreg:$0xc];
	[sflag:s25] =	ssyncadd.s32 $0xFFFF9E30  }
0x24b: {  	[hbm4b:s11+s3] =	stream.linear.scatter [tilespmem:s29], [sflag:$0x1], $0x61D0, $0x38;
	[tilespmem:$0xD400] =	vst v63  }
0x24c: {  	_ =	swait.ge [sflag:s25], $0x61D0  }
0x24d: {  	[sflag:s25] =	ssyncset.done $0x0  }
0x24e: {  	s12 =	rddreg [dreg:$0xd];
	[sflag:s25] =	ssyncadd.s32 $0xFFFF9E30  }
0x24f: {  	[hbm4b:s12+s3] =	stream.linear.scatter [tilespmem:s29], [sflag:$0x1], $0x61D0, $0x38;
	[tilespmem:$0xD400] =	vst v63  }
0x250: {  	_ =	swait.ge [sflag:s25], $0x61D0  }
0x251: {  	[sflag:s25] =	ssyncset.done $0x0  }
0x252: {  	s24 =	rddreg [dreg:$0xe];
	[sflag:s25] =	ssyncadd.s32 $0xFFFF9E30  }
0x253: {  	[hbm4b:s24+s3] =	stream.linear.scatter [tilespmem:s29], [sflag:$0x1], $0x61D0, $0x38;
	[tilespmem:$0xD400] =	vst v63  }
0x254: {  	_ =	swait.ge [sflag:s25], $0x61D0  }
0x255: {  	[sflag:s25] =	ssyncset.done $0x0  }
0x256: {  	s8 =	rddreg [dreg:$0xf];
	[sflag:s25] =	ssyncadd.s32 $0xFFFF9E30  }
0x257: {  	[hbm4b:s8+s3] =	stream.linear.scatter [tilespmem:s29], [sflag:$0x1], $0x61D0, $0x38;
	[tilespmem:$0xD400] =	vst v63  }
0x258: {  	_ =	swait.ge [sflag:s25], $0x61D0  }
0x259: {  	[sflag:s25] =	ssyncset.done $0x0  }
0x25a: {  	s10 =	rddreg [dreg:$0x10];
	[sflag:s25] =	ssyncadd.s32 $0xFFFF9E30  }
0x25b: {  	[hbm4b:s10+s3] =	stream.linear.scatter [tilespmem:s29], [sflag:$0x1], $0x61D0, $0x38;
	[tilespmem:$0xD400] =	vst v63  }
0x25c: {  	_ =	swait.ge [sflag:s25], $0x61D0  }
0x25d: {  	[sflag:s25] =	ssyncset.done $0x0  }
0x25e: {  	s11 =	rddreg [dreg:$0x11];
	[sflag:s25] =	ssyncadd.s32 $0xFFFF9E30  }
0x25f: {  	[hbm4b:s11+s3] =	stream.linear.scatter [tilespmem:s29], [sflag:$0x1], $0x61D0, $0x38;
	[tilespmem:$0xD400] =	vst v63  }
0x260: {  	_ =	swait.ge [sflag:s25], $0x61D0  }
0x261: {  	[sflag:s25] =	ssyncset.done $0x0  }
0x262: {  	s12 =	rddreg [dreg:$0x12];
	[sflag:s25] =	ssyncadd.s32 $0xFFFF9E30  }
0x263: {  	[hbm4b:s12+s3] =	stream.linear.scatter [tilespmem:s29], [sflag:$0x1], $0x61D0, $0x38;
	[tilespmem:$0xD400] =	vst v63  }
0x264: {  	_ =	swait.ge [sflag:s25], $0x61D0  }
0x265: {  	[sflag:s25] =	ssyncset.done $0x0  }
.Ltmp6:
0x266: {  	s24 =	rddreg [dreg:$0x13];
	[sflag:s25] =	ssyncadd.s32 $0xFFFF9E30;
	(pc) =	sbr.rel .LBB2_8-.Ltmp6, $4  }
0x267: {  	[hbm4b:s24+s3] =	stream.linear.scatter [tilespmem:s29], [sflag:$0x1], $0x61D0, $0x38;
	[tilespmem:$0xD400] =	vst v63  }
0x268: {  	_ =	swait.ge [sflag:s25], $0x61D0  }
0x269: {  	[sflag:s25] =	ssyncset.done $0x0  }
0x26a: {  	p1 =	por $0x1, $0x1;
	[sflag:s25] =	ssyncadd.s32 $0xFFFF9E30  }
.LBB2_9:
0x26b: {  	_ =	sfence.sel $0x180000  }
0x26c: {  	[bflag:$0x0] =	sbarrier.arrive $0xFFFF  }
0x26d: {  	_ =	strace $0x90000047  }
0x26e: {  	s0 =	stileid.u32;
	[bflag:$0x2] =	sbarrier.arrive $0xFFFF  }
0x26f: {  	p0 =	sne.s32 s0, $0x0;
	s0 =	rddreg [dreg:$0x2]  }
0x270: {  	s0 =	sadd.s32 @!p0 $0x100000, s0  }
0x271: {  	[sflag:s0] =	ssyncadd.tile.s32 @!p0 $0x1;
	_ =	shalt  }
.Lfunc_end2:
_tile_overlayer_lowered:
.L_overlay_start_2:
0x272: {  	(tag) =	ssettag $0x2  }
0x273: {  	s0 =	rddreg [dreg:$0x0];
	s2 =	stileid.u32  }
0x274: {  	s1 =	rddreg [dreg:$0x1];
	p0 =	sne.s32 s2, $0x0  }
0x275: {  	s3 =	rddreg [dreg:$0x2];
	[bflag:$0x3] =	sbarrier.arrive $0xFFFF;
	s2 =	simm.s32 @!p0 $0x1C01  }
0x276: {  	[timem:s3], [sflag:s2] =	dma.local @!p0 [hbm:s0], s1  }
0x277: {  	s0 =	simm.s32 @!p0 $0x1  }
0x278: {  	_ =	swait.ge @!p0 [sflag:s0], s1  }
0x279: {  	s1 =	ssub.s32 @!p0 $0x0, s1;
	[sflag:s0] =	ssyncset.done @!p0 $0x0  }
0x27a: {  	[sflag:s0] =	ssyncadd.s32 @!p0 s1  }
0x27b: {  	[bflag:$0x3] =	sbarrier.arrive $0xFFFF  }
0x27c: {  	_ =	shalt  }

// kernel: sparse-core-data-format-call.cloned.1.call-start
scs
called_computation_lowered:
.L_overlay_start_0:
0x0: {  	s2 =	sld [smem:$0x3FD9]  }
0x1: {  	s3 =	sld [smem:$0x3FFE];
	_ =	sdelay $0x1  }
0x2: {  	s1 =	srdreg.scid  }
0x3: {  	s0 =	sand.u32 $0x1, s1  }
0x4: {  	s15 =	sshll.u32 s0, $0xA;
	s2 =	sadd.s32 s3, s2  }
0x5: {  	s2 =	sadd.s32 s2, s15  }
0x6: {  	[smem:$0x3FC7] =	sst s2  }
0x7: {  	_ = 	snop  }
0x8: {  	s2 =	sld [smem:$0x3FD0];
	_ =	sdelay $0x2  }
0x9: {  	s16 =	simm.s32 $0xA;
	s4 =	simm.s32 $0x10  }
0xa: {  	[smem:s4], [sflag:s16] =	dma.local [hbm:s2], $0x1  }
0xb: {  	_ =	swait.eq [sflag:s16], $0x1  }
0xc: {  	[sflag:s16] =	ssyncset.done $0x0  }
0xd: {  	[sflag:s16] =	ssyncadd.s32 $0xFFFFFFFF  }
0xe: {  	s17 =	sld [smem:$0x13];
	(tm) =	ssettm $0x1  }
0xf: {  	s18 =	sld [smem:$0x3FFB];
	_ =	sdelay $0x3  }
0x10: {  	_ =	strace s18  }
0x11: {  	s3 =	sld [smem:$0x3FFC];
	_ =	sdelay $0x3  }
0x12: {  	_ =	strace s3  }
0x13: {  	s3 =	sld [smem:$0x3FFD];
	_ =	sdelay $0x3  }
0x14: {  	_ =	strace s3  }
0x15: {  	_ =	strace $0x8FFFFFFF  }
0x16: {  	s19 =	sld [smem:$0x3FDB];
	_ =	sdelay $0x1  }
0x17: {  	s20 =	simm.s32 $_scs_section_size  }
0x18: {  	s5 =	simm.s32 $_size__tile_overlayer_lowered;
	s6 =	simm.s32 $_tile_overlayer_lowered  }
0x19: {  	s23 =	simm.s32 $0x1BFF;
	s22 =	sshll.u32 s6, $0x1;
	s3 =	sadd.s32 s20, s19  }
0x1a: {  	s7 =	simm.s32 $0x0;
	s21 =	sshll.u32 s5, $0x1;
	s5 =	sadd.s32 s22, s3  }
0x1b: {  	[timem:s7], [sflag:s23] =	dma.local [hbm:s5], s21  }
0x1c: {  	_ =	swait.ge [sflag:s23], s21  }
0x1d: {  	s4 =	ssub.s32 $0x0, s21;
	[sflag:s23] =	ssyncset.done $0x0  }
0x1e: {  	[sflag:s23] =	ssyncadd.s32 s4;
	_ =	sdelay $0x1  }
0x1f: {  	s24 =	simm.s32 $0x1B8B  }
0x20: {  	_ =	swait.ge [sflag:s24], $0x1  }
0x21: {  	[sflag:s24] =	ssyncset.done $0x0  }
0x22: {  	s26 =	simm.s32 $0x1B8E;
	s25 =	sld [smem:$0x3FFE];
	[sflag:s24] =	ssyncadd.s32 $0xFFFFFFFF  }
0x23: {  	s27 =	simm.s32 $execute0_lowered;
	[smem:$0x3FD2] =	sst s26  }
0x24: {  	s5 =	sshll.u32 s27, $0x1;
	_ =	strace $0x80000049;
	[dreg:$0x1] =	wrdreg $0xFFFFFFFF  }
0x25: {  	s28 =	simm.s32 $_size_execute0_lowered;
	s3 =	sadd.s32 s3, s5;
	[dreg:$0x0] =	wrdreg $0x0  }
0x26: {  	s5 =	sshll.u32 s28, $0x1;
	[dreg:$0x2] =	wrdreg s3  }
0x27: {  	[dreg:$0x3] =	wrdreg s5  }
0x28: {  	[dreg:$0x4] =	wrdreg $0xC0  }
0x29: {  	_ =	task [dreg:s7], $0x5FFFF  }
0x2a: {  	[dreg:$0x1] =	wrdreg $0xFFFFFFFF  }
0x2b: {  	[dreg:$0x0] =	wrdreg $0x60  }
0x2c: {  	[dreg:$0x2] =	wrdreg s25  }
0x2d: {  	[dreg:$0x3] =	wrdreg s17  }
0x2e: {  	[dreg:$0x4] =	wrdreg $0x9  }
0x2f: {  	_ =	task.clear_ibuf [dreg:s7], $0x5FFFF;
	_ =	strace $0x90000049  }
0x30: {  	s29 =	simm.s32 $0x9;
	_ =	strace $0x8000004B  }
0x31: {  	_ =	swait.ge [sflag:s29], $0x1  }
0x32: {  	[sflag:s29] =	ssyncadd.s32 $0xFFFFFFFF  }
0x33: {  	_ =	strace $0x9000004B  }
0x34: {  	_ =	sfence  }
0x35: {  	s30 =	sld [smem:$0x0];
	_ =	sdelay $0x2  }
0x36: {  	s31 =	sshll.u32 s1, $0xD;
	s1 =	sshrl.u32 s1, $0x2  }
0x37: {  	s3 =	sand.u32 $0x4000, s31;
	s1 =	sadd.s32 s1, s30  }
0x38: {  	s0 =	sor.u32 s3, s0;
	s1 =	sshll.u32 s1, $0x11  }
0x39: {  	s0 =	sor.u32 s1, s0  }
0x3a: {  	s0 =	sadd.s32 $0x8F2B, s0  }
0x3b: {  	[sflag:s0] =	ssyncadd.remote.s32 $0x1  }
0x3c: {  	_ =	sfence.sel $0xFFFF  }
0x3d: {  	[dreg:$0x0] =	wrdreg $0xFFFFFFFF;
	(pc) =	sbr.abs _section_cstart, $3  }
0x3e: {  	[dreg:$0x1] =	wrdreg $0xFFFFFFFF  }
0x3f: {  	_ =	task.clear_ibuf [dreg:s7], $0x2FFFF;
	_ =	strace $0x9FFFFFFF  }
0x40: {  	(tm) =	ssettm $0x7FFFFFFF  }
0x41: {  	_ =	shalt  }
tec
execute0_lowered:
.L_overlay_start_1:
0x0: {  	(tag) =	ssettag $0x1  }
0x1: {  	s4 =	rddreg [dreg:$0x0]  }
0x2: {  	s0 =	srdreg.scid;
	s2 =	rddreg [dreg:$0x1]  }
0x3: {  	s1 =	stileid.u32;
	s5 =	simm.s32 $0x1;
	s7 =	simm.s32 $0x2  }
0x4: {  	s14 =	simm.s32 $0x0;
	p0 =	por $0x0, $0x0;
	s0 =	sshll.u32 s0, $0x4  }
0x5: {  	s13 =	simm.s32 $0x0;
	s8 =	simm.s32 $0x0;
	s3 =	sand.u32 $0x10, s0  }
.Ltmp0:
0x6: {  	s9 =	simm.s32 $0x0;
	s3 =	sor.u32 s1, s3;
	(pc) =	sbr.rel .LBB1_1-.Ltmp0, $4  }
0x7: {  	s11 =	simm.s32 $0x0;
	s12 =	simm.s32 $0x0;
	s3 =	sshll.u32 s3, $0x7  }
0x8: {  	s0 =	rddreg [dreg:$0x2];
	_ =	strace $0x8000004A;
	s6 =	ssub.s32 $0x18680, s3  }
0x9: {  	s4 =	sadd.s32 $0x7000, s4;
	[sflag:s5] =	ssyncpa.u1 $0x0;
	s6 =	sshrl.u32 s6, $0xC  }
0xa: {  	[sflag:s7] =	ssyncpa.u1 $0x0;
	s10 =	smov.u32 s3;
	s7 =	sadd.s32 $0x2, s6  }
.LBB1_5:
0xb: {  	p1 =	slt.u32 s12, $0x2  }
0xc: {  	p2 =	sgt.s32 @!p1 s14, $0x18620  }
0xd: {  	s15 =	smov.u32 s14;
	s16 =	sshra.s32 @!p1 s14, $0x1F;
	p2 =	por !p2, p1  }
0xe: {  	s14 =	sand.u32 @!p1 s16, s14;
	s15 =	simm.s32 @p2 $0x18620  }
0xf: {  	s14 =	ssub.s32 @!p1 s15, s14;
	s15 =	ssub.s32 @!p1 $0x0, s13  }
0x10: {  	s17 =	smov.u32 s11;
	s16 =	sadd.s32 @!p1 $0xFFFE79E0, s14;
	s13 =	smin.u32 @!p1 s13, s15  }
0x11: {  	s14 =	ssub.s32 @!p1 $0x186A0, s14;
	p2 =	sgt.s32 @!p1 s16, $0x7F;
	p3 =	sgt.s32 @!p1 s13, $0x7F  }
0x12: {  	s13 =	ssub.s32 @!p1 $0x80, s13;
	p2 =	por !p2, p1;
	p3 =	por !p3, p1  }
0x13: {  	s15 =	sadd.s32 $0x1000, s10;
	s14 =	simm.s32 @!p2 $0x0;
	s13 =	simm.s32 @!p3 $0x0  }
0x14: {  	p2 =	sgt.s32 s15, $0x1869F;
	s13 =	smul.u32 @!p1 s13, s14;
	s14 =	sadd.s32 $0x80, s11  }
0x15: {  	s17 =	smov.u32 @p2 s14  }
0x16: {  	s15 =	smov.u32 @p2 s3;
	p2 =	sgt.s32 s17, $0x7F  }
0x17: {  	s17 =	simm.s32 @p2 $0x0;
	p2 =	sne.s32 s12, s7  }
.Ltmp1:
0x18: {  	p0 =	por !p0, !p0;
	s16 =	simm.s32 @!p1 $0x2;
	(pc) =	sbr.rel @!p2 .LBB1_6-.Ltmp1, $4  }
0x19: {  	s14 =	smov.u32 s8;
	s8 =	smov.u32 s10;
	s13 =	sand.u32 @!p1 $0x3FFFFFFF, s13  }
0x1a: {  	s10 =	smov.u32 s15;
	_ =	swait.ge @!p1 [sflag:s16], s13;
	s18 =	ssub.s32 @!p1 $0x0, s13  }
0x1b: {  	s13 =	smov.u32 s9;
	s12 =	sadd.s32 $0x1, s12;
	[sflag:s16] =	ssyncset.done @!p1 $0x0  }
0x1c: {  	s9 =	smov.u32 s11;
	s11 =	smov.u32 s17;
	[sflag:s16] =	ssyncadd.s32 @!p1 s18  }
.LBB1_1:
0x1d: {  	p1 =	sgt.u32 s12, s6  }
0x1e: {  	s15 =	sshrl.u32 @!p1 s11, $0x3  }
0x1f: {  	s16 =	sshll.u32 @!p1 s10, $0x3;
	s15 =	smul.u32 @!p1 $0xC3800, s15  }
0x20: {  	s17 =	sshll.u32 @!p1 s11, $0x7;
	s16 =	sand.u32 @!p1 $0xFFFFFC00, s16  }
0x21: {  	s15 =	sadd.s32 @!p1 s15, s16;
	s16 =	sand.u32 @!p1 $0x380, s17  }
0x22: {  	s17 =	sand.u32 @!p1 $0x7F, s10;
	s15 =	sor.u32 @!p1 s16, s15  }
0x23: {  	s16 =	sor.u32 @!p1 s17, s15  }
0x24: {  	s17 =	smulhi.u32 @!p1 $0xA79C7B17, s16;
	_ =	sdelay $0x1  }
0x25: {  	s15 =	smulhi.u32 @!p1 $0xA79C7B17, s15;
	s17 =	sshrl.u32 @!p1 s17, $0x10  }
0x26: {  	s17 =	smul.u32 @!p1 $0x18700, s17  }
0x27: {  	s18 =	sxor.u32 @!p1 $0xFFFFFFFF, s12;
	s15 =	sshrl.u32 @!p1 s15, $0x10  }
0x28: {  	s18 =	sshll.u32 @!p1 s18, $0xE;
	s15 =	sand.u32 @!p1 $0x7F, s15;
	s16 =	ssub.s32 @!p1 s16, s17  }
0x29: {  	s15 =	smul.u32 @!p1 $0x30E0, s15;
	s17 =	sshrl.u32 @!p1 s16, $0x3;
	s16 =	sand.u32 @!p1 $0x7, s16  }
0x2a: {  	s18 =	sand.u32 @!p1 $0x4000, s18;
	s17 =	sadd.s32 @!p1 s4, s17;
	s16 =	sshll.u32 @!p1 s16, $0x12  }
0x2b: {  	s15 =	sadd.s32 @!p1 s15, s17;
	s16 =	sor.u32 @!p1 $0x400, s16;
	s17 =	simm.s32 @!p1 $0xC3800  }
0x2c: {  	[tilespmem:s18], [sflag:$0x1] =	stream.strided.gather @!p1 [hbm4b:s15+s16], $0x4000, s17, s16, $0x38;
	[tilespmem:$0x10100] =	vst v63  }
0x2d: {  	p1 =	seq.s32 s12, $0x0  }
0x2e: {  	p2 =	sge.u32 @!p1 s12, s7  }
0x2f: {  	p1 =	por p1, p2  }
.Ltmp2:
0x30: {  	_ = 	snop;
	(pc) =	sbr.rel @p1 .LBB1_5-.Ltmp2, $1  }
0x31: {  	_ =	sdelay $0x3  }
0x32: {  	s15 =	simm.s32 $0x1  }
0x33: {  	_ =	swait.ge [sflag:s5], $0x4000;
	s15 =	simm.s32 @!p0 $0x0  }
0x34: {  	[sflag:s5] =	ssyncset.done $0x0;
	s16 =	sshll.u32 s15, $0xE  }
0x35: {  	[sflag:s5] =	ssyncadd.s32 $0xFFFFC000;
	s16 =	sor.u32 $0x40, s16  }
0x36: {  	s15 =	smul.u32 $0x10200, s15;
	v0 =	vld [tilespmem:s16+$0x30]  }
0x37: {  	v1 =	vld [tilespmem:s16+$0xFFFFFFD0]  }
0x38: {  	s15 =	sshrl.u32 s15, $0x2;
	v5 =	vld [tilespmem:s16+$0xFFFFFFE0]  }
0x39: {  	v6 =	vld [tilespmem:s16+$0xFFFFFFF0];
	s18 =	sor.u32 $0x8000, s15  }
0x3a: {  	s31 =	sand.u32 $0x1, s12;
	v4 =	vld [tilespmem:s16+$0x0];
	s17 =	sadd.s32 $0x0, s18  }
0x3b: {  	v3 =	vld [tilespmem:s16+$0x10];
	s15 =	smul.u32 $0x10200, s31;
	[tilespmem:s17+$0x3870 ss:$0x81] =	vst.msk $0xffff, v0  }
0x3c: {  	v2 =	vld [tilespmem:s16+$0x20];
	[tilespmem:s17+$0x810 ss:$0x81] =	vst.msk $0xffff, v1  }
0x3d: {  	s15 =	sshrl.u32 s15, $0x2;
	v0 =	vld [tilespmem:s16+$0xFFFFFFC0];
	[tilespmem:s17+$0x1020 ss:$0x81] =	vst.msk $0xffff, v5;
	s16 =	sadd.s32 $0x80, s16  }
0x3e: {  	s19 =	simm.s32 $0x4;
	s20 =	simm.s32 $0x8;
	s15 =	sor.u32 $0x8000, s15;
	[tilespmem:s17+$0x1830 ss:$0x81] =	vst.msk $0xffff, v6;
	v1 =	vld [tilespmem:s16+$0x30]  }
.LBB1_3:
0x3f: {  	p1 =	sne.s32 s20, $0x1FC;
	v5 =	vld [tilespmem:s16+$0xFFFFFFD0];
	[tilespmem:s17+$0x2040 ss:$0x81] =	vst.msk $0xffff, v4  }
0x40: {  	v6 =	vld [tilespmem:s16+$0xFFFFFFE0];
	[tilespmem:s17+$0x2850 ss:$0x81] =	vst.msk $0xffff, v3  }
0x41: {  	s21 =	sshra.s32 s19, $0x2;
	s19 =	smov.u32 s20;
	v7 =	vld [tilespmem:s16+$0xFFFFFFF0];
	[tilespmem:s17+$0x3060 ss:$0x81] =	vst.msk $0xffff, v2  }
.Ltmp3:
0x42: {  	v4 =	vld [tilespmem:s16+$0x0];
	[tilespmem:s17+$0x0 ss:$0x81] =	vst.msk $0xffff, v0;
	s17 =	sadd.s32 s21, s18;
	(pc) =	sbr.rel @p1 .LBB1_3-.Ltmp3, $4  }
0x43: {  	v3 =	vld [tilespmem:s16+$0x10];
	[tilespmem:s17+$0x3870 ss:$0x81] =	vst.msk $0xffff, v1  }
0x44: {  	[tilespmem:s17+$0x810 ss:$0x81] =	vst.msk $0xffff, v5;
	v2 =	vld [tilespmem:s16+$0x20]  }
0x45: {  	v0 =	vld [tilespmem:s16+$0xFFFFFFC0];
	[tilespmem:s17+$0x1020 ss:$0x81] =	vst.msk $0xffff, v6;
	s16 =	sadd.s32 $0x80, s16  }
0x46: {  	s20 =	sadd.s32 $0x4, s20;
	v1 =	vld [tilespmem:s16+$0x30];
	[tilespmem:s17+$0x1830 ss:$0x81] =	vst.msk $0xffff, v7  }
0x47: {  	s20 =	sshll.u32 s8, $0x7;
	s21 =	sshll.u32 s9, $0x3;
	s19 =	sshra.s32 s19, $0x2  }
0x48: {  	v5 =	vld [tilespmem:s16+$0xFFFFFFD0];
	[tilespmem:s17+$0x2040 ss:$0x81] =	vst.msk $0xffff, v4;
	p1 =	sgt.s32 s8, $0x18620;
	s22 =	sand.u32 $0xFFFFFC00, s20;
	s21 =	sand.u32 $0xFFFFFC00, s21  }
0x49: {  	v58 =	vld [tilespmem:s16+$0xFFFFFFE0];
	s24 =	sshra.s32 s8, $0x1F;
	s20 =	sand.u32 $0x380, s20;
	[tilespmem:s17+$0x2850 ss:$0x81] =	vst.msk $0xffff, v3;
	s21 =	sadd.s32 s21, s22  }
0x4a: {  	v59 =	vld [tilespmem:s16+$0xFFFFFFF0];
	s26 =	ssub.s32 $0x0, s9;
	s18 =	sadd.s32 s19, s18;
	[tilespmem:s17+$0x3060 ss:$0x81] =	vst.msk $0xffff, v2;
	s23 =	sor.u32 s20, s21  }
0x4b: {  	v60 =	vld [tilespmem:s16+$0x0];
	s28 =	smin.u32 s9, s26;
	s20 =	smov.u32 s8;
	[tilespmem:s17+$0x0 ss:$0x81] =	vst.msk $0xffff, v0;
	s19 =	sshrl.u32 s23, $0x7  }
0x4c: {  	v61 =	vld [tilespmem:s16+$0x10];
	s21 =	sand.u32 s24, s8;
	s20 =	simm.s32 @!p1 $0x18620;
	[tilespmem:s18+$0x3870 ss:$0x81] =	vst.msk $0xffff, v1;
	s25 =	smulhi.u32 $0x14F8B59, s19  }
0x4d: {  	v62 =	vld [tilespmem:s16+$0x20];
	s29 =	sshrl.u32 s9, $0x3;
	p2 =	sgt.s32 s28, $0x7F;
	s20 =	ssub.s32 s20, s21;
	[tilespmem:s18+$0x810 ss:$0x81] =	vst.msk $0xffff, v5  }
0x4e: {  	v63 =	vld [tilespmem:s16+$0xFFFFFFC0];
	[tilespmem:s18+$0x1020 ss:$0x81] =	vst.msk $0xffff, v58;
	s21 =	sadd.s32 $0xFFFE79E0, s20;
	s20 =	ssub.s32 $0x186A0, s20;
	s17 =	sshrl.u32 s25, $0x9  }
0x4f: {  	[tilespmem:s18+$0x1830 ss:$0x81] =	vst.msk $0xffff, v59;
	p1 =	sgt.s32 s21, $0x7F;
	s27 =	smul.u32 $0x186A0, s17;
	s17 =	ssub.s32 $0x80, s28  }
.Ltmp4:
0x50: {  	[tilespmem:s18+$0x2040 ss:$0x81] =	vst.msk $0xffff, v60;
	s20 =	simm.s32 @p1 $0x0;
	s17 =	simm.s32 @p2 $0x0;
	(pc) =	sbr.rel .LBB1_5-.Ltmp4, $4  }
0x51: {  	s30 =	sand.u32 $0xF, s29;
	[tilespmem:s18+$0x2850 ss:$0x81] =	vst.msk $0xffff, v61;
	s16 =	ssub.s32 s19, s27;
	s17 =	smul.u32 s17, s20  }
0x52: {  	[tilespmem:s18+$0x3060 ss:$0x81] =	vst.msk $0xffff, v62;
	s19 =	sadd.s32 s2, s30;
	s16 =	sshll.u32 s16, $0x4  }
0x53: {  	s31 =	sand.u32 $0x7, s9;
	[tilespmem:s18+$0x0 ss:$0x81] =	vst.msk $0xffff, v63;
	s17 =	sand.u32 $0x3FFFFFFF, s17;
	s16 =	sadd.s32 s16, s19  }
0x54: {  	[hbm4b:s16+s31] =	stream.linear.scatter [tilespmem:s15], [sflag:$0x2], s17, $0x20;
	[tilespmem:$0x10100] =	vst v63  }
.LBB1_6:
0x55: {  	_ =	sfence.sel $0x180000  }
0x56: {  	s2 =	simm.s32 $0x1;
	[bflag:$0x0] =	sbarrier.arrive $0xFFFF  }
0x57: {  	s31 =	simm.s32 $0x2;
	[sflag:s2] =	ssyncpa.u1 $0x1  }
0x58: {  	[sflag:s31] =	ssyncpa.u1 $0x1  }
0x59: {  	p0 =	sne.s32 s1, $0x0;
	_ =	strace $0x9000004A  }
0x5a: {  	s0 =	sadd.s32 @!p0 $0x100000, s0;
	[bflag:$0x2] =	sbarrier.arrive $0xFFFF  }
0x5b: {  	[sflag:s0] =	ssyncadd.tile.s32 @!p0 $0x1;
	_ =	shalt  }
.Lfunc_end1:
_tile_overlayer_lowered:
.L_overlay_start_2:
0x5c: {  	(tag) =	ssettag $0x2  }
0x5d: {  	s0 =	rddreg [dreg:$0x0];
	s2 =	stileid.u32  }
0x5e: {  	s1 =	rddreg [dreg:$0x1];
	p0 =	sne.s32 s2, $0x0  }
0x5f: {  	s3 =	rddreg [dreg:$0x2];
	[bflag:$0x3] =	sbarrier.arrive $0xFFFF;
	s2 =	simm.s32 @!p0 $0x1C01  }
0x60: {  	[timem:s3], [sflag:s2] =	dma.local @!p0 [hbm:s0], s1  }
0x61: {  	s0 =	simm.s32 @!p0 $0x1  }
0x62: {  	_ =	swait.ge @!p0 [sflag:s0], s1  }
0x63: {  	s1 =	ssub.s32 @!p0 $0x0, s1;
	[sflag:s0] =	ssyncset.done @!p0 $0x0  }
0x64: {  	[sflag:s0] =	ssyncadd.s32 @!p0 s1  }
0x65: {  	[bflag:$0x3] =	sbarrier.arrive $0xFFFF  }
0x66: {  	_ =	shalt  }

</sc_bundles>
